<compile_context>
chip_gen: v7x
topology: tpu7x:2x2x1
jax: 0.10.2.dev20260603
libtpu: 0.0.44.dev20260713+nightly
codegen_flags: <defaults>
</compile_context>

<pallas_src>
import functools

import jax
import jax.numpy as jnp
from jax import lax
from jax.experimental import pallas as pl
from jax.experimental.pallas import tpu as pltpu
from jax.experimental.pallas import tpu_sc as plsc

_B = 4096
_N = 65536
_D = 256
_K = 8

_BQ = 1024
_BK = 2048
_CB = 128
_NB = _N // _CB
_NBT = _BK // _CB
_BIG_I = 2 ** 30


def _select_top8(values, ids, k_top):
    vs, is_ = [], []
    for _ in range(k_top):
        m = jnp.max(values, axis=1, keepdims=True)
        sel = jnp.where(values == m, ids, _BIG_I)
        mi = jnp.min(sel, axis=1, keepdims=True)
        vs.append(m)
        is_.append(mi)
        values = jnp.where(ids == mi, -jnp.inf, values)
    return jnp.concatenate(vs, axis=1), jnp.concatenate(is_, axis=1)



def _sim_kernel(q_ref, k_ref, sim_ref, bm_ref):
    q = q_ref[...]
    qn = q / jnp.clip(jnp.sqrt(jnp.sum(q * q, axis=1, keepdims=True)), 1e-12)
    kb = k_ref[...]
    kn = kb / jnp.clip(jnp.sqrt(jnp.sum(kb * kb, axis=1, keepdims=True)),
                       1e-12)
    s = lax.dot_general(qn, kn, (((1,), (1,)), ((), ())),
                        preferred_element_type=jnp.float32)
    sim_ref[...] = s
    bm = jnp.max(s.reshape(_BQ, _NBT, _CB), axis=2)
    bm_ref[...] = bm.reshape(1, _BQ, _NBT)


def _sim_call(query, key_matrix):
    grid = (_B // _BQ, _N // _BK)
    return pl.pallas_call(
        _sim_kernel,
        grid=grid,
        in_specs=[
            pl.BlockSpec((_BQ, _D), lambda i, k: (i, 0)),
            pl.BlockSpec((_BK, _D), lambda i, k: (k, 0)),
        ],
        out_specs=[
            pl.BlockSpec((_BQ, _BK), lambda i, k: (i, k)),
            pl.BlockSpec((1, _BQ, _NBT), lambda i, k: (k, i, 0)),
        ],
        out_shape=[
            jax.ShapeDtypeStruct((_B, _N), jnp.float32),
            jax.ShapeDtypeStruct((_N // _BK, _B, _NBT), jnp.float32),
        ],
        compiler_params=pltpu.CompilerParams(
            dimension_semantics=("parallel", "arbitrary")),
    )(query, key_matrix)



def _blocksel_kernel(bm_ref, bid_ref):
    bm = bm_ref[...]
    ids = lax.broadcasted_iota(jnp.int32, (_BQ, _NB), 1)
    _, bi = _select_top8(bm, ids, _K)
    bid_ref[...] = bi


def _blocksel_call(blockmax):
    return pl.pallas_call(
        _blocksel_kernel,
        grid=(_B // _BQ,),
        in_specs=[pl.BlockSpec((_BQ, _NB), lambda i: (i, 0))],
        out_specs=pl.BlockSpec((_BQ, _K), lambda i: (i, 0)),
        out_shape=jax.ShapeDtypeStruct((_B, _K), jnp.int32),
    )(blockmax)



_QW = _B // 32
_QC = 16


def _compact_body(sim_hbm, gidx_hbm, out_hbm, idx_v, rows_v, sem):
    wid = lax.axis_index("s") * 2 + lax.axis_index("c")

    def chunk_body(t, carry):
        base_q = wid * _QW + t * _QC
        pltpu.sync_copy(gidx_hbm.at[pl.ds(base_q * _K, _QC * _K)], idx_v)
        pltpu.async_copy(sim_hbm.at[idx_v], rows_v, sem).wait()
        pltpu.sync_copy(rows_v, out_hbm.at[pl.ds(base_q * _K, _QC * _K)])
        return carry

    lax.fori_loop(0, _QW // _QC, chunk_body, 0)


def _compact_call(sim_rows, gidx_flat):
    mesh = plsc.VectorSubcoreMesh(core_axis_name="c", subcore_axis_name="s")
    kfn = functools.partial(
        pl.kernel,
        mesh=mesh,
        out_type=jax.ShapeDtypeStruct((_B * _K, _CB), jnp.float32),
        scratch_types=[
            pltpu.VMEM((_QC * _K,), jnp.int32),
            pltpu.VMEM((_QC * _K, _CB), jnp.float32),
            pltpu.SemaphoreType.DMA,
        ],
    )(_compact_body)
    return kfn(sim_rows, gidx_flat)



def _final_kernel(cand_ref, bid_ref, w_ref, i_ref):
    c = cand_ref[...]
    bid = bid_ref[...]
    colid = (bid[:, :, None] * _CB
             + lax.broadcasted_iota(jnp.int32, (_BQ, _K, _CB), 2))
    colid = colid.reshape(_BQ, _K * _CB)
    nv, ni = _select_top8(c, colid, _K)
    m = jnp.max(nv, axis=1, keepdims=True)
    e = jnp.exp(nv - m)
    w_ref[...] = e / jnp.sum(e, axis=1, keepdims=True)
    i_ref[...] = ni


def _final_call(cand, blockid):
    return pl.pallas_call(
        _final_kernel,
        grid=(_B // _BQ,),
        in_specs=[
            pl.BlockSpec((_BQ, _K * _CB), lambda i: (i, 0)),
            pl.BlockSpec((_BQ, _K), lambda i: (i, 0)),
        ],
        out_specs=[
            pl.BlockSpec((_BQ, _K), lambda i: (i, 0)),
            pl.BlockSpec((_BQ, _K), lambda i: (i, 0)),
        ],
        out_shape=[
            jax.ShapeDtypeStruct((_B, _K), jnp.float32),
            jax.ShapeDtypeStruct((_B, _K), jnp.int32),
        ],
    )(cand, blockid)



def _gather_body(val_hbm, idx_hbm, w_hbm, out_hbm, idx_v, w_v, rows_v, out_v,
                 sem):
    wid = lax.axis_index("s") * 2 + lax.axis_index("c")

    def chunk_body(t, carry):
        base_q = wid * _QW + t * _QC
        pltpu.sync_copy(idx_hbm.at[pl.ds(base_q * _K, _QC * _K)], idx_v)
        pltpu.sync_copy(w_hbm.at[pl.ds(base_q * _K, _QC * _K), :], w_v)
        pltpu.async_copy(val_hbm.at[idx_v], rows_v, sem).wait()

        def q_body(qq, c2):
            wvs = [w_v[qq * _K + j, :] for j in range(_K)]
            for c in range(_D // 16):
                acc = wvs[0] * rows_v[qq * _K, pl.ds(c * 16, 16)]
                for j in range(1, _K):
                    acc = acc + wvs[j] * rows_v[qq * _K + j, pl.ds(c * 16, 16)]
                out_v[qq, pl.ds(c * 16, 16)] = acc
            return c2

        lax.fori_loop(0, _QC, q_body, 0)
        pltpu.sync_copy(out_v, out_hbm.at[pl.ds(base_q, _QC)])
        return carry

    lax.fori_loop(0, _QW // _QC, chunk_body, 0)


def _gather_call(val_matrix, idx_flat, w_wide):
    mesh = plsc.VectorSubcoreMesh(core_axis_name="c", subcore_axis_name="s")
    kfn = functools.partial(
        pl.kernel,
        mesh=mesh,
        out_type=jax.ShapeDtypeStruct((_B, _D), jnp.float32),
        scratch_types=[
            pltpu.VMEM((_QC * _K,), jnp.int32),
            pltpu.VMEM((_QC * _K, 16), jnp.float32),
            pltpu.VMEM((_QC * _K, _D), jnp.float32),
            pltpu.VMEM((_QC, _D), jnp.float32),
            pltpu.SemaphoreType.DMA,
        ],
    )(_gather_body)
    return kfn(val_matrix, idx_flat, w_wide)



def kernel(query, key_matrix, val_matrix):
    sim, bm3 = _sim_call(query, key_matrix)
    blockmax = bm3.transpose(1, 0, 2).reshape(_B, _NB)
    blockid = _blocksel_call(blockmax)

    rowid = lax.broadcasted_iota(jnp.int32, (_B, _K), 0)
    gidx = (rowid * _NB + blockid).reshape(-1)
    cand = _compact_call(sim.reshape(_B * _NB, _CB), gidx)

    w, i = _final_call(cand.reshape(_B, _K * _CB), blockid)

    w_wide = jnp.broadcast_to(w.reshape(_B * _K, 1), (_B * _K, 16))
    return _gather_call(val_matrix, i.reshape(-1), w_wide)

# --- scband reference (transcript-rebuilt; emitter-appended) ---
"""Pipeline reference for scband-residual-cache-54958401520013 (READ-ONLY COPY).

The authoritative reference and input builder live on the scoring server;
editing this copy changes nothing except your own understanding.
"""

import jax, jax.numpy as jnp
import numpy as np

BATCH = 4096
MODEL_DIM = 256
K = 8
MAX_ENTRIES = 65536


def _l2_normalize(x):
    # matches torch.nn.functional.normalize(x, dim=-1) with eps=1e-12
    norm = jnp.linalg.norm(x, axis=-1, keepdims=True)
    return x / jnp.clip(norm, 1e-12)


def setup_inputs(seed: int = 0) -> dict:
    key = jax.random.key(seed)
    k1, k2, k3 = jax.random.split(key, 3)
    query = jax.random.normal(k1, (BATCH, MODEL_DIM), dtype=jnp.float32)
    key_matrix = jax.random.normal(k2, (MAX_ENTRIES, MODEL_DIM), dtype=jnp.float32)
    val_matrix = jax.random.normal(k3, (MAX_ENTRIES, MODEL_DIM), dtype=jnp.float32)
    return {"query": query, "key_matrix": key_matrix, "val_matrix": val_matrix}


def reference(query, key_matrix, val_matrix):
    batch_size = query.shape[0]
    # query.detach() in torch -> stop_gradient in jax
    q = jax.lax.stop_gradient(query)
    query_norm = _l2_normalize(q)
    key_norm = _l2_normalize(key_matrix)
    sim = jnp.matmul(query_norm, key_norm.T)
    actual_k = min(K, sim.shape[1])
    topk_sim, topk_idx = jax.lax.top_k(sim, actual_k)
    weights = jax.nn.softmax(topk_sim, axis=-1)
    topk_vals = jnp.take(val_matrix, topk_idx.reshape(-1), axis=0).reshape(
        batch_size, actual_k, MODEL_DIM
    )
    result = jnp.sum(weights[..., None] * topk_vals, axis=1)
    return result

if __name__ == "__main__":
    import jax
    _d = setup_inputs()
    print(jax.jit(kernel)(*tuple(_d.values())))

</pallas_src>

<mosaic_0001>
#map = affine_map<(d0, d1) -> (0, 0)>
#map1 = affine_map<(d0, d1) -> (0)>
module attributes {stable_mosaic.version = 14 : i64} {
  func.func @_gather_body(%arg0: i32, %arg1: i32, %arg2: memref<65536x256xf32, #tpu.memory_space<hbm>>, %arg3: memref<32768xi32, #tpu.memory_space<hbm>>, %arg4: memref<32768x16xf32, #tpu.memory_space<hbm>>, %arg5: memref<4096x256xf32, #tpu.memory_space<hbm>>, %arg6: memref<128xi32, #tpu.memory_space<vmem>>, %arg7: memref<128x16xf32, #tpu.memory_space<vmem>>, %arg8: memref<128x256xf32, #tpu.memory_space<vmem>>, %arg9: memref<16x256xf32, #tpu.memory_space<vmem>>, %arg10: memref<!tpu.dma_semaphore, #tpu.memory_space<semaphore_mem>>) attributes {dimension_semantics = [#tpu.dimension_semantics<core_parallel>, #tpu.dimension_semantics<subcore_parallel>], iteration_bounds = array<i64: 2, 16>, scalar_prefetch = 0 : i64, scratch_operands = 5 : i64, tpu.core_type = #tpu.core_type<sc_vector_subcore>, window_params = [{transform_indices = #map}, {transform_indices = #map1}, {transform_indices = #map}, {transform_indices = #map}]} {
    %mul3A = arith.constant 2 : i32
    %mul3A_0 = arith.muli %arg1, %mul3A : i32
    %add3A = arith.addi %mul3A_0, %arg0 : i32
    %scan3A = arith.constant 0 : i32
    %scan3A_1 = arith.constant 0 : i32
    %scan3A_2 = arith.constant 8 : i32
    %scan3A_3 = arith.addi %scan3A_1, %scan3A_2 : i32
    %scan3A_4 = arith.constant 1 : i32
    scf.for %scan3A_6 = %scan3A_1 to %scan3A_3 step %scan3A_4  : i32 {
      %mul3A_7 = arith.constant 128 : i32
      %mul3A_8 = arith.muli %add3A, %mul3A_7 : i32
      %mul3A_9 = arith.constant 16 : i32
      %mul3A_10 = arith.muli %scan3A_6, %mul3A_9 : i32
      %add3A_11 = arith.addi %mul3A_8, %mul3A_10 : i32
      %mul3A_12 = arith.constant 8 : i32
      %mul3A_13 = arith.muli %add3A_11, %mul3A_12 : i32
      "tpu.region"() ({
        %run_scoped3A = tpu.sem_alloc : memref<!tpu.dma_semaphore, #tpu.memory_space<semaphore_mem>>
        %dma_start3A_26 = tpu.memref_slice %arg3[%mul3A_13] : memref<32768xi32, #tpu.memory_space<hbm>> -> memref<128xi32, #tpu.memory_space<hbm>>
        %dma_start3A_27 = tpu.memref_slice %arg3[%mul3A_13] : memref<32768xi32, #tpu.memory_space<hbm>> -> memref<128xi32, #tpu.memory_space<hbm>>
        tpu.enqueue_dma source(%dma_start3A_27 : memref<128xi32, #tpu.memory_space<hbm>>) target(%arg6 : memref<128xi32, #tpu.memory_space<vmem>>) target_semaphore(%run_scoped3A : memref<!tpu.dma_semaphore, #tpu.memory_space<semaphore_mem>>)
        %dma_wait3A_28 = tpu.memref_slice %arg3[%mul3A_13] : memref<32768xi32, #tpu.memory_space<hbm>> -> memref<128xi32, #tpu.memory_space<hbm>>
        %dma_wait3A_29 = tpu.memref_slice %arg3[%mul3A_13] : memref<32768xi32, #tpu.memory_space<hbm>> -> memref<128xi32, #tpu.memory_space<hbm>>
        tpu.wait_dma2 semaphore(%run_scoped3A : memref<!tpu.dma_semaphore, #tpu.memory_space<semaphore_mem>>) src(%dma_wait3A_29 : memref<128xi32, #tpu.memory_space<hbm>>) dst(%arg6 : memref<128xi32, #tpu.memory_space<vmem>>)
        tpu.yield
      }) : () -> ()
      %mul3A_14 = arith.constant 8 : i32
      %mul3A_15 = arith.muli %add3A_11, %mul3A_14 : i32
      "tpu.region"() ({
        %run_scoped3A = tpu.sem_alloc : memref<!tpu.dma_semaphore, #tpu.memory_space<semaphore_mem>>
        %dma_start3A_26 = arith.constant 0 : i32
        %dma_start3A_27 = tpu.memref_slice %arg4[%mul3A_15, %dma_start3A_26] : memref<32768x16xf32, #tpu.memory_space<hbm>> -> memref<128x16xf32, #tpu.memory_space<hbm>>
        %dma_start3A_28 = arith.constant 0 : i32
        %dma_start3A_29 = tpu.memref_slice %arg4[%mul3A_15, %dma_start3A_28] : memref<32768x16xf32, #tpu.memory_space<hbm>> -> memref<128x16xf32, #tpu.memory_space<hbm>>
        tpu.enqueue_dma source(%dma_start3A_29 : memref<128x16xf32, #tpu.memory_space<hbm>>) target(%arg7 : memref<128x16xf32, #tpu.memory_space<vmem>>) target_semaphore(%run_scoped3A : memref<!tpu.dma_semaphore, #tpu.memory_space<semaphore_mem>>)
        %dma_wait3A_30 = arith.constant 0 : i32
        %dma_wait3A_31 = tpu.memref_slice %arg4[%mul3A_15, %dma_wait3A_30] : memref<32768x16xf32, #tpu.memory_space<hbm>> -> memref<128x16xf32, #tpu.memory_space<hbm>>
        %dma_wait3A_32 = arith.constant 0 : i32
        %dma_wait3A_33 = tpu.memref_slice %arg4[%mul3A_15, %dma_wait3A_32] : memref<32768x16xf32, #tpu.memory_space<hbm>> -> memref<128x16xf32, #tpu.memory_space<hbm>>
        tpu.wait_dma2 semaphore(%run_scoped3A : memref<!tpu.dma_semaphore, #tpu.memory_space<semaphore_mem>>) src(%dma_wait3A_33 : memref<128x16xf32, #tpu.memory_space<hbm>>) dst(%arg7 : memref<128x16xf32, #tpu.memory_space<vmem>>)
        tpu.yield
      }) : () -> ()
      %dma_start3A = arith.constant 0 : i32
      %dma_start3A_16 = arith.constant 0 : i32
      %dma_start3A_17 = tpu.memref_slice %arg2[%dma_start3A, %dma_start3A_16] : memref<65536x256xf32, #tpu.memory_space<hbm>> -> memref<65536x256xf32, #tpu.memory_space<hbm>>
      tpu.enqueue_indirect_dma source(%dma_start3A_17 : memref<65536x256xf32, #tpu.memory_space<hbm>>) target(%arg8 : memref<128x256xf32, #tpu.memory_space<vmem>>) offsets(%arg6 : memref<128xi32, #tpu.memory_space<vmem>>) semaphore(%arg10 : memref<!tpu.dma_semaphore, #tpu.memory_space<semaphore_mem>>)
      %dma_wait3A = arith.constant 0 : i32
      %dma_wait3A_18 = arith.constant 0 : i32
      %dma_wait3A_19 = tpu.memref_slice %arg2[%dma_wait3A, %dma_wait3A_18] : memref<65536x256xf32, #tpu.memory_space<hbm>> -> memref<65536x256xf32, #tpu.memory_space<hbm>>
      tpu.wait_indirect_dma semaphore(%arg10 : memref<!tpu.dma_semaphore, #tpu.memory_space<semaphore_mem>>) src(%dma_wait3A_19 : memref<65536x256xf32, #tpu.memory_space<hbm>>) dst(%arg8 : memref<128x256xf32, #tpu.memory_space<vmem>>)
      %scan3A_20 = arith.constant 0 : i32
      %scan3A_21 = arith.constant 0 : i32
      %scan3A_22 = arith.constant 16 : i32
      %scan3A_23 = arith.addi %scan3A_21, %scan3A_22 : i32
      %scan3A_24 = arith.constant 1 : i32
      scf.for %scan3A_26 = %scan3A_21 to %scan3A_23 step %scan3A_24  : i32 {
        %mul3A_27 = arith.constant 8 : i32
        %mul3A_28 = arith.muli %scan3A_26, %mul3A_27 : i32
        %add3A_29 = arith.constant 0 : i32
        %add3A_30 = arith.addi %mul3A_28, %add3A_29 : i32
        %get3A = arith.index_cast %add3A_30 : i32 to index
        %get3A_31 = arith.constant 0 : index
        %get3A_32 = tpu.vector_load %arg7[%get3A, %get3A_31] {strides = array<i32>} : memref<128x16xf32, #tpu.memory_space<vmem>>, vector<1x16xf32>,
        %get3A_33 = vector.shape_cast %get3A_32 : vector<1x16xf32> to vector<16xf32>
        %mul3A_34 = arith.constant 8 : i32
        %mul3A_35 = arith.muli %scan3A_26, %mul3A_34 : i32
        %add3A_36 = arith.constant 1 : i32
        %add3A_37 = arith.addi %mul3A_35, %add3A_36 : i32
        %get3A_38 = arith.index_cast %add3A_37 : i32 to index
        %get3A_39 = arith.constant 0 : index
        %get3A_40 = tpu.vector_load %arg7[%get3A_38, %get3A_39] {strides = array<i32>} : memref<128x16xf32, #tpu.memory_space<vmem>>, vector<1x16xf32>,
        %get3A_41 = vector.shape_cast %get3A_40 : vector<1x16xf32> to vector<16xf32>
        %mul3A_42 = arith.constant 8 : i32
        %mul3A_43 = arith.muli %scan3A_26, %mul3A_42 : i32
        %add3A_44 = arith.constant 2 : i32
        %add3A_45 = arith.addi %mul3A_43, %add3A_44 : i32
        %get3A_46 = arith.index_cast %add3A_45 : i32 to index
        %get3A_47 = arith.constant 0 : index
        %get3A_48 = tpu.vector_load %arg7[%get3A_46, %get3A_47] {strides = array<i32>} : memref<128x16xf32, #tpu.memory_space<vmem>>, vector<1x16xf32>,
        %get3A_49 = vector.shape_cast %get3A_48 : vector<1x16xf32> to vector<16xf32>
        %mul3A_50 = arith.constant 8 : i32
        %mul3A_51 = arith.muli %scan3A_26, %mul3A_50 : i32
        %add3A_52 = arith.constant 3 : i32
        %add3A_53 = arith.addi %mul3A_51, %add3A_52 : i32
        %get3A_54 = arith.index_cast %add3A_53 : i32 to index
        %get3A_55 = arith.constant 0 : index
        %get3A_56 = tpu.vector_load %arg7[%get3A_54, %get3A_55] {strides = array<i32>} : memref<128x16xf32, #tpu.memory_space<vmem>>, vector<1x16xf32>,
        %get3A_57 = vector.shape_cast %get3A_56 : vector<1x16xf32> to vector<16xf32>
        %mul3A_58 = arith.constant 8 : i32
        %mul3A_59 = arith.muli %scan3A_26, %mul3A_58 : i32
        %add3A_60 = arith.constant 4 : i32
        %add3A_61 = arith.addi %mul3A_59, %add3A_60 : i32
        %get3A_62 = arith.index_cast %add3A_61 : i32 to index
        %get3A_63 = arith.constant 0 : index
        %get3A_64 = tpu.vector_load %arg7[%get3A_62, %get3A_63] {strides = array<i32>} : memref<128x16xf32, #tpu.memory_space<vmem>>, vector<1x16xf32>,
        %get3A_65 = vector.shape_cast %get3A_64 : vector<1x16xf32> to vector<16xf32>
        %mul3A_66 = arith.constant 8 : i32
        %mul3A_67 = arith.muli %scan3A_26, %mul3A_66 : i32
        %add3A_68 = arith.constant 5 : i32
        %add3A_69 = arith.addi %mul3A_67, %add3A_68 : i32
        %get3A_70 = arith.index_cast %add3A_69 : i32 to index
        %get3A_71 = arith.constant 0 : index
        %get3A_72 = tpu.vector_load %arg7[%get3A_70, %get3A_71] {strides = array<i32>} : memref<128x16xf32, #tpu.memory_space<vmem>>, vector<1x16xf32>,
        %get3A_73 = vector.shape_cast %get3A_72 : vector<1x16xf32> to vector<16xf32>
        %mul3A_74 = arith.constant 8 : i32
        %mul3A_75 = arith.muli %scan3A_26, %mul3A_74 : i32
        %add3A_76 = arith.constant 6 : i32
        %add3A_77 = arith.addi %mul3A_75, %add3A_76 : i32
        %get3A_78 = arith.index_cast %add3A_77 : i32 to index
        %get3A_79 = arith.constant 0 : index
        %get3A_80 = tpu.vector_load %arg7[%get3A_78, %get3A_79] {strides = array<i32>} : memref<128x16xf32, #tpu.memory_space<vmem>>, vector<1x16xf32>,
        %get3A_81 = vector.shape_cast %get3A_80 : vector<1x16xf32> to vector<16xf32>
        %mul3A_82 = arith.constant 8 : i32
        %mul3A_83 = arith.muli %scan3A_26, %mul3A_82 : i32
        %add3A_84 = arith.constant 7 : i32
        %add3A_85 = arith.addi %mul3A_83, %add3A_84 : i32
        %get3A_86 = arith.index_cast %add3A_85 : i32 to index
        %get3A_87 = arith.constant 0 : index
        %get3A_88 = tpu.vector_load %arg7[%get3A_86, %get3A_87] {strides = array<i32>} : memref<128x16xf32, #tpu.memory_space<vmem>>, vector<1x16xf32>,
        %get3A_89 = vector.shape_cast %get3A_88 : vector<1x16xf32> to vector<16xf32>
        %mul3A_90 = arith.constant 8 : i32
        %mul3A_91 = arith.muli %scan3A_26, %mul3A_90 : i32
        %get3A_92 = arith.index_cast %mul3A_91 : i32 to index
        %get3A_93 = arith.constant 0 : index
        %get3A_94 = tpu.vector_load %arg8[%get3A_92, %get3A_93] {strides = array<i32>} : memref<128x256xf32, #tpu.memory_space<vmem>>, vector<1x16xf32>,
        %get3A_95 = vector.shape_cast %get3A_94 : vector<1x16xf32> to vector<16xf32>
        %mul3A_96 = arith.mulf %get3A_33, %get3A_95 : vector<16xf32>
        %mul3A_97 = arith.constant 8 : i32
        %mul3A_98 = arith.muli %scan3A_26, %mul3A_97 : i32
        %add3A_99 = arith.constant 1 : i32
        %add3A_100 = arith.addi %mul3A_98, %add3A_99 : i32
        %get3A_101 = arith.index_cast %add3A_100 : i32 to index
        %get3A_102 = arith.constant 0 : index
        %get3A_103 = tpu.vector_load %arg8[%get3A_101, %get3A_102] {strides = array<i32>} : memref<128x256xf32, #tpu.memory_space<vmem>>, vector<1x16xf32>,
        %get3A_104 = vector.shape_cast %get3A_103 : vector<1x16xf32> to vector<16xf32>
        %mul3A_105 = arith.mulf %get3A_41, %get3A_104 : vector<16xf32>
        %add3A_106 = arith.addf %mul3A_96, %mul3A_105 : vector<16xf32>
        %mul3A_107 = arith.constant 8 : i32
        %mul3A_108 = arith.muli %scan3A_26, %mul3A_107 : i32
        %add3A_109 = arith.constant 2 : i32
        %add3A_110 = arith.addi %mul3A_108, %add3A_109 : i32
        %get3A_111 = arith.index_cast %add3A_110 : i32 to index
        %get3A_112 = arith.constant 0 : index
        %get3A_113 = tpu.vector_load %arg8[%get3A_111, %get3A_112] {strides = array<i32>} : memref<128x256xf32, #tpu.memory_space<vmem>>, vector<1x16xf32>,
        %get3A_114 = vector.shape_cast %get3A_113 : vector<1x16xf32> to vector<16xf32>
        %mul3A_115 = arith.mulf %get3A_49, %get3A_114 : vector<16xf32>
        %add3A_116 = arith.addf %add3A_106, %mul3A_115 : vector<16xf32>
        %mul3A_117 = arith.constant 8 : i32
        %mul3A_118 = arith.muli %scan3A_26, %mul3A_117 : i32
        %add3A_119 = arith.constant 3 : i32
        %add3A_120 = arith.addi %mul3A_118, %add3A_119 : i32
        %get3A_121 = arith.index_cast %add3A_120 : i32 to index
        %get3A_122 = arith.constant 0 : index
        %get3A_123 = tpu.vector_load %arg8[%get3A_121, %get3A_122] {strides = array<i32>} : memref<128x256xf32, #tpu.memory_space<vmem>>, vector<1x16xf32>,
        %get3A_124 = vector.shape_cast %get3A_123 : vector<1x16xf32> to vector<16xf32>
        %mul3A_125 = arith.mulf %get3A_57, %get3A_124 : vector<16xf32>
        %add3A_126 = arith.addf %add3A_116, %mul3A_125 : vector<16xf32>
        %mul3A_127 = arith.constant 8 : i32
        %mul3A_128 = arith.muli %scan3A_26, %mul3A_127 : i32
        %add3A_129 = arith.constant 4 : i32
        %add3A_130 = arith.addi %mul3A_128, %add3A_129 : i32
        %get3A_131 = arith.index_cast %add3A_130 : i32 to index
        %get3A_132 = arith.constant 0 : index
        %get3A_133 = tpu.vector_load %arg8[%get3A_131, %get3A_132] {strides = array<i32>} : memref<128x256xf32, #tpu.memory_space<vmem>>, vector<1x16xf32>,
        %get3A_134 = vector.shape_cast %get3A_133 : vector<1x16xf32> to vector<16xf32>
        %mul3A_135 = arith.mulf %get3A_65, %get3A_134 : vector<16xf32>
        %add3A_136 = arith.addf %add3A_126, %mul3A_135 : vector<16xf32>
        %mul3A_137 = arith.constant 8 : i32
        %mul3A_138 = arith.muli %scan3A_26, %mul3A_137 : i32
        %add3A_139 = arith.constant 5 : i32
        %add3A_140 = arith.addi %mul3A_138, %add3A_139 : i32
        %get3A_141 = arith.index_cast %add3A_140 : i32 to index
        %get3A_142 = arith.constant 0 : index
        %get3A_143 = tpu.vector_load %arg8[%get3A_141, %get3A_142] {strides = array<i32>} : memref<128x256xf32, #tpu.memory_space<vmem>>, vector<1x16xf32>,
        %get3A_144 = vector.shape_cast %get3A_143 : vector<1x16xf32> to vector<16xf32>
        %mul3A_145 = arith.mulf %get3A_73, %get3A_144 : vector<16xf32>
        %add3A_146 = arith.addf %add3A_136, %mul3A_145 : vector<16xf32>
        %mul3A_147 = arith.constant 8 : i32
        %mul3A_148 = arith.muli %scan3A_26, %mul3A_147 : i32
        %add3A_149 = arith.constant 6 : i32
        %add3A_150 = arith.addi %mul3A_148, %add3A_149 : i32
        %get3A_151 = arith.index_cast %add3A_150 : i32 to index
        %get3A_152 = arith.constant 0 : index
        %get3A_153 = tpu.vector_load %arg8[%get3A_151, %get3A_152] {strides = array<i32>} : memref<128x256xf32, #tpu.memory_space<vmem>>, vector<1x16xf32>,
        %get3A_154 = vector.shape_cast %get3A_153 : vector<1x16xf32> to vector<16xf32>
        %mul3A_155 = arith.mulf %get3A_81, %get3A_154 : vector<16xf32>
        %add3A_156 = arith.addf %add3A_146, %mul3A_155 : vector<16xf32>
        %mul3A_157 = arith.constant 8 : i32
        %mul3A_158 = arith.muli %scan3A_26, %mul3A_157 : i32
        %add3A_159 = arith.constant 7 : i32
        %add3A_160 = arith.addi %mul3A_158, %add3A_159 : i32
        %get3A_161 = arith.index_cast %add3A_160 : i32 to index
        %get3A_162 = arith.constant 0 : index
        %get3A_163 = tpu.vector_load %arg8[%get3A_161, %get3A_162] {strides = array<i32>} : memref<128x256xf32, #tpu.memory_space<vmem>>, vector<1x16xf32>,
        %get3A_164 = vector.shape_cast %get3A_163 : vector<1x16xf32> to vector<16xf32>
        %mul3A_165 = arith.mulf %get3A_89, %get3A_164 : vector<16xf32>
        %add3A_166 = arith.addf %add3A_156, %mul3A_165 : vector<16xf32>
        %swap3A = arith.index_cast %scan3A_26 : i32 to index
        %swap3A_167 = arith.constant 0 : index
        %swap3A_168 = tpu.vector_load %arg9[%swap3A, %swap3A_167] {strides = array<i32>} : memref<16x256xf32, #tpu.memory_space<vmem>>, vector<1x16xf32>,
        %swap3A_169 = vector.shape_cast %swap3A_168 : vector<1x16xf32> to vector<16xf32>
        %swap3A_170 = vector.shape_cast %add3A_166 : vector<16xf32> to vector<1x16xf32>
        tpu.vector_store %arg9[%swap3A, %swap3A_167], %swap3A_170 {strides = array<i32>} : memref<16x256xf32, #tpu.memory_space<vmem>>, vector<1x16xf32>,
        %mul3A_171 = arith.constant 8 : i32
        %mul3A_172 = arith.muli %scan3A_26, %mul3A_171 : i32
        %get3A_173 = arith.index_cast %mul3A_172 : i32 to index
        %get3A_174 = arith.constant 16 : index
        %get3A_175 = tpu.vector_load %arg8[%get3A_173, %get3A_174] {strides = array<i32>} : memref<128x256xf32, #tpu.memory_space<vmem>>, vector<1x16xf32>,
        %get3A_176 = vector.shape_cast %get3A_175 : vector<1x16xf32> to vector<16xf32>
        %mul3A_177 = arith.mulf %get3A_33, %get3A_176 : vector<16xf32>
        %mul3A_178 = arith.constant 8 : i32
        %mul3A_179 = arith.muli %scan3A_26, %mul3A_178 : i32
        %add3A_180 = arith.constant 1 : i32
        %add3A_181 = arith.addi %mul3A_179, %add3A_180 : i32
        %get3A_182 = arith.index_cast %add3A_181 : i32 to index
        %get3A_183 = arith.constant 16 : index
        %get3A_184 = tpu.vector_load %arg8[%get3A_182, %get3A_183] {strides = array<i32>} : memref<128x256xf32, #tpu.memory_space<vmem>>, vector<1x16xf32>,
        %get3A_185 = vector.shape_cast %get3A_184 : vector<1x16xf32> to vector<16xf32>
        %mul3A_186 = arith.mulf %get3A_41, %get3A_185 : vector<16xf32>
        %add3A_187 = arith.addf %mul3A_177, %mul3A_186 : vector<16xf32>
        %mul3A_188 = arith.constant 8 : i32
        %mul3A_189 = arith.muli %scan3A_26, %mul3A_188 : i32
        %add3A_190 = arith.constant 2 : i32
        %add3A_191 = arith.addi %mul3A_189, %add3A_190 : i32
        %get3A_192 = arith.index_cast %add3A_191 : i32 to index
        %get3A_193 = arith.constant 16 : index
        %get3A_194 = tpu.vector_load %arg8[%get3A_192, %get3A_193] {strides = array<i32>} : memref<128x256xf32, #tpu.memory_space<vmem>>, vector<1x16xf32>,
        %get3A_195 = vector.shape_cast %get3A_194 : vector<1x16xf32> to vector<16xf32>
        %mul3A_196 = arith.mulf %get3A_49, %get3A_195 : vector<16xf32>
        %add3A_197 = arith.addf %add3A_187, %mul3A_196 : vector<16xf32>
        %mul3A_198 = arith.constant 8 : i32
        %mul3A_199 = arith.muli %scan3A_26, %mul3A_198 : i32
        %add3A_200 = arith.constant 3 : i32
        %add3A_201 = arith.addi %mul3A_199, %add3A_200 : i32
        %get3A_202 = arith.index_cast %add3A_201 : i32 to index
        %get3A_203 = arith.constant 16 : index
        %get3A_204 = tpu.vector_load %arg8[%get3A_202, %get3A_203] {strides = array<i32>} : memref<128x256xf32, #tpu.memory_space<vmem>>, vector<1x16xf32>,
        %get3A_205 = vector.shape_cast %get3A_204 : vector<1x16xf32> to vector<16xf32>
        %mul3A_206 = arith.mulf %get3A_57, %get3A_205 : vector<16xf32>
        %add3A_207 = arith.addf %add3A_197, %mul3A_206 : vector<16xf32>
        %mul3A_208 = arith.constant 8 : i32
        %mul3A_209 = arith.muli %scan3A_26, %mul3A_208 : i32
        %add3A_210 = arith.constant 4 : i32
        %add3A_211 = arith.addi %mul3A_209, %add3A_210 : i32
        %get3A_212 = arith.index_cast %add3A_211 : i32 to index
        %get3A_213 = arith.constant 16 : index
        %get3A_214 = tpu.vector_load %arg8[%get3A_212, %get3A_213] {strides = array<i32>} : memref<128x256xf32, #tpu.memory_space<vmem>>, vector<1x16xf32>,
        %get3A_215 = vector.shape_cast %get3A_214 : vector<1x16xf32> to vector<16xf32>
        %mul3A_216 = arith.mulf %get3A_65, %get3A_215 : vector<16xf32>
        %add3A_217 = arith.addf %add3A_207, %mul3A_216 : vector<16xf32>
        %mul3A_218 = arith.constant 8 : i32
        %mul3A_219 = arith.muli %scan3A_26, %mul3A_218 : i32
        %add3A_220 = arith.constant 5 : i32
        %add3A_221 = arith.addi %mul3A_219, %add3A_220 : i32
        %get3A_222 = arith.index_cast %add3A_221 : i32 to index
        %get3A_223 = arith.constant 16 : index
        %get3A_224 = tpu.vector_load %arg8[%get3A_222, %get3A_223] {strides = array<i32>} : memref<128x256xf32, #tpu.memory_space<vmem>>, vector<1x16xf32>,
        %get3A_225 = vector.shape_cast %get3A_224 : vector<1x16xf32> to vector<16xf32>
        %mul3A_226 = arith.mulf %get3A_73, %get3A_225 : vector<16xf32>
        %add3A_227 = arith.addf %add3A_217, %mul3A_226 : vector<16xf32>
        %mul3A_228 = arith.constant 8 : i32
        %mul3A_229 = arith.muli %scan3A_26, %mul3A_228 : i32
        %add3A_230 = arith.constant 6 : i32
        %add3A_231 = arith.addi %mul3A_229, %add3A_230 : i32
        %get3A_232 = arith.index_cast %add3A_231 : i32 to index
        %get3A_233 = arith.constant 16 : index
        %get3A_234 = tpu.vector_load %arg8[%get3A_232, %get3A_233] {strides = array<i32>} : memref<128x256xf32, #tpu.memory_space<vmem>>, vector<1x16xf32>,
        %get3A_235 = vector.shape_cast %get3A_234 : vector<1x16xf32> to vector<16xf32>
        %mul3A_236 = arith.mulf %get3A_81, %get3A_235 : vector<16xf32>
        %add3A_237 = arith.addf %add3A_227, %mul3A_236 : vector<16xf32>
        %mul3A_238 = arith.constant 8 : i32
        %mul3A_239 = arith.muli %scan3A_26, %mul3A_238 : i32
        %add3A_240 = arith.constant 7 : i32
        %add3A_241 = arith.addi %mul3A_239, %add3A_240 : i32
        %get3A_242 = arith.index_cast %add3A_241 : i32 to index
        %get3A_243 = arith.constant 16 : index
        %get3A_244 = tpu.vector_load %arg8[%get3A_242, %get3A_243] {strides = array<i32>} : memref<128x256xf32, #tpu.memory_space<vmem>>, vector<1x16xf32>,
        %get3A_245 = vector.shape_cast %get3A_244 : vector<1x16xf32> to vector<16xf32>
        %mul3A_246 = arith.mulf %get3A_89, %get3A_245 : vector<16xf32>
        %add3A_247 = arith.addf %add3A_237, %mul3A_246 : vector<16xf32>
        %swap3A_248 = arith.index_cast %scan3A_26 : i32 to index
        %swap3A_249 = arith.constant 16 : index
        %swap3A_250 = tpu.vector_load %arg9[%swap3A_248, %swap3A_249] {strides = array<i32>} : memref<16x256xf32, #tpu.memory_space<vmem>>, vector<1x16xf32>,
        %swap3A_251 = vector.shape_cast %swap3A_250 : vector<1x16xf32> to vector<16xf32>
        %swap3A_252 = vector.shape_cast %add3A_247 : vector<16xf32> to vector<1x16xf32>
        tpu.vector_store %arg9[%swap3A_248, %swap3A_249], %swap3A_252 {strides = array<i32>} : memref<16x256xf32, #tpu.memory_space<vmem>>, vector<1x16xf32>,
        %mul3A_253 = arith.constant 8 : i32
        %mul3A_254 = arith.muli %scan3A_26, %mul3A_253 : i32
        %get3A_255 = arith.index_cast %mul3A_254 : i32 to index
        %get3A_256 = arith.constant 32 : index
        %get3A_257 = tpu.vector_load %arg8[%get3A_255, %get3A_256] {strides = array<i32>} : memref<128x256xf32, #tpu.memory_space<vmem>>, vector<1x16xf32>,
        %get3A_258 = vector.shape_cast %get3A_257 : vector<1x16xf32> to vector<16xf32>
        %mul3A_259 = arith.mulf %get3A_33, %get3A_258 : vector<16xf32>
        %mul3A_260 = arith.constant 8 : i32
        %mul3A_261 = arith.muli %scan3A_26, %mul3A_260 : i32
        %add3A_262 = arith.constant 1 : i32
        %add3A_263 = arith.addi %mul3A_261, %add3A_262 : i32
        %get3A_264 = arith.index_cast %add3A_263 : i32 to index
        %get3A_265 = arith.constant 32 : index
        %get3A_266 = tpu.vector_load %arg8[%get3A_264, %get3A_265] {strides = array<i32>} : memref<128x256xf32, #tpu.memory_space<vmem>>, vector<1x16xf32>,
        %get3A_267 = vector.shape_cast %get3A_266 : vector<1x16xf32> to vector<16xf32>
        %mul3A_268 = arith.mulf %get3A_41, %get3A_267 : vector<16xf32>
        %add3A_269 = arith.addf %mul3A_259, %mul3A_268 : vector<16xf32>
        %mul3A_270 = arith.constant 8 : i32
        %mul3A_271 = arith.muli %scan3A_26, %mul3A_270 : i32
        %add3A_272 = arith.constant 2 : i32
        %add3A_273 = arith.addi %mul3A_271, %add3A_272 : i32
        %get3A_274 = arith.index_cast %add3A_273 : i32 to index
        %get3A_275 = arith.constant 32 : index
        %get3A_276 = tpu.vector_load %arg8[%get3A_274, %get3A_275] {strides = array<i32>} : memref<128x256xf32, #tpu.memory_space<vmem>>, vector<1x16xf32>,
        %get3A_277 = vector.shape_cast %get3A_276 : vector<1x16xf32> to vector<16xf32>
        %mul3A_278 = arith.mulf %get3A_49, %get3A_277 : vector<16xf32>
        %add3A_279 = arith.addf %add3A_269, %mul3A_278 : vector<16xf32>
        %mul3A_280 = arith.constant 8 : i32
        %mul3A_281 = arith.muli %scan3A_26, %mul3A_280 : i32
        %add3A_282 = arith.constant 3 : i32
        %add3A_283 = arith.addi %mul3A_281, %add3A_282 : i32
        %get3A_284 = arith.index_cast %add3A_283 : i32 to index
        %get3A_285 = arith.constant 32 : index
        %get3A_286 = tpu.vector_load %arg8[%get3A_284, %get3A_285] {strides = array<i32>} : memref<128x256xf32, #tpu.memory_space<vmem>>, vector<1x16xf32>,
        %get3A_287 = vector.shape_cast %get3A_286 : vector<1x16xf32> to vector<16xf32>
        %mul3A_288 = arith.mulf %get3A_57, %get3A_287 : vector<16xf32>
        %add3A_289 = arith.addf %add3A_279, %mul3A_288 : vector<16xf32>
        %mul3A_290 = arith.constant 8 : i32
        %mul3A_291 = arith.muli %scan3A_26, %mul3A_290 : i32
        %add3A_292 = arith.constant 4 : i32
        %add3A_293 = arith.addi %mul3A_291, %add3A_292 : i32
        %get3A_294 = arith.index_cast %add3A_293 : i32 to index
        %get3A_295 = arith.constant 32 : index
        %get3A_296 = tpu.vector_load %arg8[%get3A_294, %get3A_295] {strides = array<i32>} : memref<128x256xf32, #tpu.memory_space<vmem>>, vector<1x16xf32>,
        %get3A_297 = vector.shape_cast %get3A_296 : vector<1x16xf32> to vector<16xf32>
        %mul3A_298 = arith.mulf %get3A_65, %get3A_297 : vector<16xf32>
        %add3A_299 = arith.addf %add3A_289, %mul3A_298 : vector<16xf32>
        %mul3A_300 = arith.constant 8 : i32
        %mul3A_301 = arith.muli %scan3A_26, %mul3A_300 : i32
        %add3A_302 = arith.constant 5 : i32
        %add3A_303 = arith.addi %mul3A_301, %add3A_302 : i32
        %get3A_304 = arith.index_cast %add3A_303 : i32 to index
        %get3A_305 = arith.constant 32 : index
        %get3A_306 = tpu.vector_load %arg8[%get3A_304, %get3A_305] {strides = array<i32>} : memref<128x256xf32, #tpu.memory_space<vmem>>, vector<1x16xf32>,
        %get3A_307 = vector.shape_cast %get3A_306 : vector<1x16xf32> to vector<16xf32>
        %mul3A_308 = arith.mulf %get3A_73, %get3A_307 : vector<16xf32>
        %add3A_309 = arith.addf %add3A_299, %mul3A_308 : vector<16xf32>
        %mul3A_310 = arith.constant 8 : i32
        %mul3A_311 = arith.muli %scan3A_26, %mul3A_310 : i32
        %add3A_312 = arith.constant 6 : i32
        %add3A_313 = arith.addi %mul3A_311, %add3A_312 : i32
        %get3A_314 = arith.index_cast %add3A_313 : i32 to index
        %get3A_315 = arith.constant 32 : index
        %get3A_316 = tpu.vector_load %arg8[%get3A_314, %get3A_315] {strides = array<i32>} : memref<128x256xf32, #tpu.memory_space<vmem>>, vector<1x16xf32>,
        %get3A_317 = vector.shape_cast %get3A_316 : vector<1x16xf32> to vector<16xf32>
        %mul3A_318 = arith.mulf %get3A_81, %get3A_317 : vector<16xf32>
        %add3A_319 = arith.addf %add3A_309, %mul3A_318 : vector<16xf32>
        %mul3A_320 = arith.constant 8 : i32
        %mul3A_321 = arith.muli %scan3A_26, %mul3A_320 : i32
        %add3A_322 = arith.constant 7 : i32
        %add3A_323 = arith.addi %mul3A_321, %add3A_322 : i32
        %get3A_324 = arith.index_cast %add3A_323 : i32 to index
        %get3A_325 = arith.constant 32 : index
        %get3A_326 = tpu.vector_load %arg8[%get3A_324, %get3A_325] {strides = array<i32>} : memref<128x256xf32, #tpu.memory_space<vmem>>, vector<1x16xf32>,
        %get3A_327 = vector.shape_cast %get3A_326 : vector<1x16xf32> to vector<16xf32>
        %mul3A_328 = arith.mulf %get3A_89, %get3A_327 : vector<16xf32>
        %add3A_329 = arith.addf %add3A_319, %mul3A_328 : vector<16xf32>
        %swap3A_330 = arith.index_cast %scan3A_26 : i32 to index
        %swap3A_331 = arith.constant 32 : index
        %swap3A_332 = tpu.vector_load %arg9[%swap3A_330, %swap3A_331] {strides = array<i32>} : memref<16x256xf32, #tpu.memory_space<vmem>>, vector<1x16xf32>,
        %swap3A_333 = vector.shape_cast %swap3A_332 : vector<1x16xf32> to vector<16xf32>
        %swap3A_334 = vector.shape_cast %add3A_329 : vector<16xf32> to vector<1x16xf32>
        tpu.vector_store %arg9[%swap3A_330, %swap3A_331], %swap3A_334 {strides = array<i32>} : memref<16x256xf32, #tpu.memory_space<vmem>>, vector<1x16xf32>,
        %mul3A_335 = arith.constant 8 : i32
        %mul3A_336 = arith.muli %scan3A_26, %mul3A_335 : i32
        %get3A_337 = arith.index_cast %mul3A_336 : i32 to index
        %get3A_338 = arith.constant 48 : index
        %get3A_339 = tpu.vector_load %arg8[%get3A_337, %get3A_338] {strides = array<i32>} : memref<128x256xf32, #tpu.memory_space<vmem>>, vector<1x16xf32>,
        %get3A_340 = vector.shape_cast %get3A_339 : vector<1x16xf32> to vector<16xf32>
        %mul3A_341 = arith.mulf %get3A_33, %get3A_340 : vector<16xf32>
        %mul3A_342 = arith.constant 8 : i32
        %mul3A_343 = arith.muli %scan3A_26, %mul3A_342 : i32
        %add3A_344 = arith.constant 1 : i32
        %add3A_345 = arith.addi %mul3A_343, %add3A_344 : i32
        %get3A_346 = arith.index_cast %add3A_345 : i32 to index
        %get3A_347 = arith.constant 48 : index
        %get3A_348 = tpu.vector_load %arg8[%get3A_346, %get3A_347] {strides = array<i32>} : memref<128x256xf32, #tpu.memory_space<vmem>>, vector<1x16xf32>,
        %get3A_349 = vector.shape_cast %get3A_348 : vector<1x16xf32> to vector<16xf32>
        %mul3A_350 = arith.mulf %get3A_41, %get3A_349 : vector<16xf32>
        %add3A_351 = arith.addf %mul3A_341, %mul3A_350 : vector<16xf32>
        %mul3A_352 = arith.constant 8 : i32
        %mul3A_353 = arith.muli %scan3A_26, %mul3A_352 : i32
        %add3A_354 = arith.constant 2 : i32
        %add3A_355 = arith.addi %mul3A_353, %add3A_354 : i32
        %get3A_356 = arith.index_cast %add3A_355 : i32 to index
        %get3A_357 = arith.constant 48 : index
        %get3A_358 = tpu.vector_load %arg8[%get3A_356, %get3A_357] {strides = array<i32>} : memref<128x256xf32, #tpu.memory_space<vmem>>, vector<1x16xf32>,
        %get3A_359 = vector.shape_cast %get3A_358 : vector<1x16xf32> to vector<16xf32>
        %mul3A_360 = arith.mulf %get3A_49, %get3A_359 : vector<16xf32>
        %add3A_361 = arith.addf %add3A_351, %mul3A_360 : vector<16xf32>
        %mul3A_362 = arith.constant 8 : i32
        %mul3A_363 = arith.muli %scan3A_26, %mul3A_362 : i32
        %add3A_364 = arith.constant 3 : i32
        %add3A_365 = arith.addi %mul3A_363, %add3A_364 : i32
        %get3A_366 = arith.index_cast %add3A_365 : i32 to index
        %get3A_367 = arith.constant 48 : index
        %get3A_368 = tpu.vector_load %arg8[%get3A_366, %get3A_367] {strides = array<i32>} : memref<128x256xf32, #tpu.memory_space<vmem>>, vector<1x16xf32>,
        %get3A_369 = vector.shape_cast %get3A_368 : vector<1x16xf32> to vector<16xf32>
        %mul3A_370 = arith.mulf %get3A_57, %get3A_369 : vector<16xf32>
        %add3A_371 = arith.addf %add3A_361, %mul3A_370 : vector<16xf32>
        %mul3A_372 = arith.constant 8 : i32
        %mul3A_373 = arith.muli %scan3A_26, %mul3A_372 : i32
        %add3A_374 = arith.constant 4 : i32
        %add3A_375 = arith.addi %mul3A_373, %add3A_374 : i32
        %get3A_376 = arith.index_cast %add3A_375 : i32 to index
        %get3A_377 = arith.constant 48 : index
        %get3A_378 = tpu.vector_load %arg8[%get3A_376, %get3A_377] {strides = array<i32>} : memref<128x256xf32, #tpu.memory_space<vmem>>, vector<1x16xf32>,
        %get3A_379 = vector.shape_cast %get3A_378 : vector<1x16xf32> to vector<16xf32>
        %mul3A_380 = arith.mulf %get3A_65, %get3A_379 : vector<16xf32>
        %add3A_381 = arith.addf %add3A_371, %mul3A_380 : vector<16xf32>
        %mul3A_382 = arith.constant 8 : i32
        %mul3A_383 = arith.muli %scan3A_26, %mul3A_382 : i32
        %add3A_384 = arith.constant 5 : i32
        %add3A_385 = arith.addi %mul3A_383, %add3A_384 : i32
        %get3A_386 = arith.index_cast %add3A_385 : i32 to index
        %get3A_387 = arith.constant 48 : index
        %get3A_388 = tpu.vector_load %arg8[%get3A_386, %get3A_387] {strides = array<i32>} : memref<128x256xf32, #tpu.memory_space<vmem>>, vector<1x16xf32>,
        %get3A_389 = vector.shape_cast %get3A_388 : vector<1x16xf32> to vector<16xf32>
        %mul3A_390 = arith.mulf %get3A_73, %get3A_389 : vector<16xf32>
        %add3A_391 = arith.addf %add3A_381, %mul3A_390 : vector<16xf32>
        %mul3A_392 = arith.constant 8 : i32
        %mul3A_393 = arith.muli %scan3A_26, %mul3A_392 : i32
        %add3A_394 = arith.constant 6 : i32
        %add3A_395 = arith.addi %mul3A_393, %add3A_394 : i32
        %get3A_396 = arith.index_cast %add3A_395 : i32 to index
        %get3A_397 = arith.constant 48 : index
        %get3A_398 = tpu.vector_load %arg8[%get3A_396, %get3A_397] {strides = array<i32>} : memref<128x256xf32, #tpu.memory_space<vmem>>, vector<1x16xf32>,
        %get3A_399 = vector.shape_cast %get3A_398 : vector<1x16xf32> to vector<16xf32>
        %mul3A_400 = arith.mulf %get3A_81, %get3A_399 : vector<16xf32>
        %add3A_401 = arith.addf %add3A_391, %mul3A_400 : vector<16xf32>
        %mul3A_402 = arith.constant 8 : i32
        %mul3A_403 = arith.muli %scan3A_26, %mul3A_402 : i32
        %add3A_404 = arith.constant 7 : i32
        %add3A_405 = arith.addi %mul3A_403, %add3A_404 : i32
        %get3A_406 = arith.index_cast %add3A_405 : i32 to index
        %get3A_407 = arith.constant 48 : index
        %get3A_408 = tpu.vector_load %arg8[%get3A_406, %get3A_407] {strides = array<i32>} : memref<128x256xf32, #tpu.memory_space<vmem>>, vector<1x16xf32>,
        %get3A_409 = vector.shape_cast %get3A_408 : vector<1x16xf32> to vector<16xf32>
        %mul3A_410 = arith.mulf %get3A_89, %get3A_409 : vector<16xf32>
        %add3A_411 = arith.addf %add3A_401, %mul3A_410 : vector<16xf32>
        %swap3A_412 = arith.index_cast %scan3A_26 : i32 to index
        %swap3A_413 = arith.constant 48 : index
        %swap3A_414 = tpu.vector_load %arg9[%swap3A_412, %swap3A_413] {strides = array<i32>} : memref<16x256xf32, #tpu.memory_space<vmem>>, vector<1x16xf32>,
        %swap3A_415 = vector.shape_cast %swap3A_414 : vector<1x16xf32> to vector<16xf32>
        %swap3A_416 = vector.shape_cast %add3A_411 : vector<16xf32> to vector<1x16xf32>
        tpu.vector_store %arg9[%swap3A_412, %swap3A_413], %swap3A_416 {strides = array<i32>} : memref<16x256xf32, #tpu.memory_space<vmem>>, vector<1x16xf32>,
        %mul3A_417 = arith.constant 8 : i32
        %mul3A_418 = arith.muli %scan3A_26, %mul3A_417 : i32
        %get3A_419 = arith.index_cast %mul3A_418 : i32 to index
        %get3A_420 = arith.constant 64 : index
        %get3A_421 = tpu.vector_load %arg8[%get3A_419, %get3A_420] {strides = array<i32>} : memref<128x256xf32, #tpu.memory_space<vmem>>, vector<1x16xf32>,
        %get3A_422 = vector.shape_cast %get3A_421 : vector<1x16xf32> to vector<16xf32>
        %mul3A_423 = arith.mulf %get3A_33, %get3A_422 : vector<16xf32>
        %mul3A_424 = arith.constant 8 : i32
        %mul3A_425 = arith.muli %scan3A_26, %mul3A_424 : i32
        %add3A_426 = arith.constant 1 : i32
        %add3A_427 = arith.addi %mul3A_425, %add3A_426 : i32
        %get3A_428 = arith.index_cast %add3A_427 : i32 to index
        %get3A_429 = arith.constant 64 : index
        %get3A_430 = tpu.vector_load %arg8[%get3A_428, %get3A_429] {strides = array<i32>} : memref<128x256xf32, #tpu.memory_space<vmem>>, vector<1x16xf32>,
        %get3A_431 = vector.shape_cast %get3A_430 : vector<1x16xf32> to vector<16xf32>
        %mul3A_432 = arith.mulf %get3A_41, %get3A_431 : vector<16xf32>
        %add3A_433 = arith.addf %mul3A_423, %mul3A_432 : vector<16xf32>
        %mul3A_434 = arith.constant 8 : i32
        %mul3A_435 = arith.muli %scan3A_26, %mul3A_434 : i32
        %add3A_436 = arith.constant 2 : i32
        %add3A_437 = arith.addi %mul3A_435, %add3A_436 : i32
        %get3A_438 = arith.index_cast %add3A_437 : i32 to index
        %get3A_439 = arith.constant 64 : index
        %get3A_440 = tpu.vector_load %arg8[%get3A_438, %get3A_439] {strides = array<i32>} : memref<128x256xf32, #tpu.memory_space<vmem>>, vector<1x16xf32>,
        %get3A_441 = vector.shape_cast %get3A_440 : vector<1x16xf32> to vector<16xf32>
        %mul3A_442 = arith.mulf %get3A_49, %get3A_441 : vector<16xf32>
        %add3A_443 = arith.addf %add3A_433, %mul3A_442 : vector<16xf32>
        %mul3A_444 = arith.constant 8 : i32
        %mul3A_445 = arith.muli %scan3A_26, %mul3A_444 : i32
        %add3A_446 = arith.constant 3 : i32
        %add3A_447 = arith.addi %mul3A_445, %add3A_446 : i32
        %get3A_448 = arith.index_cast %add3A_447 : i32 to index
        %get3A_449 = arith.constant 64 : index
        %get3A_450 = tpu.vector_load %arg8[%get3A_448, %get3A_449] {strides = array<i32>} : memref<128x256xf32, #tpu.memory_space<vmem>>, vector<1x16xf32>,
        %get3A_451 = vector.shape_cast %get3A_450 : vector<1x16xf32> to vector<16xf32>
        %mul3A_452 = arith.mulf %get3A_57, %get3A_451 : vector<16xf32>
        %add3A_453 = arith.addf %add3A_443, %mul3A_452 : vector<16xf32>
        %mul3A_454 = arith.constant 8 : i32
        %mul3A_455 = arith.muli %scan3A_26, %mul3A_454 : i32
        %add3A_456 = arith.constant 4 : i32
        %add3A_457 = arith.addi %mul3A_455, %add3A_456 : i32
        %get3A_458 = arith.index_cast %add3A_457 : i32 to index
        %get3A_459 = arith.constant 64 : index
        %get3A_460 = tpu.vector_load %arg8[%get3A_458, %get3A_459] {strides = array<i32>} : memref<128x256xf32, #tpu.memory_space<vmem>>, vector<1x16xf32>,
        %get3A_461 = vector.shape_cast %get3A_460 : vector<1x16xf32> to vector<16xf32>
        %mul3A_462 = arith.mulf %get3A_65, %get3A_461 : vector<16xf32>
        %add3A_463 = arith.addf %add3A_453, %mul3A_462 : vector<16xf32>
        %mul3A_464 = arith.constant 8 : i32
        %mul3A_465 = arith.muli %scan3A_26, %mul3A_464 : i32
        %add3A_466 = arith.constant 5 : i32
        %add3A_467 = arith.addi %mul3A_465, %add3A_466 : i32
        %get3A_468 = arith.index_cast %add3A_467 : i32 to index
        %get3A_469 = arith.constant 64 : index
        %get3A_470 = tpu.vector_load %arg8[%get3A_468, %get3A_469] {strides = array<i32>} : memref<128x256xf32, #tpu.memory_space<vmem>>, vector<1x16xf32>,
        %get3A_471 = vector.shape_cast %get3A_470 : vector<1x16xf32> to vector<16xf32>
        %mul3A_472 = arith.mulf %get3A_73, %get3A_471 : vector<16xf32>
        %add3A_473 = arith.addf %add3A_463, %mul3A_472 : vector<16xf32>
        %mul3A_474 = arith.constant 8 : i32
        %mul3A_475 = arith.muli %scan3A_26, %mul3A_474 : i32
        %add3A_476 = arith.constant 6 : i32
        %add3A_477 = arith.addi %mul3A_475, %add3A_476 : i32
        %get3A_478 = arith.index_cast %add3A_477 : i32 to index
        %get3A_479 = arith.constant 64 : index
        %get3A_480 = tpu.vector_load %arg8[%get3A_478, %get3A_479] {strides = array<i32>} : memref<128x256xf32, #tpu.memory_space<vmem>>, vector<1x16xf32>,
        %get3A_481 = vector.shape_cast %get3A_480 : vector<1x16xf32> to vector<16xf32>
        %mul3A_482 = arith.mulf %get3A_81, %get3A_481 : vector<16xf32>
        %add3A_483 = arith.addf %add3A_473, %mul3A_482 : vector<16xf32>
        %mul3A_484 = arith.constant 8 : i32
        %mul3A_485 = arith.muli %scan3A_26, %mul3A_484 : i32
        %add3A_486 = arith.constant 7 : i32
        %add3A_487 = arith.addi %mul3A_485, %add3A_486 : i32
        %get3A_488 = arith.index_cast %add3A_487 : i32 to index
        %get3A_489 = arith.constant 64 : index
        %get3A_490 = tpu.vector_load %arg8[%get3A_488, %get3A_489] {strides = array<i32>} : memref<128x256xf32, #tpu.memory_space<vmem>>, vector<1x16xf32>,
        %get3A_491 = vector.shape_cast %get3A_490 : vector<1x16xf32> to vector<16xf32>
        %mul3A_492 = arith.mulf %get3A_89, %get3A_491 : vector<16xf32>
        %add3A_493 = arith.addf %add3A_483, %mul3A_492 : vector<16xf32>
        %swap3A_494 = arith.index_cast %scan3A_26 : i32 to index
        %swap3A_495 = arith.constant 64 : index
        %swap3A_496 = tpu.vector_load %arg9[%swap3A_494, %swap3A_495] {strides = array<i32>} : memref<16x256xf32, #tpu.memory_space<vmem>>, vector<1x16xf32>,
        %swap3A_497 = vector.shape_cast %swap3A_496 : vector<1x16xf32> to vector<16xf32>
        %swap3A_498 = vector.shape_cast %add3A_493 : vector<16xf32> to vector<1x16xf32>
        tpu.vector_store %arg9[%swap3A_494, %swap3A_495], %swap3A_498 {strides = array<i32>} : memref<16x256xf32, #tpu.memory_space<vmem>>, vector<1x16xf32>,
        %mul3A_499 = arith.constant 8 : i32
        %mul3A_500 = arith.muli %scan3A_26, %mul3A_499 : i32
        %get3A_501 = arith.index_cast %mul3A_500 : i32 to index
        %get3A_502 = arith.constant 80 : index
        %get3A_503 = tpu.vector_load %arg8[%get3A_501, %get3A_502] {strides = array<i32>} : memref<128x256xf32, #tpu.memory_space<vmem>>, vector<1x16xf32>,
        %get3A_504 = vector.shape_cast %get3A_503 : vector<1x16xf32> to vector<16xf32>
        %mul3A_505 = arith.mulf %get3A_33, %get3A_504 : vector<16xf32>
        %mul3A_506 = arith.constant 8 : i32
        %mul3A_507 = arith.muli %scan3A_26, %mul3A_506 : i32
        %add3A_508 = arith.constant 1 : i32
        %add3A_509 = arith.addi %mul3A_507, %add3A_508 : i32
        %get3A_510 = arith.index_cast %add3A_509 : i32 to index
        %get3A_511 = arith.constant 80 : index
        %get3A_512 = tpu.vector_load %arg8[%get3A_510, %get3A_511] {strides = array<i32>} : memref<128x256xf32, #tpu.memory_space<vmem>>, vector<1x16xf32>,
        %get3A_513 = vector.shape_cast %get3A_512 : vector<1x16xf32> to vector<16xf32>
        %mul3A_514 = arith.mulf %get3A_41, %get3A_513 : vector<16xf32>
        %add3A_515 = arith.addf %mul3A_505, %mul3A_514 : vector<16xf32>
        %mul3A_516 = arith.constant 8 : i32
        %mul3A_517 = arith.muli %scan3A_26, %mul3A_516 : i32
        %add3A_518 = arith.constant 2 : i32
        %add3A_519 = arith.addi %mul3A_517, %add3A_518 : i32
        %get3A_520 = arith.index_cast %add3A_519 : i32 to index
        %get3A_521 = arith.constant 80 : index
        %get3A_522 = tpu.vector_load %arg8[%get3A_520, %get3A_521] {strides = array<i32>} : memref<128x256xf32, #tpu.memory_space<vmem>>, vector<1x16xf32>,
        %get3A_523 = vector.shape_cast %get3A_522 : vector<1x16xf32> to vector<16xf32>
        %mul3A_524 = arith.mulf %get3A_49, %get3A_523 : vector<16xf32>
        %add3A_525 = arith.addf %add3A_515, %mul3A_524 : vector<16xf32>
        %mul3A_526 = arith.constant 8 : i32
        %mul3A_527 = arith.muli %scan3A_26, %mul3A_526 : i32
        %add3A_528 = arith.constant 3 : i32
        %add3A_529 = arith.addi %mul3A_527, %add3A_528 : i32
        %get3A_530 = arith.index_cast %add3A_529 : i32 to index
        %get3A_531 = arith.constant 80 : index
        %get3A_532 = tpu.vector_load %arg8[%get3A_530, %get3A_531] {strides = array<i32>} : memref<128x256xf32, #tpu.memory_space<vmem>>, vector<1x16xf32>,
        %get3A_533 = vector.shape_cast %get3A_532 : vector<1x16xf32> to vector<16xf32>
        %mul3A_534 = arith.mulf %get3A_57, %get3A_533 : vector<16xf32>
        %add3A_535 = arith.addf %add3A_525, %mul3A_534 : vector<16xf32>
        %mul3A_536 = arith.constant 8 : i32
        %mul3A_537 = arith.muli %scan3A_26, %mul3A_536 : i32
        %add3A_538 = arith.constant 4 : i32
        %add3A_539 = arith.addi %mul3A_537, %add3A_538 : i32
        %get3A_540 = arith.index_cast %add3A_539 : i32 to index
        %get3A_541 = arith.constant 80 : index
        %get3A_542 = tpu.vector_load %arg8[%get3A_540, %get3A_541] {strides = array<i32>} : memref<128x256xf32, #tpu.memory_space<vmem>>, vector<1x16xf32>,
        %get3A_543 = vector.shape_cast %get3A_542 : vector<1x16xf32> to vector<16xf32>
        %mul3A_544 = arith.mulf %get3A_65, %get3A_543 : vector<16xf32>
        %add3A_545 = arith.addf %add3A_535, %mul3A_544 : vector<16xf32>
        %mul3A_546 = arith.constant 8 : i32
        %mul3A_547 = arith.muli %scan3A_26, %mul3A_546 : i32
        %add3A_548 = arith.constant 5 : i32
        %add3A_549 = arith.addi %mul3A_547, %add3A_548 : i32
        %get3A_550 = arith.index_cast %add3A_549 : i32 to index
        %get3A_551 = arith.constant 80 : index
        %get3A_552 = tpu.vector_load %arg8[%get3A_550, %get3A_551] {strides = array<i32>} : memref<128x256xf32, #tpu.memory_space<vmem>>, vector<1x16xf32>,
        %get3A_553 = vector.shape_cast %get3A_552 : vector<1x16xf32> to vector<16xf32>
        %mul3A_554 = arith.mulf %get3A_73, %get3A_553 : vector<16xf32>
        %add3A_555 = arith.addf %add3A_545, %mul3A_554 : vector<16xf32>
        %mul3A_556 = arith.constant 8 : i32
        %mul3A_557 = arith.muli %scan3A_26, %mul3A_556 : i32
        %add3A_558 = arith.constant 6 : i32
        %add3A_559 = arith.addi %mul3A_557, %add3A_558 : i32
        %get3A_560 = arith.index_cast %add3A_559 : i32 to index
        %get3A_561 = arith.constant 80 : index
        %get3A_562 = tpu.vector_load %arg8[%get3A_560, %get3A_561] {strides = array<i32>} : memref<128x256xf32, #tpu.memory_space<vmem>>, vector<1x16xf32>,
        %get3A_563 = vector.shape_cast %get3A_562 : vector<1x16xf32> to vector<16xf32>
        %mul3A_564 = arith.mulf %get3A_81, %get3A_563 : vector<16xf32>
        %add3A_565 = arith.addf %add3A_555, %mul3A_564 : vector<16xf32>
        %mul3A_566 = arith.constant 8 : i32
        %mul3A_567 = arith.muli %scan3A_26, %mul3A_566 : i32
        %add3A_568 = arith.constant 7 : i32
        %add3A_569 = arith.addi %mul3A_567, %add3A_568 : i32
        %get3A_570 = arith.index_cast %add3A_569 : i32 to index
        %get3A_571 = arith.constant 80 : index
        %get3A_572 = tpu.vector_load %arg8[%get3A_570, %get3A_571] {strides = array<i32>} : memref<128x256xf32, #tpu.memory_space<vmem>>, vector<1x16xf32>,
        %get3A_573 = vector.shape_cast %get3A_572 : vector<1x16xf32> to vector<16xf32>
        %mul3A_574 = arith.mulf %get3A_89, %get3A_573 : vector<16xf32>
        %add3A_575 = arith.addf %add3A_565, %mul3A_574 : vector<16xf32>
        %swap3A_576 = arith.index_cast %scan3A_26 : i32 to index
        %swap3A_577 = arith.constant 80 : index
        %swap3A_578 = tpu.vector_load %arg9[%swap3A_576, %swap3A_577] {strides = array<i32>} : memref<16x256xf32, #tpu.memory_space<vmem>>, vector<1x16xf32>,
        %swap3A_579 = vector.shape_cast %swap3A_578 : vector<1x16xf32> to vector<16xf32>
        %swap3A_580 = vector.shape_cast %add3A_575 : vector<16xf32> to vector<1x16xf32>
        tpu.vector_store %arg9[%swap3A_576, %swap3A_577], %swap3A_580 {strides = array<i32>} : memref<16x256xf32, #tpu.memory_space<vmem>>, vector<1x16xf32>,
        %mul3A_581 = arith.constant 8 : i32
        %mul3A_582 = arith.muli %scan3A_26, %mul3A_581 : i32
        %get3A_583 = arith.index_cast %mul3A_582 : i32 to index
        %get3A_584 = arith.constant 96 : index
        %get3A_585 = tpu.vector_load %arg8[%get3A_583, %get3A_584] {strides = array<i32>} : memref<128x256xf32, #tpu.memory_space<vmem>>, vector<1x16xf32>,
        %get3A_586 = vector.shape_cast %get3A_585 : vector<1x16xf32> to vector<16xf32>
        %mul3A_587 = arith.mulf %get3A_33, %get3A_586 : vector<16xf32>
        %mul3A_588 = arith.constant 8 : i32
        %mul3A_589 = arith.muli %scan3A_26, %mul3A_588 : i32
        %add3A_590 = arith.constant 1 : i32
        %add3A_591 = arith.addi %mul3A_589, %add3A_590 : i32
        %get3A_592 = arith.index_cast %add3A_591 : i32 to index
        %get3A_593 = arith.constant 96 : index
        %get3A_594 = tpu.vector_load %arg8[%get3A_592, %get3A_593] {strides = array<i32>} : memref<128x256xf32, #tpu.memory_space<vmem>>, vector<1x16xf32>,
        %get3A_595 = vector.shape_cast %get3A_594 : vector<1x16xf32> to vector<16xf32>
        %mul3A_596 = arith.mulf %get3A_41, %get3A_595 : vector<16xf32>
        %add3A_597 = arith.addf %mul3A_587, %mul3A_596 : vector<16xf32>
        %mul3A_598 = arith.constant 8 : i32
        %mul3A_599 = arith.muli %scan3A_26, %mul3A_598 : i32
        %add3A_600 = arith.constant 2 : i32
        %add3A_601 = arith.addi %mul3A_599, %add3A_600 : i32
        %get3A_602 = arith.index_cast %add3A_601 : i32 to index
        %get3A_603 = arith.constant 96 : index
        %get3A_604 = tpu.vector_load %arg8[%get3A_602, %get3A_603] {strides = array<i32>} : memref<128x256xf32, #tpu.memory_space<vmem>>, vector<1x16xf32>,
        %get3A_605 = vector.shape_cast %get3A_604 : vector<1x16xf32> to vector<16xf32>
        %mul3A_606 = arith.mulf %get3A_49, %get3A_605 : vector<16xf32>
        %add3A_607 = arith.addf %add3A_597, %mul3A_606 : vector<16xf32>
        %mul3A_608 = arith.constant 8 : i32
        %mul3A_609 = arith.muli %scan3A_26, %mul3A_608 : i32
        %add3A_610 = arith.constant 3 : i32
        %add3A_611 = arith.addi %mul3A_609, %add3A_610 : i32
        %get3A_612 = arith.index_cast %add3A_611 : i32 to index
        %get3A_613 = arith.constant 96 : index
        %get3A_614 = tpu.vector_load %arg8[%get3A_612, %get3A_613] {strides = array<i32>} : memref<128x256xf32, #tpu.memory_space<vmem>>, vector<1x16xf32>,
        %get3A_615 = vector.shape_cast %get3A_614 : vector<1x16xf32> to vector<16xf32>
        %mul3A_616 = arith.mulf %get3A_57, %get3A_615 : vector<16xf32>
        %add3A_617 = arith.addf %add3A_607, %mul3A_616 : vector<16xf32>
        %mul3A_618 = arith.constant 8 : i32
        %mul3A_619 = arith.muli %scan3A_26, %mul3A_618 : i32
        %add3A_620 = arith.constant 4 : i32
        %add3A_621 = arith.addi %mul3A_619, %add3A_620 : i32
        %get3A_622 = arith.index_cast %add3A_621 : i32 to index
        %get3A_623 = arith.constant 96 : index
        %get3A_624 = tpu.vector_load %arg8[%get3A_622, %get3A_623] {strides = array<i32>} : memref<128x256xf32, #tpu.memory_space<vmem>>, vector<1x16xf32>,
        %get3A_625 = vector.shape_cast %get3A_624 : vector<1x16xf32> to vector<16xf32>
        %mul3A_626 = arith.mulf %get3A_65, %get3A_625 : vector<16xf32>
        %add3A_627 = arith.addf %add3A_617, %mul3A_626 : vector<16xf32>
        %mul3A_628 = arith.constant 8 : i32
        %mul3A_629 = arith.muli %scan3A_26, %mul3A_628 : i32
        %add3A_630 = arith.constant 5 : i32
        %add3A_631 = arith.addi %mul3A_629, %add3A_630 : i32
        %get3A_632 = arith.index_cast %add3A_631 : i32 to index
        %get3A_633 = arith.constant 96 : index
        %get3A_634 = tpu.vector_load %arg8[%get3A_632, %get3A_633] {strides = array<i32>} : memref<128x256xf32, #tpu.memory_space<vmem>>, vector<1x16xf32>,
        %get3A_635 = vector.shape_cast %get3A_634 : vector<1x16xf32> to vector<16xf32>
        %mul3A_636 = arith.mulf %get3A_73, %get3A_635 : vector<16xf32>
        %add3A_637 = arith.addf %add3A_627, %mul3A_636 : vector<16xf32>
        %mul3A_638 = arith.constant 8 : i32
        %mul3A_639 = arith.muli %scan3A_26, %mul3A_638 : i32
        %add3A_640 = arith.constant 6 : i32
        %add3A_641 = arith.addi %mul3A_639, %add3A_640 : i32
        %get3A_642 = arith.index_cast %add3A_641 : i32 to index
        %get3A_643 = arith.constant 96 : index
        %get3A_644 = tpu.vector_load %arg8[%get3A_642, %get3A_643] {strides = array<i32>} : memref<128x256xf32, #tpu.memory_space<vmem>>, vector<1x16xf32>,
        %get3A_645 = vector.shape_cast %get3A_644 : vector<1x16xf32> to vector<16xf32>
        %mul3A_646 = arith.mulf %get3A_81, %get3A_645 : vector<16xf32>
        %add3A_647 = arith.addf %add3A_637, %mul3A_646 : vector<16xf32>
        %mul3A_648 = arith.constant 8 : i32
        %mul3A_649 = arith.muli %scan3A_26, %mul3A_648 : i32
        %add3A_650 = arith.constant 7 : i32
        %add3A_651 = arith.addi %mul3A_649, %add3A_650 : i32
        %get3A_652 = arith.index_cast %add3A_651 : i32 to index
        %get3A_653 = arith.constant 96 : index
        %get3A_654 = tpu.vector_load %arg8[%get3A_652, %get3A_653] {strides = array<i32>} : memref<128x256xf32, #tpu.memory_space<vmem>>, vector<1x16xf32>,
        %get3A_655 = vector.shape_cast %get3A_654 : vector<1x16xf32> to vector<16xf32>
        %mul3A_656 = arith.mulf %get3A_89, %get3A_655 : vector<16xf32>
        %add3A_657 = arith.addf %add3A_647, %mul3A_656 : vector<16xf32>
        %swap3A_658 = arith.index_cast %scan3A_26 : i32 to index
        %swap3A_659 = arith.constant 96 : index
        %swap3A_660 = tpu.vector_load %arg9[%swap3A_658, %swap3A_659] {strides = array<i32>} : memref<16x256xf32, #tpu.memory_space<vmem>>, vector<1x16xf32>,
        %swap3A_661 = vector.shape_cast %swap3A_660 : vector<1x16xf32> to vector<16xf32>
        %swap3A_662 = vector.shape_cast %add3A_657 : vector<16xf32> to vector<1x16xf32>
        tpu.vector_store %arg9[%swap3A_658, %swap3A_659], %swap3A_662 {strides = array<i32>} : memref<16x256xf32, #tpu.memory_space<vmem>>, vector<1x16xf32>,
        %mul3A_663 = arith.constant 8 : i32
        %mul3A_664 = arith.muli %scan3A_26, %mul3A_663 : i32
        %get3A_665 = arith.index_cast %mul3A_664 : i32 to index
        %get3A_666 = arith.constant 112 : index
        %get3A_667 = tpu.vector_load %arg8[%get3A_665, %get3A_666] {strides = array<i32>} : memref<128x256xf32, #tpu.memory_space<vmem>>, vector<1x16xf32>,
        %get3A_668 = vector.shape_cast %get3A_667 : vector<1x16xf32> to vector<16xf32>
        %mul3A_669 = arith.mulf %get3A_33, %get3A_668 : vector<16xf32>
        %mul3A_670 = arith.constant 8 : i32
        %mul3A_671 = arith.muli %scan3A_26, %mul3A_670 : i32
        %add3A_672 = arith.constant 1 : i32
        %add3A_673 = arith.addi %mul3A_671, %add3A_672 : i32
        %get3A_674 = arith.index_cast %add3A_673 : i32 to index
        %get3A_675 = arith.constant 112 : index
        %get3A_676 = tpu.vector_load %arg8[%get3A_674, %get3A_675] {strides = array<i32>} : memref<128x256xf32, #tpu.memory_space<vmem>>, vector<1x16xf32>,
        %get3A_677 = vector.shape_cast %get3A_676 : vector<1x16xf32> to vector<16xf32>
        %mul3A_678 = arith.mulf %get3A_41, %get3A_677 : vector<16xf32>
        %add3A_679 = arith.addf %mul3A_669, %mul3A_678 : vector<16xf32>
        %mul3A_680 = arith.constant 8 : i32
        %mul3A_681 = arith.muli %scan3A_26, %mul3A_680 : i32
        %add3A_682 = arith.constant 2 : i32
        %add3A_683 = arith.addi %mul3A_681, %add3A_682 : i32
        %get3A_684 = arith.index_cast %add3A_683 : i32 to index
        %get3A_685 = arith.constant 112 : index
        %get3A_686 = tpu.vector_load %arg8[%get3A_684, %get3A_685] {strides = array<i32>} : memref<128x256xf32, #tpu.memory_space<vmem>>, vector<1x16xf32>,
        %get3A_687 = vector.shape_cast %get3A_686 : vector<1x16xf32> to vector<16xf32>
        %mul3A_688 = arith.mulf %get3A_49, %get3A_687 : vector<16xf32>
        %add3A_689 = arith.addf %add3A_679, %mul3A_688 : vector<16xf32>
        %mul3A_690 = arith.constant 8 : i32
        %mul3A_691 = arith.muli %scan3A_26, %mul3A_690 : i32
        %add3A_692 = arith.constant 3 : i32
        %add3A_693 = arith.addi %mul3A_691, %add3A_692 : i32
        %get3A_694 = arith.index_cast %add3A_693 : i32 to index
        %get3A_695 = arith.constant 112 : index
        %get3A_696 = tpu.vector_load %arg8[%get3A_694, %get3A_695] {strides = array<i32>} : memref<128x256xf32, #tpu.memory_space<vmem>>, vector<1x16xf32>,
        %get3A_697 = vector.shape_cast %get3A_696 : vector<1x16xf32> to vector<16xf32>
        %mul3A_698 = arith.mulf %get3A_57, %get3A_697 : vector<16xf32>
        %add3A_699 = arith.addf %add3A_689, %mul3A_698 : vector<16xf32>
        %mul3A_700 = arith.constant 8 : i32
        %mul3A_701 = arith.muli %scan3A_26, %mul3A_700 : i32
        %add3A_702 = arith.constant 4 : i32
        %add3A_703 = arith.addi %mul3A_701, %add3A_702 : i32
        %get3A_704 = arith.index_cast %add3A_703 : i32 to index
        %get3A_705 = arith.constant 112 : index
        %get3A_706 = tpu.vector_load %arg8[%get3A_704, %get3A_705] {strides = array<i32>} : memref<128x256xf32, #tpu.memory_space<vmem>>, vector<1x16xf32>,
        %get3A_707 = vector.shape_cast %get3A_706 : vector<1x16xf32> to vector<16xf32>
        %mul3A_708 = arith.mulf %get3A_65, %get3A_707 : vector<16xf32>
        %add3A_709 = arith.addf %add3A_699, %mul3A_708 : vector<16xf32>
        %mul3A_710 = arith.constant 8 : i32
        %mul3A_711 = arith.muli %scan3A_26, %mul3A_710 : i32
        %add3A_712 = arith.constant 5 : i32
        %add3A_713 = arith.addi %mul3A_711, %add3A_712 : i32
        %get3A_714 = arith.index_cast %add3A_713 : i32 to index
        %get3A_715 = arith.constant 112 : index
        %get3A_716 = tpu.vector_load %arg8[%get3A_714, %get3A_715] {strides = array<i32>} : memref<128x256xf32, #tpu.memory_space<vmem>>, vector<1x16xf32>,
        %get3A_717 = vector.shape_cast %get3A_716 : vector<1x16xf32> to vector<16xf32>
        %mul3A_718 = arith.mulf %get3A_73, %get3A_717 : vector<16xf32>
        %add3A_719 = arith.addf %add3A_709, %mul3A_718 : vector<16xf32>
        %mul3A_720 = arith.constant 8 : i32
        %mul3A_721 = arith.muli %scan3A_26, %mul3A_720 : i32
        %add3A_722 = arith.constant 6 : i32
        %add3A_723 = arith.addi %mul3A_721, %add3A_722 : i32
        %get3A_724 = arith.index_cast %add3A_723 : i32 to index
        %get3A_725 = arith.constant 112 : index
        %get3A_726 = tpu.vector_load %arg8[%get3A_724, %get3A_725] {strides = array<i32>} : memref<128x256xf32, #tpu.memory_space<vmem>>, vector<1x16xf32>,
        %get3A_727 = vector.shape_cast %get3A_726 : vector<1x16xf32> to vector<16xf32>
        %mul3A_728 = arith.mulf %get3A_81, %get3A_727 : vector<16xf32>
        %add3A_729 = arith.addf %add3A_719, %mul3A_728 : vector<16xf32>
        %mul3A_730 = arith.constant 8 : i32
        %mul3A_731 = arith.muli %scan3A_26, %mul3A_730 : i32
        %add3A_732 = arith.constant 7 : i32
        %add3A_733 = arith.addi %mul3A_731, %add3A_732 : i32
        %get3A_734 = arith.index_cast %add3A_733 : i32 to index
        %get3A_735 = arith.constant 112 : index
        %get3A_736 = tpu.vector_load %arg8[%get3A_734, %get3A_735] {strides = array<i32>} : memref<128x256xf32, #tpu.memory_space<vmem>>, vector<1x16xf32>,
        %get3A_737 = vector.shape_cast %get3A_736 : vector<1x16xf32> to vector<16xf32>
        %mul3A_738 = arith.mulf %get3A_89, %get3A_737 : vector<16xf32>
        %add3A_739 = arith.addf %add3A_729, %mul3A_738 : vector<16xf32>
        %swap3A_740 = arith.index_cast %scan3A_26 : i32 to index
        %swap3A_741 = arith.constant 112 : index
        %swap3A_742 = tpu.vector_load %arg9[%swap3A_740, %swap3A_741] {strides = array<i32>} : memref<16x256xf32, #tpu.memory_space<vmem>>, vector<1x16xf32>,
        %swap3A_743 = vector.shape_cast %swap3A_742 : vector<1x16xf32> to vector<16xf32>
        %swap3A_744 = vector.shape_cast %add3A_739 : vector<16xf32> to vector<1x16xf32>
        tpu.vector_store %arg9[%swap3A_740, %swap3A_741], %swap3A_744 {strides = array<i32>} : memref<16x256xf32, #tpu.memory_space<vmem>>, vector<1x16xf32>,
        %mul3A_745 = arith.constant 8 : i32
        %mul3A_746 = arith.muli %scan3A_26, %mul3A_745 : i32
        %get3A_747 = arith.index_cast %mul3A_746 : i32 to index
        %get3A_748 = arith.constant 128 : index
        %get3A_749 = tpu.vector_load %arg8[%get3A_747, %get3A_748] {strides = array<i32>} : memref<128x256xf32, #tpu.memory_space<vmem>>, vector<1x16xf32>,
        %get3A_750 = vector.shape_cast %get3A_749 : vector<1x16xf32> to vector<16xf32>
        %mul3A_751 = arith.mulf %get3A_33, %get3A_750 : vector<16xf32>
        %mul3A_752 = arith.constant 8 : i32
        %mul3A_753 = arith.muli %scan3A_26, %mul3A_752 : i32
        %add3A_754 = arith.constant 1 : i32
        %add3A_755 = arith.addi %mul3A_753, %add3A_754 : i32
        %get3A_756 = arith.index_cast %add3A_755 : i32 to index
        %get3A_757 = arith.constant 128 : index
        %get3A_758 = tpu.vector_load %arg8[%get3A_756, %get3A_757] {strides = array<i32>} : memref<128x256xf32, #tpu.memory_space<vmem>>, vector<1x16xf32>,
        %get3A_759 = vector.shape_cast %get3A_758 : vector<1x16xf32> to vector<16xf32>
        %mul3A_760 = arith.mulf %get3A_41, %get3A_759 : vector<16xf32>
        %add3A_761 = arith.addf %mul3A_751, %mul3A_760 : vector<16xf32>
        %mul3A_762 = arith.constant 8 : i32
        %mul3A_763 = arith.muli %scan3A_26, %mul3A_762 : i32
        %add3A_764 = arith.constant 2 : i32
        %add3A_765 = arith.addi %mul3A_763, %add3A_764 : i32
        %get3A_766 = arith.index_cast %add3A_765 : i32 to index
        %get3A_767 = arith.constant 128 : index
        %get3A_768 = tpu.vector_load %arg8[%get3A_766, %get3A_767] {strides = array<i32>} : memref<128x256xf32, #tpu.memory_space<vmem>>, vector<1x16xf32>,
        %get3A_769 = vector.shape_cast %get3A_768 : vector<1x16xf32> to vector<16xf32>
        %mul3A_770 = arith.mulf %get3A_49, %get3A_769 : vector<16xf32>
        %add3A_771 = arith.addf %add3A_761, %mul3A_770 : vector<16xf32>
        %mul3A_772 = arith.constant 8 : i32
        %mul3A_773 = arith.muli %scan3A_26, %mul3A_772 : i32
        %add3A_774 = arith.constant 3 : i32
        %add3A_775 = arith.addi %mul3A_773, %add3A_774 : i32
        %get3A_776 = arith.index_cast %add3A_775 : i32 to index
        %get3A_777 = arith.constant 128 : index
        %get3A_778 = tpu.vector_load %arg8[%get3A_776, %get3A_777] {strides = array<i32>} : memref<128x256xf32, #tpu.memory_space<vmem>>, vector<1x16xf32>,
        %get3A_779 = vector.shape_cast %get3A_778 : vector<1x16xf32> to vector<16xf32>
        %mul3A_780 = arith.mulf %get3A_57, %get3A_779 : vector<16xf32>
        %add3A_781 = arith.addf %add3A_771, %mul3A_780 : vector<16xf32>
        %mul3A_782 = arith.constant 8 : i32
        %mul3A_783 = arith.muli %scan3A_26, %mul3A_782 : i32
        %add3A_784 = arith.constant 4 : i32
        %add3A_785 = arith.addi %mul3A_783, %add3A_784 : i32
        %get3A_786 = arith.index_cast %add3A_785 : i32 to index
        %get3A_787 = arith.constant 128 : index
        %get3A_788 = tpu.vector_load %arg8[%get3A_786, %get3A_787] {strides = array<i32>} : memref<128x256xf32, #tpu.memory_space<vmem>>, vector<1x16xf32>,
        %get3A_789 = vector.shape_cast %get3A_788 : vector<1x16xf32> to vector<16xf32>
        %mul3A_790 = arith.mulf %get3A_65, %get3A_789 : vector<16xf32>
        %add3A_791 = arith.addf %add3A_781, %mul3A_790 : vector<16xf32>
        %mul3A_792 = arith.constant 8 : i32
        %mul3A_793 = arith.muli %scan3A_26, %mul3A_792 : i32
        %add3A_794 = arith.constant 5 : i32
        %add3A_795 = arith.addi %mul3A_793, %add3A_794 : i32
        %get3A_796 = arith.index_cast %add3A_795 : i32 to index
        %get3A_797 = arith.constant 128 : index
        %get3A_798 = tpu.vector_load %arg8[%get3A_796, %get3A_797] {strides = array<i32>} : memref<128x256xf32, #tpu.memory_space<vmem>>, vector<1x16xf32>,
        %get3A_799 = vector.shape_cast %get3A_798 : vector<1x16xf32> to vector<16xf32>
        %mul3A_800 = arith.mulf %get3A_73, %get3A_799 : vector<16xf32>
        %add3A_801 = arith.addf %add3A_791, %mul3A_800 : vector<16xf32>
        %mul3A_802 = arith.constant 8 : i32
        %mul3A_803 = arith.muli %scan3A_26, %mul3A_802 : i32
        %add3A_804 = arith.constant 6 : i32
        %add3A_805 = arith.addi %mul3A_803, %add3A_804 : i32
        %get3A_806 = arith.index_cast %add3A_805 : i32 to index
        %get3A_807 = arith.constant 128 : index
        %get3A_808 = tpu.vector_load %arg8[%get3A_806, %get3A_807] {strides = array<i32>} : memref<128x256xf32, #tpu.memory_space<vmem>>, vector<1x16xf32>,
        %get3A_809 = vector.shape_cast %get3A_808 : vector<1x16xf32> to vector<16xf32>
        %mul3A_810 = arith.mulf %get3A_81, %get3A_809 : vector<16xf32>
        %add3A_811 = arith.addf %add3A_801, %mul3A_810 : vector<16xf32>
        %mul3A_812 = arith.constant 8 : i32
        %mul3A_813 = arith.muli %scan3A_26, %mul3A_812 : i32
        %add3A_814 = arith.constant 7 : i32
        %add3A_815 = arith.addi %mul3A_813, %add3A_814 : i32
        %get3A_816 = arith.index_cast %add3A_815 : i32 to index
        %get3A_817 = arith.constant 128 : index
        %get3A_818 = tpu.vector_load %arg8[%get3A_816, %get3A_817] {strides = array<i32>} : memref<128x256xf32, #tpu.memory_space<vmem>>, vector<1x16xf32>,
        %get3A_819 = vector.shape_cast %get3A_818 : vector<1x16xf32> to vector<16xf32>
        %mul3A_820 = arith.mulf %get3A_89, %get3A_819 : vector<16xf32>
        %add3A_821 = arith.addf %add3A_811, %mul3A_820 : vector<16xf32>
        %swap3A_822 = arith.index_cast %scan3A_26 : i32 to index
        %swap3A_823 = arith.constant 128 : index
        %swap3A_824 = tpu.vector_load %arg9[%swap3A_822, %swap3A_823] {strides = array<i32>} : memref<16x256xf32, #tpu.memory_space<vmem>>, vector<1x16xf32>,
        %swap3A_825 = vector.shape_cast %swap3A_824 : vector<1x16xf32> to vector<16xf32>
        %swap3A_826 = vector.shape_cast %add3A_821 : vector<16xf32> to vector<1x16xf32>
        tpu.vector_store %arg9[%swap3A_822, %swap3A_823], %swap3A_826 {strides = array<i32>} : memref<16x256xf32, #tpu.memory_space<vmem>>, vector<1x16xf32>,
        %mul3A_827 = arith.constant 8 : i32
        %mul3A_828 = arith.muli %scan3A_26, %mul3A_827 : i32
        %get3A_829 = arith.index_cast %mul3A_828 : i32 to index
        %get3A_830 = arith.constant 144 : index
        %get3A_831 = tpu.vector_load %arg8[%get3A_829, %get3A_830] {strides = array<i32>} : memref<128x256xf32, #tpu.memory_space<vmem>>, vector<1x16xf32>,
        %get3A_832 = vector.shape_cast %get3A_831 : vector<1x16xf32> to vector<16xf32>
        %mul3A_833 = arith.mulf %get3A_33, %get3A_832 : vector<16xf32>
        %mul3A_834 = arith.constant 8 : i32
        %mul3A_835 = arith.muli %scan3A_26, %mul3A_834 : i32
        %add3A_836 = arith.constant 1 : i32
        %add3A_837 = arith.addi %mul3A_835, %add3A_836 : i32
        %get3A_838 = arith.index_cast %add3A_837 : i32 to index
        %get3A_839 = arith.constant 144 : index
        %get3A_840 = tpu.vector_load %arg8[%get3A_838, %get3A_839] {strides = array<i32>} : memref<128x256xf32, #tpu.memory_space<vmem>>, vector<1x16xf32>,
        %get3A_841 = vector.shape_cast %get3A_840 : vector<1x16xf32> to vector<16xf32>
        %mul3A_842 = arith.mulf %get3A_41, %get3A_841 : vector<16xf32>
        %add3A_843 = arith.addf %mul3A_833, %mul3A_842 : vector<16xf32>
        %mul3A_844 = arith.constant 8 : i32
        %mul3A_845 = arith.muli %scan3A_26, %mul3A_844 : i32
        %add3A_846 = arith.constant 2 : i32
        %add3A_847 = arith.addi %mul3A_845, %add3A_846 : i32
        %get3A_848 = arith.index_cast %add3A_847 : i32 to index
        %get3A_849 = arith.constant 144 : index
        %get3A_850 = tpu.vector_load %arg8[%get3A_848, %get3A_849] {strides = array<i32>} : memref<128x256xf32, #tpu.memory_space<vmem>>, vector<1x16xf32>,
        %get3A_851 = vector.shape_cast %get3A_850 : vector<1x16xf32> to vector<16xf32>
        %mul3A_852 = arith.mulf %get3A_49, %get3A_851 : vector<16xf32>
        %add3A_853 = arith.addf %add3A_843, %mul3A_852 : vector<16xf32>
        %mul3A_854 = arith.constant 8 : i32
        %mul3A_855 = arith.muli %scan3A_26, %mul3A_854 : i32
        %add3A_856 = arith.constant 3 : i32
        %add3A_857 = arith.addi %mul3A_855, %add3A_856 : i32
        %get3A_858 = arith.index_cast %add3A_857 : i32 to index
        %get3A_859 = arith.constant 144 : index
        %get3A_860 = tpu.vector_load %arg8[%get3A_858, %get3A_859] {strides = array<i32>} : memref<128x256xf32, #tpu.memory_space<vmem>>, vector<1x16xf32>,
        %get3A_861 = vector.shape_cast %get3A_860 : vector<1x16xf32> to vector<16xf32>
        %mul3A_862 = arith.mulf %get3A_57, %get3A_861 : vector<16xf32>
        %add3A_863 = arith.addf %add3A_853, %mul3A_862 : vector<16xf32>
        %mul3A_864 = arith.constant 8 : i32
        %mul3A_865 = arith.muli %scan3A_26, %mul3A_864 : i32
        %add3A_866 = arith.constant 4 : i32
        %add3A_867 = arith.addi %mul3A_865, %add3A_866 : i32
        %get3A_868 = arith.index_cast %add3A_867 : i32 to index
        %get3A_869 = arith.constant 144 : index
        %get3A_870 = tpu.vector_load %arg8[%get3A_868, %get3A_869] {strides = array<i32>} : memref<128x256xf32, #tpu.memory_space<vmem>>, vector<1x16xf32>,
        %get3A_871 = vector.shape_cast %get3A_870 : vector<1x16xf32> to vector<16xf32>
        %mul3A_872 = arith.mulf %get3A_65, %get3A_871 : vector<16xf32>
        %add3A_873 = arith.addf %add3A_863, %mul3A_872 : vector<16xf32>
        %mul3A_874 = arith.constant 8 : i32
        %mul3A_875 = arith.muli %scan3A_26, %mul3A_874 : i32
        %add3A_876 = arith.constant 5 : i32
        %add3A_877 = arith.addi %mul3A_875, %add3A_876 : i32
        %get3A_878 = arith.index_cast %add3A_877 : i32 to index
        %get3A_879 = arith.constant 144 : index
        %get3A_880 = tpu.vector_load %arg8[%get3A_878, %get3A_879] {strides = array<i32>} : memref<128x256xf32, #tpu.memory_space<vmem>>, vector<1x16xf32>,
        %get3A_881 = vector.shape_cast %get3A_880 : vector<1x16xf32> to vector<16xf32>
        %mul3A_882 = arith.mulf %get3A_73, %get3A_881 : vector<16xf32>
        %add3A_883 = arith.addf %add3A_873, %mul3A_882 : vector<16xf32>
        %mul3A_884 = arith.constant 8 : i32
        %mul3A_885 = arith.muli %scan3A_26, %mul3A_884 : i32
        %add3A_886 = arith.constant 6 : i32
        %add3A_887 = arith.addi %mul3A_885, %add3A_886 : i32
        %get3A_888 = arith.index_cast %add3A_887 : i32 to index
        %get3A_889 = arith.constant 144 : index
        %get3A_890 = tpu.vector_load %arg8[%get3A_888, %get3A_889] {strides = array<i32>} : memref<128x256xf32, #tpu.memory_space<vmem>>, vector<1x16xf32>,
        %get3A_891 = vector.shape_cast %get3A_890 : vector<1x16xf32> to vector<16xf32>
        %mul3A_892 = arith.mulf %get3A_81, %get3A_891 : vector<16xf32>
        %add3A_893 = arith.addf %add3A_883, %mul3A_892 : vector<16xf32>
        %mul3A_894 = arith.constant 8 : i32
        %mul3A_895 = arith.muli %scan3A_26, %mul3A_894 : i32
        %add3A_896 = arith.constant 7 : i32
        %add3A_897 = arith.addi %mul3A_895, %add3A_896 : i32
        %get3A_898 = arith.index_cast %add3A_897 : i32 to index
        %get3A_899 = arith.constant 144 : index
        %get3A_900 = tpu.vector_load %arg8[%get3A_898, %get3A_899] {strides = array<i32>} : memref<128x256xf32, #tpu.memory_space<vmem>>, vector<1x16xf32>,
        %get3A_901 = vector.shape_cast %get3A_900 : vector<1x16xf32> to vector<16xf32>
        %mul3A_902 = arith.mulf %get3A_89, %get3A_901 : vector<16xf32>
        %add3A_903 = arith.addf %add3A_893, %mul3A_902 : vector<16xf32>
        %swap3A_904 = arith.index_cast %scan3A_26 : i32 to index
        %swap3A_905 = arith.constant 144 : index
        %swap3A_906 = tpu.vector_load %arg9[%swap3A_904, %swap3A_905] {strides = array<i32>} : memref<16x256xf32, #tpu.memory_space<vmem>>, vector<1x16xf32>,
        %swap3A_907 = vector.shape_cast %swap3A_906 : vector<1x16xf32> to vector<16xf32>
        %swap3A_908 = vector.shape_cast %add3A_903 : vector<16xf32> to vector<1x16xf32>
        tpu.vector_store %arg9[%swap3A_904, %swap3A_905], %swap3A_908 {strides = array<i32>} : memref<16x256xf32, #tpu.memory_space<vmem>>, vector<1x16xf32>,
        %mul3A_909 = arith.constant 8 : i32
        %mul3A_910 = arith.muli %scan3A_26, %mul3A_909 : i32
        %get3A_911 = arith.index_cast %mul3A_910 : i32 to index
        %get3A_912 = arith.constant 160 : index
        %get3A_913 = tpu.vector_load %arg8[%get3A_911, %get3A_912] {strides = array<i32>} : memref<128x256xf32, #tpu.memory_space<vmem>>, vector<1x16xf32>,
        %get3A_914 = vector.shape_cast %get3A_913 : vector<1x16xf32> to vector<16xf32>
        %mul3A_915 = arith.mulf %get3A_33, %get3A_914 : vector<16xf32>
        %mul3A_916 = arith.constant 8 : i32
        %mul3A_917 = arith.muli %scan3A_26, %mul3A_916 : i32
        %add3A_918 = arith.constant 1 : i32
        %add3A_919 = arith.addi %mul3A_917, %add3A_918 : i32
        %get3A_920 = arith.index_cast %add3A_919 : i32 to index
        %get3A_921 = arith.constant 160 : index
        %get3A_922 = tpu.vector_load %arg8[%get3A_920, %get3A_921] {strides = array<i32>} : memref<128x256xf32, #tpu.memory_space<vmem>>, vector<1x16xf32>,
        %get3A_923 = vector.shape_cast %get3A_922 : vector<1x16xf32> to vector<16xf32>
        %mul3A_924 = arith.mulf %get3A_41, %get3A_923 : vector<16xf32>
        %add3A_925 = arith.addf %mul3A_915, %mul3A_924 : vector<16xf32>
        %mul3A_926 = arith.constant 8 : i32
        %mul3A_927 = arith.muli %scan3A_26, %mul3A_926 : i32
        %add3A_928 = arith.constant 2 : i32
        %add3A_929 = arith.addi %mul3A_927, %add3A_928 : i32
        %get3A_930 = arith.index_cast %add3A_929 : i32 to index
        %get3A_931 = arith.constant 160 : index
        %get3A_932 = tpu.vector_load %arg8[%get3A_930, %get3A_931] {strides = array<i32>} : memref<128x256xf32, #tpu.memory_space<vmem>>, vector<1x16xf32>,
        %get3A_933 = vector.shape_cast %get3A_932 : vector<1x16xf32> to vector<16xf32>
        %mul3A_934 = arith.mulf %get3A_49, %get3A_933 : vector<16xf32>
        %add3A_935 = arith.addf %add3A_925, %mul3A_934 : vector<16xf32>
        %mul3A_936 = arith.constant 8 : i32
        %mul3A_937 = arith.muli %scan3A_26, %mul3A_936 : i32
        %add3A_938 = arith.constant 3 : i32
        %add3A_939 = arith.addi %mul3A_937, %add3A_938 : i32
        %get3A_940 = arith.index_cast %add3A_939 : i32 to index
        %get3A_941 = arith.constant 160 : index
        %get3A_942 = tpu.vector_load %arg8[%get3A_940, %get3A_941] {strides = array<i32>} : memref<128x256xf32, #tpu.memory_space<vmem>>, vector<1x16xf32>,
        %get3A_943 = vector.shape_cast %get3A_942 : vector<1x16xf32> to vector<16xf32>
        %mul3A_944 = arith.mulf %get3A_57, %get3A_943 : vector<16xf32>
        %add3A_945 = arith.addf %add3A_935, %mul3A_944 : vector<16xf32>
        %mul3A_946 = arith.constant 8 : i32
        %mul3A_947 = arith.muli %scan3A_26, %mul3A_946 : i32
        %add3A_948 = arith.constant 4 : i32
        %add3A_949 = arith.addi %mul3A_947, %add3A_948 : i32
        %get3A_950 = arith.index_cast %add3A_949 : i32 to index
        %get3A_951 = arith.constant 160 : index
        %get3A_952 = tpu.vector_load %arg8[%get3A_950, %get3A_951] {strides = array<i32>} : memref<128x256xf32, #tpu.memory_space<vmem>>, vector<1x16xf32>,
        %get3A_953 = vector.shape_cast %get3A_952 : vector<1x16xf32> to vector<16xf32>
        %mul3A_954 = arith.mulf %get3A_65, %get3A_953 : vector<16xf32>
        %add3A_955 = arith.addf %add3A_945, %mul3A_954 : vector<16xf32>
        %mul3A_956 = arith.constant 8 : i32
        %mul3A_957 = arith.muli %scan3A_26, %mul3A_956 : i32
        %add3A_958 = arith.constant 5 : i32
        %add3A_959 = arith.addi %mul3A_957, %add3A_958 : i32
        %get3A_960 = arith.index_cast %add3A_959 : i32 to index
        %get3A_961 = arith.constant 160 : index
        %get3A_962 = tpu.vector_load %arg8[%get3A_960, %get3A_961] {strides = array<i32>} : memref<128x256xf32, #tpu.memory_space<vmem>>, vector<1x16xf32>,
        %get3A_963 = vector.shape_cast %get3A_962 : vector<1x16xf32> to vector<16xf32>
        %mul3A_964 = arith.mulf %get3A_73, %get3A_963 : vector<16xf32>
        %add3A_965 = arith.addf %add3A_955, %mul3A_964 : vector<16xf32>
        %mul3A_966 = arith.constant 8 : i32
        %mul3A_967 = arith.muli %scan3A_26, %mul3A_966 : i32
        %add3A_968 = arith.constant 6 : i32
        %add3A_969 = arith.addi %mul3A_967, %add3A_968 : i32
        %get3A_970 = arith.index_cast %add3A_969 : i32 to index
        %get3A_971 = arith.constant 160 : index
        %get3A_972 = tpu.vector_load %arg8[%get3A_970, %get3A_971] {strides = array<i32>} : memref<128x256xf32, #tpu.memory_space<vmem>>, vector<1x16xf32>,
        %get3A_973 = vector.shape_cast %get3A_972 : vector<1x16xf32> to vector<16xf32>
        %mul3A_974 = arith.mulf %get3A_81, %get3A_973 : vector<16xf32>
        %add3A_975 = arith.addf %add3A_965, %mul3A_974 : vector<16xf32>
        %mul3A_976 = arith.constant 8 : i32
        %mul3A_977 = arith.muli %scan3A_26, %mul3A_976 : i32
        %add3A_978 = arith.constant 7 : i32
        %add3A_979 = arith.addi %mul3A_977, %add3A_978 : i32
        %get3A_980 = arith.index_cast %add3A_979 : i32 to index
        %get3A_981 = arith.constant 160 : index
        %get3A_982 = tpu.vector_load %arg8[%get3A_980, %get3A_981] {strides = array<i32>} : memref<128x256xf32, #tpu.memory_space<vmem>>, vector<1x16xf32>,
        %get3A_983 = vector.shape_cast %get3A_982 : vector<1x16xf32> to vector<16xf32>
        %mul3A_984 = arith.mulf %get3A_89, %get3A_983 : vector<16xf32>
        %add3A_985 = arith.addf %add3A_975, %mul3A_984 : vector<16xf32>
        %swap3A_986 = arith.index_cast %scan3A_26 : i32 to index
        %swap3A_987 = arith.constant 160 : index
        %swap3A_988 = tpu.vector_load %arg9[%swap3A_986, %swap3A_987] {strides = array<i32>} : memref<16x256xf32, #tpu.memory_space<vmem>>, vector<1x16xf32>,
        %swap3A_989 = vector.shape_cast %swap3A_988 : vector<1x16xf32> to vector<16xf32>
        %swap3A_990 = vector.shape_cast %add3A_985 : vector<16xf32> to vector<1x16xf32>
        tpu.vector_store %arg9[%swap3A_986, %swap3A_987], %swap3A_990 {strides = array<i32>} : memref<16x256xf32, #tpu.memory_space<vmem>>, vector<1x16xf32>,
        %mul3A_991 = arith.constant 8 : i32
        %mul3A_992 = arith.muli %scan3A_26, %mul3A_991 : i32
        %get3A_993 = arith.index_cast %mul3A_992 : i32 to index
        %get3A_994 = arith.constant 176 : index
        %get3A_995 = tpu.vector_load %arg8[%get3A_993, %get3A_994] {strides = array<i32>} : memref<128x256xf32, #tpu.memory_space<vmem>>, vector<1x16xf32>,
        %get3A_996 = vector.shape_cast %get3A_995 : vector<1x16xf32> to vector<16xf32>
        %mul3A_997 = arith.mulf %get3A_33, %get3A_996 : vector<16xf32>
        %mul3A_998 = arith.constant 8 : i32
        %mul3A_999 = arith.muli %scan3A_26, %mul3A_998 : i32
        %add3A_1000 = arith.constant 1 : i32
        %add3A_1001 = arith.addi %mul3A_999, %add3A_1000 : i32
        %get3A_1002 = arith.index_cast %add3A_1001 : i32 to index
        %get3A_1003 = arith.constant 176 : index
        %get3A_1004 = tpu.vector_load %arg8[%get3A_1002, %get3A_1003] {strides = array<i32>} : memref<128x256xf32, #tpu.memory_space<vmem>>, vector<1x16xf32>,
        %get3A_1005 = vector.shape_cast %get3A_1004 : vector<1x16xf32> to vector<16xf32>
        %mul3A_1006 = arith.mulf %get3A_41, %get3A_1005 : vector<16xf32>
        %add3A_1007 = arith.addf %mul3A_997, %mul3A_1006 : vector<16xf32>
        %mul3A_1008 = arith.constant 8 : i32
        %mul3A_1009 = arith.muli %scan3A_26, %mul3A_1008 : i32
        %add3A_1010 = arith.constant 2 : i32
        %add3A_1011 = arith.addi %mul3A_1009, %add3A_1010 : i32
        %get3A_1012 = arith.index_cast %add3A_1011 : i32 to index
        %get3A_1013 = arith.constant 176 : index
        %get3A_1014 = tpu.vector_load %arg8[%get3A_1012, %get3A_1013] {strides = array<i32>} : memref<128x256xf32, #tpu.memory_space<vmem>>, vector<1x16xf32>,
        %get3A_1015 = vector.shape_cast %get3A_1014 : vector<1x16xf32> to vector<16xf32>
        %mul3A_1016 = arith.mulf %get3A_49, %get3A_1015 : vector<16xf32>
        %add3A_1017 = arith.addf %add3A_1007, %mul3A_1016 : vector<16xf32>
        %mul3A_1018 = arith.constant 8 : i32
        %mul3A_1019 = arith.muli %scan3A_26, %mul3A_1018 : i32
        %add3A_1020 = arith.constant 3 : i32
        %add3A_1021 = arith.addi %mul3A_1019, %add3A_1020 : i32
        %get3A_1022 = arith.index_cast %add3A_1021 : i32 to index
        %get3A_1023 = arith.constant 176 : index
        %get3A_1024 = tpu.vector_load %arg8[%get3A_1022, %get3A_1023] {strides = array<i32>} : memref<128x256xf32, #tpu.memory_space<vmem>>, vector<1x16xf32>,
        %get3A_1025 = vector.shape_cast %get3A_1024 : vector<1x16xf32> to vector<16xf32>
        %mul3A_1026 = arith.mulf %get3A_57, %get3A_1025 : vector<16xf32>
        %add3A_1027 = arith.addf %add3A_1017, %mul3A_1026 : vector<16xf32>
        %mul3A_1028 = arith.constant 8 : i32
        %mul3A_1029 = arith.muli %scan3A_26, %mul3A_1028 : i32
        %add3A_1030 = arith.constant 4 : i32
        %add3A_1031 = arith.addi %mul3A_1029, %add3A_1030 : i32
        %get3A_1032 = arith.index_cast %add3A_1031 : i32 to index
        %get3A_1033 = arith.constant 176 : index
        %get3A_1034 = tpu.vector_load %arg8[%get3A_1032, %get3A_1033] {strides = array<i32>} : memref<128x256xf32, #tpu.memory_space<vmem>>, vector<1x16xf32>,
        %get3A_1035 = vector.shape_cast %get3A_1034 : vector<1x16xf32> to vector<16xf32>
        %mul3A_1036 = arith.mulf %get3A_65, %get3A_1035 : vector<16xf32>
        %add3A_1037 = arith.addf %add3A_1027, %mul3A_1036 : vector<16xf32>
        %mul3A_1038 = arith.constant 8 : i32
        %mul3A_1039 = arith.muli %scan3A_26, %mul3A_1038 : i32
        %add3A_1040 = arith.constant 5 : i32
        %add3A_1041 = arith.addi %mul3A_1039, %add3A_1040 : i32
        %get3A_1042 = arith.index_cast %add3A_1041 : i32 to index
        %get3A_1043 = arith.constant 176 : index
        %get3A_1044 = tpu.vector_load %arg8[%get3A_1042, %get3A_1043] {strides = array<i32>} : memref<128x256xf32, #tpu.memory_space<vmem>>, vector<1x16xf32>,
        %get3A_1045 = vector.shape_cast %get3A_1044 : vector<1x16xf32> to vector<16xf32>
        %mul3A_1046 = arith.mulf %get3A_73, %get3A_1045 : vector<16xf32>
        %add3A_1047 = arith.addf %add3A_1037, %mul3A_1046 : vector<16xf32>
        %mul3A_1048 = arith.constant 8 : i32
        %mul3A_1049 = arith.muli %scan3A_26, %mul3A_1048 : i32
        %add3A_1050 = arith.constant 6 : i32
        %add3A_1051 = arith.addi %mul3A_1049, %add3A_1050 : i32
        %get3A_1052 = arith.index_cast %add3A_1051 : i32 to index
        %get3A_1053 = arith.constant 176 : index
        %get3A_1054 = tpu.vector_load %arg8[%get3A_1052, %get3A_1053] {strides = array<i32>} : memref<128x256xf32, #tpu.memory_space<vmem>>, vector<1x16xf32>,
        %get3A_1055 = vector.shape_cast %get3A_1054 : vector<1x16xf32> to vector<16xf32>
        %mul3A_1056 = arith.mulf %get3A_81, %get3A_1055 : vector<16xf32>
        %add3A_1057 = arith.addf %add3A_1047, %mul3A_1056 : vector<16xf32>
        %mul3A_1058 = arith.constant 8 : i32
        %mul3A_1059 = arith.muli %scan3A_26, %mul3A_1058 : i32
        %add3A_1060 = arith.constant 7 : i32
        %add3A_1061 = arith.addi %mul3A_1059, %add3A_1060 : i32
        %get3A_1062 = arith.index_cast %add3A_1061 : i32 to index
        %get3A_1063 = arith.constant 176 : index
        %get3A_1064 = tpu.vector_load %arg8[%get3A_1062, %get3A_1063] {strides = array<i32>} : memref<128x256xf32, #tpu.memory_space<vmem>>, vector<1x16xf32>,
        %get3A_1065 = vector.shape_cast %get3A_1064 : vector<1x16xf32> to vector<16xf32>
        %mul3A_1066 = arith.mulf %get3A_89, %get3A_1065 : vector<16xf32>
        %add3A_1067 = arith.addf %add3A_1057, %mul3A_1066 : vector<16xf32>
        %swap3A_1068 = arith.index_cast %scan3A_26 : i32 to index
        %swap3A_1069 = arith.constant 176 : index
        %swap3A_1070 = tpu.vector_load %arg9[%swap3A_1068, %swap3A_1069] {strides = array<i32>} : memref<16x256xf32, #tpu.memory_space<vmem>>, vector<1x16xf32>,
        %swap3A_1071 = vector.shape_cast %swap3A_1070 : vector<1x16xf32> to vector<16xf32>
        %swap3A_1072 = vector.shape_cast %add3A_1067 : vector<16xf32> to vector<1x16xf32>
        tpu.vector_store %arg9[%swap3A_1068, %swap3A_1069], %swap3A_1072 {strides = array<i32>} : memref<16x256xf32, #tpu.memory_space<vmem>>, vector<1x16xf32>,
        %mul3A_1073 = arith.constant 8 : i32
        %mul3A_1074 = arith.muli %scan3A_26, %mul3A_1073 : i32
        %get3A_1075 = arith.index_cast %mul3A_1074 : i32 to index
        %get3A_1076 = arith.constant 192 : index
        %get3A_1077 = tpu.vector_load %arg8[%get3A_1075, %get3A_1076] {strides = array<i32>} : memref<128x256xf32, #tpu.memory_space<vmem>>, vector<1x16xf32>,
        %get3A_1078 = vector.shape_cast %get3A_1077 : vector<1x16xf32> to vector<16xf32>
        %mul3A_1079 = arith.mulf %get3A_33, %get3A_1078 : vector<16xf32>
        %mul3A_1080 = arith.constant 8 : i32
        %mul3A_1081 = arith.muli %scan3A_26, %mul3A_1080 : i32
        %add3A_1082 = arith.constant 1 : i32
        %add3A_1083 = arith.addi %mul3A_1081, %add3A_1082 : i32
        %get3A_1084 = arith.index_cast %add3A_1083 : i32 to index
        %get3A_1085 = arith.constant 192 : index
        %get3A_1086 = tpu.vector_load %arg8[%get3A_1084, %get3A_1085] {strides = array<i32>} : memref<128x256xf32, #tpu.memory_space<vmem>>, vector<1x16xf32>,
        %get3A_1087 = vector.shape_cast %get3A_1086 : vector<1x16xf32> to vector<16xf32>
        %mul3A_1088 = arith.mulf %get3A_41, %get3A_1087 : vector<16xf32>
        %add3A_1089 = arith.addf %mul3A_1079, %mul3A_1088 : vector<16xf32>
        %mul3A_1090 = arith.constant 8 : i32
        %mul3A_1091 = arith.muli %scan3A_26, %mul3A_1090 : i32
        %add3A_1092 = arith.constant 2 : i32
        %add3A_1093 = arith.addi %mul3A_1091, %add3A_1092 : i32
        %get3A_1094 = arith.index_cast %add3A_1093 : i32 to index
        %get3A_1095 = arith.constant 192 : index
        %get3A_1096 = tpu.vector_load %arg8[%get3A_1094, %get3A_1095] {strides = array<i32>} : memref<128x256xf32, #tpu.memory_space<vmem>>, vector<1x16xf32>,
        %get3A_1097 = vector.shape_cast %get3A_1096 : vector<1x16xf32> to vector<16xf32>
        %mul3A_1098 = arith.mulf %get3A_49, %get3A_1097 : vector<16xf32>
        %add3A_1099 = arith.addf %add3A_1089, %mul3A_1098 : vector<16xf32>
        %mul3A_1100 = arith.constant 8 : i32
        %mul3A_1101 = arith.muli %scan3A_26, %mul3A_1100 : i32
        %add3A_1102 = arith.constant 3 : i32
        %add3A_1103 = arith.addi %mul3A_1101, %add3A_1102 : i32
        %get3A_1104 = arith.index_cast %add3A_1103 : i32 to index
        %get3A_1105 = arith.constant 192 : index
        %get3A_1106 = tpu.vector_load %arg8[%get3A_1104, %get3A_1105] {strides = array<i32>} : memref<128x256xf32, #tpu.memory_space<vmem>>, vector<1x16xf32>,
        %get3A_1107 = vector.shape_cast %get3A_1106 : vector<1x16xf32> to vector<16xf32>
        %mul3A_1108 = arith.mulf %get3A_57, %get3A_1107 : vector<16xf32>
        %add3A_1109 = arith.addf %add3A_1099, %mul3A_1108 : vector<16xf32>
        %mul3A_1110 = arith.constant 8 : i32
        %mul3A_1111 = arith.muli %scan3A_26, %mul3A_1110 : i32
        %add3A_1112 = arith.constant 4 : i32
        %add3A_1113 = arith.addi %mul3A_1111, %add3A_1112 : i32
        %get3A_1114 = arith.index_cast %add3A_1113 : i32 to index
        %get3A_1115 = arith.constant 192 : index
        %get3A_1116 = tpu.vector_load %arg8[%get3A_1114, %get3A_1115] {strides = array<i32>} : memref<128x256xf32, #tpu.memory_space<vmem>>, vector<1x16xf32>,
        %get3A_1117 = vector.shape_cast %get3A_1116 : vector<1x16xf32> to vector<16xf32>
        %mul3A_1118 = arith.mulf %get3A_65, %get3A_1117 : vector<16xf32>
        %add3A_1119 = arith.addf %add3A_1109, %mul3A_1118 : vector<16xf32>
        %mul3A_1120 = arith.constant 8 : i32
        %mul3A_1121 = arith.muli %scan3A_26, %mul3A_1120 : i32
        %add3A_1122 = arith.constant 5 : i32
        %add3A_1123 = arith.addi %mul3A_1121, %add3A_1122 : i32
        %get3A_1124 = arith.index_cast %add3A_1123 : i32 to index
        %get3A_1125 = arith.constant 192 : index
        %get3A_1126 = tpu.vector_load %arg8[%get3A_1124, %get3A_1125] {strides = array<i32>} : memref<128x256xf32, #tpu.memory_space<vmem>>, vector<1x16xf32>,
        %get3A_1127 = vector.shape_cast %get3A_1126 : vector<1x16xf32> to vector<16xf32>
        %mul3A_1128 = arith.mulf %get3A_73, %get3A_1127 : vector<16xf32>
        %add3A_1129 = arith.addf %add3A_1119, %mul3A_1128 : vector<16xf32>
        %mul3A_1130 = arith.constant 8 : i32
        %mul3A_1131 = arith.muli %scan3A_26, %mul3A_1130 : i32
        %add3A_1132 = arith.constant 6 : i32
        %add3A_1133 = arith.addi %mul3A_1131, %add3A_1132 : i32
        %get3A_1134 = arith.index_cast %add3A_1133 : i32 to index
        %get3A_1135 = arith.constant 192 : index
        %get3A_1136 = tpu.vector_load %arg8[%get3A_1134, %get3A_1135] {strides = array<i32>} : memref<128x256xf32, #tpu.memory_space<vmem>>, vector<1x16xf32>,
        %get3A_1137 = vector.shape_cast %get3A_1136 : vector<1x16xf32> to vector<16xf32>
        %mul3A_1138 = arith.mulf %get3A_81, %get3A_1137 : vector<16xf32>
        %add3A_1139 = arith.addf %add3A_1129, %mul3A_1138 : vector<16xf32>
        %mul3A_1140 = arith.constant 8 : i32
        %mul3A_1141 = arith.muli %scan3A_26, %mul3A_1140 : i32
        %add3A_1142 = arith.constant 7 : i32
        %add3A_1143 = arith.addi %mul3A_1141, %add3A_1142 : i32
        %get3A_1144 = arith.index_cast %add3A_1143 : i32 to index
        %get3A_1145 = arith.constant 192 : index
        %get3A_1146 = tpu.vector_load %arg8[%get3A_1144, %get3A_1145] {strides = array<i32>} : memref<128x256xf32, #tpu.memory_space<vmem>>, vector<1x16xf32>,
        %get3A_1147 = vector.shape_cast %get3A_1146 : vector<1x16xf32> to vector<16xf32>
        %mul3A_1148 = arith.mulf %get3A_89, %get3A_1147 : vector<16xf32>
        %add3A_1149 = arith.addf %add3A_1139, %mul3A_1148 : vector<16xf32>
        %swap3A_1150 = arith.index_cast %scan3A_26 : i32 to index
        %swap3A_1151 = arith.constant 192 : index
        %swap3A_1152 = tpu.vector_load %arg9[%swap3A_1150, %swap3A_1151] {strides = array<i32>} : memref<16x256xf32, #tpu.memory_space<vmem>>, vector<1x16xf32>,
        %swap3A_1153 = vector.shape_cast %swap3A_1152 : vector<1x16xf32> to vector<16xf32>
        %swap3A_1154 = vector.shape_cast %add3A_1149 : vector<16xf32> to vector<1x16xf32>
        tpu.vector_store %arg9[%swap3A_1150, %swap3A_1151], %swap3A_1154 {strides = array<i32>} : memref<16x256xf32, #tpu.memory_space<vmem>>, vector<1x16xf32>,
        %mul3A_1155 = arith.constant 8 : i32
        %mul3A_1156 = arith.muli %scan3A_26, %mul3A_1155 : i32
        %get3A_1157 = arith.index_cast %mul3A_1156 : i32 to index
        %get3A_1158 = arith.constant 208 : index
        %get3A_1159 = tpu.vector_load %arg8[%get3A_1157, %get3A_1158] {strides = array<i32>} : memref<128x256xf32, #tpu.memory_space<vmem>>, vector<1x16xf32>,
        %get3A_1160 = vector.shape_cast %get3A_1159 : vector<1x16xf32> to vector<16xf32>
        %mul3A_1161 = arith.mulf %get3A_33, %get3A_1160 : vector<16xf32>
        %mul3A_1162 = arith.constant 8 : i32
        %mul3A_1163 = arith.muli %scan3A_26, %mul3A_1162 : i32
        %add3A_1164 = arith.constant 1 : i32
        %add3A_1165 = arith.addi %mul3A_1163, %add3A_1164 : i32
        %get3A_1166 = arith.index_cast %add3A_1165 : i32 to index
        %get3A_1167 = arith.constant 208 : index
        %get3A_1168 = tpu.vector_load %arg8[%get3A_1166, %get3A_1167] {strides = array<i32>} : memref<128x256xf32, #tpu.memory_space<vmem>>, vector<1x16xf32>,
        %get3A_1169 = vector.shape_cast %get3A_1168 : vector<1x16xf32> to vector<16xf32>
        %mul3A_1170 = arith.mulf %get3A_41, %get3A_1169 : vector<16xf32>
        %add3A_1171 = arith.addf %mul3A_1161, %mul3A_1170 : vector<16xf32>
        %mul3A_1172 = arith.constant 8 : i32
        %mul3A_1173 = arith.muli %scan3A_26, %mul3A_1172 : i32
        %add3A_1174 = arith.constant 2 : i32
        %add3A_1175 = arith.addi %mul3A_1173, %add3A_1174 : i32
        %get3A_1176 = arith.index_cast %add3A_1175 : i32 to index
        %get3A_1177 = arith.constant 208 : index
        %get3A_1178 = tpu.vector_load %arg8[%get3A_1176, %get3A_1177] {strides = array<i32>} : memref<128x256xf32, #tpu.memory_space<vmem>>, vector<1x16xf32>,
        %get3A_1179 = vector.shape_cast %get3A_1178 : vector<1x16xf32> to vector<16xf32>
        %mul3A_1180 = arith.mulf %get3A_49, %get3A_1179 : vector<16xf32>
        %add3A_1181 = arith.addf %add3A_1171, %mul3A_1180 : vector<16xf32>
        %mul3A_1182 = arith.constant 8 : i32
        %mul3A_1183 = arith.muli %scan3A_26, %mul3A_1182 : i32
        %add3A_1184 = arith.constant 3 : i32
        %add3A_1185 = arith.addi %mul3A_1183, %add3A_1184 : i32
        %get3A_1186 = arith.index_cast %add3A_1185 : i32 to index
        %get3A_1187 = arith.constant 208 : index
        %get3A_1188 = tpu.vector_load %arg8[%get3A_1186, %get3A_1187] {strides = array<i32>} : memref<128x256xf32, #tpu.memory_space<vmem>>, vector<1x16xf32>,
        %get3A_1189 = vector.shape_cast %get3A_1188 : vector<1x16xf32> to vector<16xf32>
        %mul3A_1190 = arith.mulf %get3A_57, %get3A_1189 : vector<16xf32>
        %add3A_1191 = arith.addf %add3A_1181, %mul3A_1190 : vector<16xf32>
        %mul3A_1192 = arith.constant 8 : i32
        %mul3A_1193 = arith.muli %scan3A_26, %mul3A_1192 : i32
        %add3A_1194 = arith.constant 4 : i32
        %add3A_1195 = arith.addi %mul3A_1193, %add3A_1194 : i32
        %get3A_1196 = arith.index_cast %add3A_1195 : i32 to index
        %get3A_1197 = arith.constant 208 : index
        %get3A_1198 = tpu.vector_load %arg8[%get3A_1196, %get3A_1197] {strides = array<i32>} : memref<128x256xf32, #tpu.memory_space<vmem>>, vector<1x16xf32>,
        %get3A_1199 = vector.shape_cast %get3A_1198 : vector<1x16xf32> to vector<16xf32>
        %mul3A_1200 = arith.mulf %get3A_65, %get3A_1199 : vector<16xf32>
        %add3A_1201 = arith.addf %add3A_1191, %mul3A_1200 : vector<16xf32>
        %mul3A_1202 = arith.constant 8 : i32
        %mul3A_1203 = arith.muli %scan3A_26, %mul3A_1202 : i32
        %add3A_1204 = arith.constant 5 : i32
        %add3A_1205 = arith.addi %mul3A_1203, %add3A_1204 : i32
        %get3A_1206 = arith.index_cast %add3A_1205 : i32 to index
        %get3A_1207 = arith.constant 208 : index
        %get3A_1208 = tpu.vector_load %arg8[%get3A_1206, %get3A_1207] {strides = array<i32>} : memref<128x256xf32, #tpu.memory_space<vmem>>, vector<1x16xf32>,
        %get3A_1209 = vector.shape_cast %get3A_1208 : vector<1x16xf32> to vector<16xf32>
        %mul3A_1210 = arith.mulf %get3A_73, %get3A_1209 : vector<16xf32>
        %add3A_1211 = arith.addf %add3A_1201, %mul3A_1210 : vector<16xf32>
        %mul3A_1212 = arith.constant 8 : i32
        %mul3A_1213 = arith.muli %scan3A_26, %mul3A_1212 : i32
        %add3A_1214 = arith.constant 6 : i32
        %add3A_1215 = arith.addi %mul3A_1213, %add3A_1214 : i32
        %get3A_1216 = arith.index_cast %add3A_1215 : i32 to index
        %get3A_1217 = arith.constant 208 : index
        %get3A_1218 = tpu.vector_load %arg8[%get3A_1216, %get3A_1217] {strides = array<i32>} : memref<128x256xf32, #tpu.memory_space<vmem>>, vector<1x16xf32>,
        %get3A_1219 = vector.shape_cast %get3A_1218 : vector<1x16xf32> to vector<16xf32>
        %mul3A_1220 = arith.mulf %get3A_81, %get3A_1219 : vector<16xf32>
        %add3A_1221 = arith.addf %add3A_1211, %mul3A_1220 : vector<16xf32>
        %mul3A_1222 = arith.constant 8 : i32
        %mul3A_1223 = arith.muli %scan3A_26, %mul3A_1222 : i32
        %add3A_1224 = arith.constant 7 : i32
        %add3A_1225 = arith.addi %mul3A_1223, %add3A_1224 : i32
        %get3A_1226 = arith.index_cast %add3A_1225 : i32 to index
        %get3A_1227 = arith.constant 208 : index
        %get3A_1228 = tpu.vector_load %arg8[%get3A_1226, %get3A_1227] {strides = array<i32>} : memref<128x256xf32, #tpu.memory_space<vmem>>, vector<1x16xf32>,
        %get3A_1229 = vector.shape_cast %get3A_1228 : vector<1x16xf32> to vector<16xf32>
        %mul3A_1230 = arith.mulf %get3A_89, %get3A_1229 : vector<16xf32>
        %add3A_1231 = arith.addf %add3A_1221, %mul3A_1230 : vector<16xf32>
        %swap3A_1232 = arith.index_cast %scan3A_26 : i32 to index
        %swap3A_1233 = arith.constant 208 : index
        %swap3A_1234 = tpu.vector_load %arg9[%swap3A_1232, %swap3A_1233] {strides = array<i32>} : memref<16x256xf32, #tpu.memory_space<vmem>>, vector<1x16xf32>,
        %swap3A_1235 = vector.shape_cast %swap3A_1234 : vector<1x16xf32> to vector<16xf32>
        %swap3A_1236 = vector.shape_cast %add3A_1231 : vector<16xf32> to vector<1x16xf32>
        tpu.vector_store %arg9[%swap3A_1232, %swap3A_1233], %swap3A_1236 {strides = array<i32>} : memref<16x256xf32, #tpu.memory_space<vmem>>, vector<1x16xf32>,
        %mul3A_1237 = arith.constant 8 : i32
        %mul3A_1238 = arith.muli %scan3A_26, %mul3A_1237 : i32
        %get3A_1239 = arith.index_cast %mul3A_1238 : i32 to index
        %get3A_1240 = arith.constant 224 : index
        %get3A_1241 = tpu.vector_load %arg8[%get3A_1239, %get3A_1240] {strides = array<i32>} : memref<128x256xf32, #tpu.memory_space<vmem>>, vector<1x16xf32>,
        %get3A_1242 = vector.shape_cast %get3A_1241 : vector<1x16xf32> to vector<16xf32>
        %mul3A_1243 = arith.mulf %get3A_33, %get3A_1242 : vector<16xf32>
        %mul3A_1244 = arith.constant 8 : i32
        %mul3A_1245 = arith.muli %scan3A_26, %mul3A_1244 : i32
        %add3A_1246 = arith.constant 1 : i32
        %add3A_1247 = arith.addi %mul3A_1245, %add3A_1246 : i32
        %get3A_1248 = arith.index_cast %add3A_1247 : i32 to index
        %get3A_1249 = arith.constant 224 : index
        %get3A_1250 = tpu.vector_load %arg8[%get3A_1248, %get3A_1249] {strides = array<i32>} : memref<128x256xf32, #tpu.memory_space<vmem>>, vector<1x16xf32>,
        %get3A_1251 = vector.shape_cast %get3A_1250 : vector<1x16xf32> to vector<16xf32>
        %mul3A_1252 = arith.mulf %get3A_41, %get3A_1251 : vector<16xf32>
        %add3A_1253 = arith.addf %mul3A_1243, %mul3A_1252 : vector<16xf32>
        %mul3A_1254 = arith.constant 8 : i32
        %mul3A_1255 = arith.muli %scan3A_26, %mul3A_1254 : i32
        %add3A_1256 = arith.constant 2 : i32
        %add3A_1257 = arith.addi %mul3A_1255, %add3A_1256 : i32
        %get3A_1258 = arith.index_cast %add3A_1257 : i32 to index
        %get3A_1259 = arith.constant 224 : index
        %get3A_1260 = tpu.vector_load %arg8[%get3A_1258, %get3A_1259] {strides = array<i32>} : memref<128x256xf32, #tpu.memory_space<vmem>>, vector<1x16xf32>,
        %get3A_1261 = vector.shape_cast %get3A_1260 : vector<1x16xf32> to vector<16xf32>
        %mul3A_1262 = arith.mulf %get3A_49, %get3A_1261 : vector<16xf32>
        %add3A_1263 = arith.addf %add3A_1253, %mul3A_1262 : vector<16xf32>
        %mul3A_1264 = arith.constant 8 : i32
        %mul3A_1265 = arith.muli %scan3A_26, %mul3A_1264 : i32
        %add3A_1266 = arith.constant 3 : i32
        %add3A_1267 = arith.addi %mul3A_1265, %add3A_1266 : i32
        %get3A_1268 = arith.index_cast %add3A_1267 : i32 to index
        %get3A_1269 = arith.constant 224 : index
        %get3A_1270 = tpu.vector_load %arg8[%get3A_1268, %get3A_1269] {strides = array<i32>} : memref<128x256xf32, #tpu.memory_space<vmem>>, vector<1x16xf32>,
        %get3A_1271 = vector.shape_cast %get3A_1270 : vector<1x16xf32> to vector<16xf32>
        %mul3A_1272 = arith.mulf %get3A_57, %get3A_1271 : vector<16xf32>
        %add3A_1273 = arith.addf %add3A_1263, %mul3A_1272 : vector<16xf32>
        %mul3A_1274 = arith.constant 8 : i32
        %mul3A_1275 = arith.muli %scan3A_26, %mul3A_1274 : i32
        %add3A_1276 = arith.constant 4 : i32
        %add3A_1277 = arith.addi %mul3A_1275, %add3A_1276 : i32
        %get3A_1278 = arith.index_cast %add3A_1277 : i32 to index
        %get3A_1279 = arith.constant 224 : index
        %get3A_1280 = tpu.vector_load %arg8[%get3A_1278, %get3A_1279] {strides = array<i32>} : memref<128x256xf32, #tpu.memory_space<vmem>>, vector<1x16xf32>,
        %get3A_1281 = vector.shape_cast %get3A_1280 : vector<1x16xf32> to vector<16xf32>
        %mul3A_1282 = arith.mulf %get3A_65, %get3A_1281 : vector<16xf32>
        %add3A_1283 = arith.addf %add3A_1273, %mul3A_1282 : vector<16xf32>
        %mul3A_1284 = arith.constant 8 : i32
        %mul3A_1285 = arith.muli %scan3A_26, %mul3A_1284 : i32
        %add3A_1286 = arith.constant 5 : i32
        %add3A_1287 = arith.addi %mul3A_1285, %add3A_1286 : i32
        %get3A_1288 = arith.index_cast %add3A_1287 : i32 to index
        %get3A_1289 = arith.constant 224 : index
        %get3A_1290 = tpu.vector_load %arg8[%get3A_1288, %get3A_1289] {strides = array<i32>} : memref<128x256xf32, #tpu.memory_space<vmem>>, vector<1x16xf32>,
        %get3A_1291 = vector.shape_cast %get3A_1290 : vector<1x16xf32> to vector<16xf32>
        %mul3A_1292 = arith.mulf %get3A_73, %get3A_1291 : vector<16xf32>
        %add3A_1293 = arith.addf %add3A_1283, %mul3A_1292 : vector<16xf32>
        %mul3A_1294 = arith.constant 8 : i32
        %mul3A_1295 = arith.muli %scan3A_26, %mul3A_1294 : i32
        %add3A_1296 = arith.constant 6 : i32
        %add3A_1297 = arith.addi %mul3A_1295, %add3A_1296 : i32
        %get3A_1298 = arith.index_cast %add3A_1297 : i32 to index
        %get3A_1299 = arith.constant 224 : index
        %get3A_1300 = tpu.vector_load %arg8[%get3A_1298, %get3A_1299] {strides = array<i32>} : memref<128x256xf32, #tpu.memory_space<vmem>>, vector<1x16xf32>,
        %get3A_1301 = vector.shape_cast %get3A_1300 : vector<1x16xf32> to vector<16xf32>
        %mul3A_1302 = arith.mulf %get3A_81, %get3A_1301 : vector<16xf32>
        %add3A_1303 = arith.addf %add3A_1293, %mul3A_1302 : vector<16xf32>
        %mul3A_1304 = arith.constant 8 : i32
        %mul3A_1305 = arith.muli %scan3A_26, %mul3A_1304 : i32
        %add3A_1306 = arith.constant 7 : i32
        %add3A_1307 = arith.addi %mul3A_1305, %add3A_1306 : i32
        %get3A_1308 = arith.index_cast %add3A_1307 : i32 to index
        %get3A_1309 = arith.constant 224 : index
        %get3A_1310 = tpu.vector_load %arg8[%get3A_1308, %get3A_1309] {strides = array<i32>} : memref<128x256xf32, #tpu.memory_space<vmem>>, vector<1x16xf32>,
        %get3A_1311 = vector.shape_cast %get3A_1310 : vector<1x16xf32> to vector<16xf32>
        %mul3A_1312 = arith.mulf %get3A_89, %get3A_1311 : vector<16xf32>
        %add3A_1313 = arith.addf %add3A_1303, %mul3A_1312 : vector<16xf32>
        %swap3A_1314 = arith.index_cast %scan3A_26 : i32 to index
        %swap3A_1315 = arith.constant 224 : index
        %swap3A_1316 = tpu.vector_load %arg9[%swap3A_1314, %swap3A_1315] {strides = array<i32>} : memref<16x256xf32, #tpu.memory_space<vmem>>, vector<1x16xf32>,
        %swap3A_1317 = vector.shape_cast %swap3A_1316 : vector<1x16xf32> to vector<16xf32>
        %swap3A_1318 = vector.shape_cast %add3A_1313 : vector<16xf32> to vector<1x16xf32>
        tpu.vector_store %arg9[%swap3A_1314, %swap3A_1315], %swap3A_1318 {strides = array<i32>} : memref<16x256xf32, #tpu.memory_space<vmem>>, vector<1x16xf32>,
        %mul3A_1319 = arith.constant 8 : i32
        %mul3A_1320 = arith.muli %scan3A_26, %mul3A_1319 : i32
        %get3A_1321 = arith.index_cast %mul3A_1320 : i32 to index
        %get3A_1322 = arith.constant 240 : index
        %get3A_1323 = tpu.vector_load %arg8[%get3A_1321, %get3A_1322] {strides = array<i32>} : memref<128x256xf32, #tpu.memory_space<vmem>>, vector<1x16xf32>,
        %get3A_1324 = vector.shape_cast %get3A_1323 : vector<1x16xf32> to vector<16xf32>
        %mul3A_1325 = arith.mulf %get3A_33, %get3A_1324 : vector<16xf32>
        %mul3A_1326 = arith.constant 8 : i32
        %mul3A_1327 = arith.muli %scan3A_26, %mul3A_1326 : i32
        %add3A_1328 = arith.constant 1 : i32
        %add3A_1329 = arith.addi %mul3A_1327, %add3A_1328 : i32
        %get3A_1330 = arith.index_cast %add3A_1329 : i32 to index
        %get3A_1331 = arith.constant 240 : index
        %get3A_1332 = tpu.vector_load %arg8[%get3A_1330, %get3A_1331] {strides = array<i32>} : memref<128x256xf32, #tpu.memory_space<vmem>>, vector<1x16xf32>,
        %get3A_1333 = vector.shape_cast %get3A_1332 : vector<1x16xf32> to vector<16xf32>
        %mul3A_1334 = arith.mulf %get3A_41, %get3A_1333 : vector<16xf32>
        %add3A_1335 = arith.addf %mul3A_1325, %mul3A_1334 : vector<16xf32>
        %mul3A_1336 = arith.constant 8 : i32
        %mul3A_1337 = arith.muli %scan3A_26, %mul3A_1336 : i32
        %add3A_1338 = arith.constant 2 : i32
        %add3A_1339 = arith.addi %mul3A_1337, %add3A_1338 : i32
        %get3A_1340 = arith.index_cast %add3A_1339 : i32 to index
        %get3A_1341 = arith.constant 240 : index
        %get3A_1342 = tpu.vector_load %arg8[%get3A_1340, %get3A_1341] {strides = array<i32>} : memref<128x256xf32, #tpu.memory_space<vmem>>, vector<1x16xf32>,
        %get3A_1343 = vector.shape_cast %get3A_1342 : vector<1x16xf32> to vector<16xf32>
        %mul3A_1344 = arith.mulf %get3A_49, %get3A_1343 : vector<16xf32>
        %add3A_1345 = arith.addf %add3A_1335, %mul3A_1344 : vector<16xf32>
        %mul3A_1346 = arith.constant 8 : i32
        %mul3A_1347 = arith.muli %scan3A_26, %mul3A_1346 : i32
        %add3A_1348 = arith.constant 3 : i32
        %add3A_1349 = arith.addi %mul3A_1347, %add3A_1348 : i32
        %get3A_1350 = arith.index_cast %add3A_1349 : i32 to index
        %get3A_1351 = arith.constant 240 : index
        %get3A_1352 = tpu.vector_load %arg8[%get3A_1350, %get3A_1351] {strides = array<i32>} : memref<128x256xf32, #tpu.memory_space<vmem>>, vector<1x16xf32>,
        %get3A_1353 = vector.shape_cast %get3A_1352 : vector<1x16xf32> to vector<16xf32>
        %mul3A_1354 = arith.mulf %get3A_57, %get3A_1353 : vector<16xf32>
        %add3A_1355 = arith.addf %add3A_1345, %mul3A_1354 : vector<16xf32>
        %mul3A_1356 = arith.constant 8 : i32
        %mul3A_1357 = arith.muli %scan3A_26, %mul3A_1356 : i32
        %add3A_1358 = arith.constant 4 : i32
        %add3A_1359 = arith.addi %mul3A_1357, %add3A_1358 : i32
        %get3A_1360 = arith.index_cast %add3A_1359 : i32 to index
        %get3A_1361 = arith.constant 240 : index
        %get3A_1362 = tpu.vector_load %arg8[%get3A_1360, %get3A_1361] {strides = array<i32>} : memref<128x256xf32, #tpu.memory_space<vmem>>, vector<1x16xf32>,
        %get3A_1363 = vector.shape_cast %get3A_1362 : vector<1x16xf32> to vector<16xf32>
        %mul3A_1364 = arith.mulf %get3A_65, %get3A_1363 : vector<16xf32>
        %add3A_1365 = arith.addf %add3A_1355, %mul3A_1364 : vector<16xf32>
        %mul3A_1366 = arith.constant 8 : i32
        %mul3A_1367 = arith.muli %scan3A_26, %mul3A_1366 : i32
        %add3A_1368 = arith.constant 5 : i32
        %add3A_1369 = arith.addi %mul3A_1367, %add3A_1368 : i32
        %get3A_1370 = arith.index_cast %add3A_1369 : i32 to index
        %get3A_1371 = arith.constant 240 : index
        %get3A_1372 = tpu.vector_load %arg8[%get3A_1370, %get3A_1371] {strides = array<i32>} : memref<128x256xf32, #tpu.memory_space<vmem>>, vector<1x16xf32>,
        %get3A_1373 = vector.shape_cast %get3A_1372 : vector<1x16xf32> to vector<16xf32>
        %mul3A_1374 = arith.mulf %get3A_73, %get3A_1373 : vector<16xf32>
        %add3A_1375 = arith.addf %add3A_1365, %mul3A_1374 : vector<16xf32>
        %mul3A_1376 = arith.constant 8 : i32
        %mul3A_1377 = arith.muli %scan3A_26, %mul3A_1376 : i32
        %add3A_1378 = arith.constant 6 : i32
        %add3A_1379 = arith.addi %mul3A_1377, %add3A_1378 : i32
        %get3A_1380 = arith.index_cast %add3A_1379 : i32 to index
        %get3A_1381 = arith.constant 240 : index
        %get3A_1382 = tpu.vector_load %arg8[%get3A_1380, %get3A_1381] {strides = array<i32>} : memref<128x256xf32, #tpu.memory_space<vmem>>, vector<1x16xf32>,
        %get3A_1383 = vector.shape_cast %get3A_1382 : vector<1x16xf32> to vector<16xf32>
        %mul3A_1384 = arith.mulf %get3A_81, %get3A_1383 : vector<16xf32>
        %add3A_1385 = arith.addf %add3A_1375, %mul3A_1384 : vector<16xf32>
        %mul3A_1386 = arith.constant 8 : i32
        %mul3A_1387 = arith.muli %scan3A_26, %mul3A_1386 : i32
        %add3A_1388 = arith.constant 7 : i32
        %add3A_1389 = arith.addi %mul3A_1387, %add3A_1388 : i32
        %get3A_1390 = arith.index_cast %add3A_1389 : i32 to index
        %get3A_1391 = arith.constant 240 : index
        %get3A_1392 = tpu.vector_load %arg8[%get3A_1390, %get3A_1391] {strides = array<i32>} : memref<128x256xf32, #tpu.memory_space<vmem>>, vector<1x16xf32>,
        %get3A_1393 = vector.shape_cast %get3A_1392 : vector<1x16xf32> to vector<16xf32>
        %mul3A_1394 = arith.mulf %get3A_89, %get3A_1393 : vector<16xf32>
        %add3A_1395 = arith.addf %add3A_1385, %mul3A_1394 : vector<16xf32>
        %swap3A_1396 = arith.index_cast %scan3A_26 : i32 to index
        %swap3A_1397 = arith.constant 240 : index
        %swap3A_1398 = tpu.vector_load %arg9[%swap3A_1396, %swap3A_1397] {strides = array<i32>} : memref<16x256xf32, #tpu.memory_space<vmem>>, vector<1x16xf32>,
        %swap3A_1399 = vector.shape_cast %swap3A_1398 : vector<1x16xf32> to vector<16xf32>
        %swap3A_1400 = vector.shape_cast %add3A_1395 : vector<16xf32> to vector<1x16xf32>
        tpu.vector_store %arg9[%swap3A_1396, %swap3A_1397], %swap3A_1400 {strides = array<i32>} : memref<16x256xf32, #tpu.memory_space<vmem>>, vector<1x16xf32>,
      }
      %scan3A_25 = arith.constant 16 : i32
      "tpu.region"() ({
        %run_scoped3A = tpu.sem_alloc : memref<!tpu.dma_semaphore, #tpu.memory_space<semaphore_mem>>
        %dma_start3A_26 = arith.constant 0 : i32
        %dma_start3A_27 = tpu.memref_slice %arg5[%add3A_11, %dma_start3A_26] : memref<4096x256xf32, #tpu.memory_space<hbm>> -> memref<16x256xf32, #tpu.memory_space<hbm>>
        %dma_start3A_28 = arith.constant 0 : i32
        %dma_start3A_29 = tpu.memref_slice %arg5[%add3A_11, %dma_start3A_28] : memref<4096x256xf32, #tpu.memory_space<hbm>> -> memref<16x256xf32, #tpu.memory_space<hbm>>
        tpu.enqueue_dma source(%arg9 : memref<16x256xf32, #tpu.memory_space<vmem>>) target(%dma_start3A_29 : memref<16x256xf32, #tpu.memory_space<hbm>>) target_semaphore(%run_scoped3A : memref<!tpu.dma_semaphore, #tpu.memory_space<semaphore_mem>>)
        %dma_wait3A_30 = arith.constant 0 : i32
        %dma_wait3A_31 = tpu.memref_slice %arg5[%add3A_11, %dma_wait3A_30] : memref<4096x256xf32, #tpu.memory_space<hbm>> -> memref<16x256xf32, #tpu.memory_space<hbm>>
        %dma_wait3A_32 = arith.constant 0 : i32
        %dma_wait3A_33 = tpu.memref_slice %arg5[%add3A_11, %dma_wait3A_32] : memref<4096x256xf32, #tpu.memory_space<hbm>> -> memref<16x256xf32, #tpu.memory_space<hbm>>
        tpu.wait_dma2 semaphore(%run_scoped3A : memref<!tpu.dma_semaphore, #tpu.memory_space<semaphore_mem>>) src(%arg9 : memref<16x256xf32, #tpu.memory_space<vmem>>) dst(%dma_wait3A_33 : memref<16x256xf32, #tpu.memory_space<hbm>>)
        tpu.yield
      }) : () -> ()
    }
    %scan3A_5 = arith.constant 8 : i32
    return
  }
}

#map = affine_map<(d0, d1) -> (0, 0)>
#map1 = affine_map<(d0, d1) -> (0)>
module attributes {stable_mosaic.version = 14 : i64} {
  func.func @_compact_body(%arg0: i32, %arg1: i32, %arg2: memref<2097152x128xf32, #tpu.memory_space<hbm>>, %arg3: memref<32768xi32, #tpu.memory_space<hbm>>, %arg4: memref<32768x128xf32, #tpu.memory_space<hbm>>, %arg5: memref<128xi32, #tpu.memory_space<vmem>>, %arg6: memref<128x128xf32, #tpu.memory_space<vmem>>, %arg7: memref<!tpu.dma_semaphore, #tpu.memory_space<semaphore_mem>>) attributes {dimension_semantics = [#tpu.dimension_semantics<core_parallel>, #tpu.dimension_semantics<subcore_parallel>], iteration_bounds = array<i64: 2, 16>, scalar_prefetch = 0 : i64, scratch_operands = 3 : i64, tpu.core_type = #tpu.core_type<sc_vector_subcore>, window_params = [{transform_indices = #map}, {transform_indices = #map1}, {transform_indices = #map}]} {
    %mul3A = arith.constant 2 : i32
    %mul3A_0 = arith.muli %arg1, %mul3A : i32
    %add3A = arith.addi %mul3A_0, %arg0 : i32
    %scan3A = arith.constant 0 : i32
    %scan3A_1 = arith.constant 0 : i32
    %scan3A_2 = arith.constant 8 : i32
    %scan3A_3 = arith.addi %scan3A_1, %scan3A_2 : i32
    %scan3A_4 = arith.constant 1 : i32
    scf.for %scan3A_6 = %scan3A_1 to %scan3A_3 step %scan3A_4  : i32 {
      %mul3A_7 = arith.constant 128 : i32
      %mul3A_8 = arith.muli %add3A, %mul3A_7 : i32
      %mul3A_9 = arith.constant 16 : i32
      %mul3A_10 = arith.muli %scan3A_6, %mul3A_9 : i32
      %add3A_11 = arith.addi %mul3A_8, %mul3A_10 : i32
      %mul3A_12 = arith.constant 8 : i32
      %mul3A_13 = arith.muli %add3A_11, %mul3A_12 : i32
      "tpu.region"() ({
        %run_scoped3A = tpu.sem_alloc : memref<!tpu.dma_semaphore, #tpu.memory_space<semaphore_mem>>
        %dma_start3A_20 = tpu.memref_slice %arg3[%mul3A_13] : memref<32768xi32, #tpu.memory_space<hbm>> -> memref<128xi32, #tpu.memory_space<hbm>>
        %dma_start3A_21 = tpu.memref_slice %arg3[%mul3A_13] : memref<32768xi32, #tpu.memory_space<hbm>> -> memref<128xi32, #tpu.memory_space<hbm>>
        tpu.enqueue_dma source(%dma_start3A_21 : memref<128xi32, #tpu.memory_space<hbm>>) target(%arg5 : memref<128xi32, #tpu.memory_space<vmem>>) target_semaphore(%run_scoped3A : memref<!tpu.dma_semaphore, #tpu.memory_space<semaphore_mem>>)
        %dma_wait3A_22 = tpu.memref_slice %arg3[%mul3A_13] : memref<32768xi32, #tpu.memory_space<hbm>> -> memref<128xi32, #tpu.memory_space<hbm>>
        %dma_wait3A_23 = tpu.memref_slice %arg3[%mul3A_13] : memref<32768xi32, #tpu.memory_space<hbm>> -> memref<128xi32, #tpu.memory_space<hbm>>
        tpu.wait_dma2 semaphore(%run_scoped3A : memref<!tpu.dma_semaphore, #tpu.memory_space<semaphore_mem>>) src(%dma_wait3A_23 : memref<128xi32, #tpu.memory_space<hbm>>) dst(%arg5 : memref<128xi32, #tpu.memory_space<vmem>>)
        tpu.yield
      }) : () -> ()
      %dma_start3A = arith.constant 0 : i32
      %dma_start3A_14 = arith.constant 0 : i32
      %dma_start3A_15 = tpu.memref_slice %arg2[%dma_start3A, %dma_start3A_14] : memref<2097152x128xf32, #tpu.memory_space<hbm>> -> memref<2097152x128xf32, #tpu.memory_space<hbm>>
      tpu.enqueue_indirect_dma source(%dma_start3A_15 : memref<2097152x128xf32, #tpu.memory_space<hbm>>) target(%arg6 : memref<128x128xf32, #tpu.memory_space<vmem>>) offsets(%arg5 : memref<128xi32, #tpu.memory_space<vmem>>) semaphore(%arg7 : memref<!tpu.dma_semaphore, #tpu.memory_space<semaphore_mem>>)
      %dma_wait3A = arith.constant 0 : i32
      %dma_wait3A_16 = arith.constant 0 : i32
      %dma_wait3A_17 = tpu.memref_slice %arg2[%dma_wait3A, %dma_wait3A_16] : memref<2097152x128xf32, #tpu.memory_space<hbm>> -> memref<2097152x128xf32, #tpu.memory_space<hbm>>
      tpu.wait_indirect_dma semaphore(%arg7 : memref<!tpu.dma_semaphore, #tpu.memory_space<semaphore_mem>>) src(%dma_wait3A_17 : memref<2097152x128xf32, #tpu.memory_space<hbm>>) dst(%arg6 : memref<128x128xf32, #tpu.memory_space<vmem>>)
      %mul3A_18 = arith.constant 8 : i32
      %mul3A_19 = arith.muli %add3A_11, %mul3A_18 : i32
      "tpu.region"() ({
        %run_scoped3A = tpu.sem_alloc : memref<!tpu.dma_semaphore, #tpu.memory_space<semaphore_mem>>
        %dma_start3A_20 = arith.constant 0 : i32
        %dma_start3A_21 = tpu.memref_slice %arg4[%mul3A_19, %dma_start3A_20] : memref<32768x128xf32, #tpu.memory_space<hbm>> -> memref<128x128xf32, #tpu.memory_space<hbm>>
        %dma_start3A_22 = arith.constant 0 : i32
        %dma_start3A_23 = tpu.memref_slice %arg4[%mul3A_19, %dma_start3A_22] : memref<32768x128xf32, #tpu.memory_space<hbm>> -> memref<128x128xf32, #tpu.memory_space<hbm>>
        tpu.enqueue_dma source(%arg6 : memref<128x128xf32, #tpu.memory_space<vmem>>) target(%dma_start3A_23 : memref<128x128xf32, #tpu.memory_space<hbm>>) target_semaphore(%run_scoped3A : memref<!tpu.dma_semaphore, #tpu.memory_space<semaphore_mem>>)
        %dma_wait3A_24 = arith.constant 0 : i32
        %dma_wait3A_25 = tpu.memref_slice %arg4[%mul3A_19, %dma_wait3A_24] : memref<32768x128xf32, #tpu.memory_space<hbm>> -> memref<128x128xf32, #tpu.memory_space<hbm>>
        %dma_wait3A_26 = arith.constant 0 : i32
        %dma_wait3A_27 = tpu.memref_slice %arg4[%mul3A_19, %dma_wait3A_26] : memref<32768x128xf32, #tpu.memory_space<hbm>> -> memref<128x128xf32, #tpu.memory_space<hbm>>
        tpu.wait_dma2 semaphore(%run_scoped3A : memref<!tpu.dma_semaphore, #tpu.memory_space<semaphore_mem>>) src(%arg6 : memref<128x128xf32, #tpu.memory_space<vmem>>) dst(%dma_wait3A_27 : memref<128x128xf32, #tpu.memory_space<hbm>>)
        tpu.yield
      }) : () -> ()
    }
    %scan3A_5 = arith.constant 8 : i32
    return
  }
}

module attributes {stable_mosaic.version = 14 : i64} {
  func.func @_blocksel_kernel(%arg0: i32, %arg1: memref<1024x512xf32, #tpu.memory_space<vmem>>, %arg2: memref<1024x8xi32, #tpu.memory_space<vmem>>) attributes {dimension_semantics = [#tpu.dimension_semantics<arbitrary>], iteration_bounds = array<i64: 4>, scalar_prefetch = 0 : i64, scratch_operands = 0 : i64, tpu.core_type = #tpu.core_type<tc>, window_params = [{transform_indices = @transform_0, window_bounds = array<i64: 1024, 512>}, {transform_indices = @transform_1, window_bounds = array<i64: 1024, 8>}]} {
    %get3A = arith.constant 0 : index
    %get3A_0 = arith.constant 0 : index
    %get3A_1 = vector.load %arg1[%get3A, %get3A_0] : memref<1024x512xf32, #tpu.memory_space<vmem>>, vector<1024x512xf32>
    %iota3A = tpu.iota {dimensions = array<i32: 1>} : vector<1024x512xi32>
    %reduce_max3A = arith.constant dense<0xFF800000> : vector<1024xf32>
    %reduce_max3A_2 = vector.multi_reduction <maximumf>, %get3A_1, %reduce_max3A [1] : vector<1024x512xf32> to vector<1024xf32>
    %broadcast_in_dim3A = vector.shape_cast %reduce_max3A_2 : vector<1024xf32> to vector<1024x1xf32>
    %eq3A = vector.broadcast %broadcast_in_dim3A : vector<1024x1xf32> to vector<1024x512xf32>
    %eq3A_3 = arith.cmpf oeq, %get3A_1, %eq3A : vector<1024x512xf32>
    %jit3A = arith.constant 1073741824 : i32
    %broadcast_in_dim3A_4 = vector.broadcast %jit3A : i32 to vector<1024x512xi32>
    %select_n3A = arith.select %eq3A_3, %iota3A, %broadcast_in_dim3A_4 : vector<1024x512xi1>, vector<1024x512xi32>
    %reduce_min3A = arith.constant dense<2147483647> : vector<1024xi32>
    %reduce_min3A_5 = vector.multi_reduction <minsi>, %select_n3A, %reduce_min3A [1] : vector<1024x512xi32> to vector<1024xi32>
    %broadcast_in_dim3A_6 = vector.shape_cast %reduce_min3A_5 : vector<1024xi32> to vector<1024x1xi32>
    %eq3A_7 = vector.broadcast %broadcast_in_dim3A_6 : vector<1024x1xi32> to vector<1024x512xi32>
    %eq3A_8 = arith.cmpi eq, %iota3A, %eq3A_7 : vector<1024x512xi32>
    %jit3A_9 = arith.constant 0xFF800000 : f32
    %broadcast_in_dim3A_10 = vector.broadcast %jit3A_9 : f32 to vector<1024x512xf32>
    %select_n3A_11 = arith.select %eq3A_8, %broadcast_in_dim3A_10, %get3A_1 : vector<1024x512xi1>, vector<1024x512xf32>
    %reduce_max3A_12 = arith.constant dense<0xFF800000> : vector<1024xf32>
    %reduce_max3A_13 = vector.multi_reduction <maximumf>, %select_n3A_11, %reduce_max3A_12 [1] : vector<1024x512xf32> to vector<1024xf32>
    %broadcast_in_dim3A_14 = vector.shape_cast %reduce_max3A_13 : vector<1024xf32> to vector<1024x1xf32>
    %eq3A_15 = vector.broadcast %broadcast_in_dim3A_14 : vector<1024x1xf32> to vector<1024x512xf32>
    %eq3A_16 = arith.cmpf oeq, %select_n3A_11, %eq3A_15 : vector<1024x512xf32>
    %jit3A_17 = arith.constant 1073741824 : i32
    %broadcast_in_dim3A_18 = vector.broadcast %jit3A_17 : i32 to vector<1024x512xi32>
    %select_n3A_19 = arith.select %eq3A_16, %iota3A, %broadcast_in_dim3A_18 : vector<1024x512xi1>, vector<1024x512xi32>
    %reduce_min3A_20 = arith.constant dense<2147483647> : vector<1024xi32>
    %reduce_min3A_21 = vector.multi_reduction <minsi>, %select_n3A_19, %reduce_min3A_20 [1] : vector<1024x512xi32> to vector<1024xi32>
    %broadcast_in_dim3A_22 = vector.shape_cast %reduce_min3A_21 : vector<1024xi32> to vector<1024x1xi32>
    %eq3A_23 = vector.broadcast %broadcast_in_dim3A_22 : vector<1024x1xi32> to vector<1024x512xi32>
    %eq3A_24 = arith.cmpi eq, %iota3A, %eq3A_23 : vector<1024x512xi32>
    %jit3A_25 = arith.constant 0xFF800000 : f32
    %broadcast_in_dim3A_26 = vector.broadcast %jit3A_25 : f32 to vector<1024x512xf32>
    %select_n3A_27 = arith.select %eq3A_24, %broadcast_in_dim3A_26, %select_n3A_11 : vector<1024x512xi1>, vector<1024x512xf32>
    %reduce_max3A_28 = arith.constant dense<0xFF800000> : vector<1024xf32>
    %reduce_max3A_29 = vector.multi_reduction <maximumf>, %select_n3A_27, %reduce_max3A_28 [1] : vector<1024x512xf32> to vector<1024xf32>
    %broadcast_in_dim3A_30 = vector.shape_cast %reduce_max3A_29 : vector<1024xf32> to vector<1024x1xf32>
    %eq3A_31 = vector.broadcast %broadcast_in_dim3A_30 : vector<1024x1xf32> to vector<1024x512xf32>
    %eq3A_32 = arith.cmpf oeq, %select_n3A_27, %eq3A_31 : vector<1024x512xf32>
    %jit3A_33 = arith.constant 1073741824 : i32
    %broadcast_in_dim3A_34 = vector.broadcast %jit3A_33 : i32 to vector<1024x512xi32>
    %select_n3A_35 = arith.select %eq3A_32, %iota3A, %broadcast_in_dim3A_34 : vector<1024x512xi1>, vector<1024x512xi32>
    %reduce_min3A_36 = arith.constant dense<2147483647> : vector<1024xi32>
    %reduce_min3A_37 = vector.multi_reduction <minsi>, %select_n3A_35, %reduce_min3A_36 [1] : vector<1024x512xi32> to vector<1024xi32>
    %broadcast_in_dim3A_38 = vector.shape_cast %reduce_min3A_37 : vector<1024xi32> to vector<1024x1xi32>
    %eq3A_39 = vector.broadcast %broadcast_in_dim3A_38 : vector<1024x1xi32> to vector<1024x512xi32>
    %eq3A_40 = arith.cmpi eq, %iota3A, %eq3A_39 : vector<1024x512xi32>
    %jit3A_41 = arith.constant 0xFF800000 : f32
    %broadcast_in_dim3A_42 = vector.broadcast %jit3A_41 : f32 to vector<1024x512xf32>
    %select_n3A_43 = arith.select %eq3A_40, %broadcast_in_dim3A_42, %select_n3A_27 : vector<1024x512xi1>, vector<1024x512xf32>
    %reduce_max3A_44 = arith.constant dense<0xFF800000> : vector<1024xf32>
    %reduce_max3A_45 = vector.multi_reduction <maximumf>, %select_n3A_43, %reduce_max3A_44 [1] : vector<1024x512xf32> to vector<1024xf32>
    %broadcast_in_dim3A_46 = vector.shape_cast %reduce_max3A_45 : vector<1024xf32> to vector<1024x1xf32>
    %eq3A_47 = vector.broadcast %broadcast_in_dim3A_46 : vector<1024x1xf32> to vector<1024x512xf32>
    %eq3A_48 = arith.cmpf oeq, %select_n3A_43, %eq3A_47 : vector<1024x512xf32>
    %jit3A_49 = arith.constant 1073741824 : i32
    %broadcast_in_dim3A_50 = vector.broadcast %jit3A_49 : i32 to vector<1024x512xi32>
    %select_n3A_51 = arith.select %eq3A_48, %iota3A, %broadcast_in_dim3A_50 : vector<1024x512xi1>, vector<1024x512xi32>
    %reduce_min3A_52 = arith.constant dense<2147483647> : vector<1024xi32>
    %reduce_min3A_53 = vector.multi_reduction <minsi>, %select_n3A_51, %reduce_min3A_52 [1] : vector<1024x512xi32> to vector<1024xi32>
    %broadcast_in_dim3A_54 = vector.shape_cast %reduce_min3A_53 : vector<1024xi32> to vector<1024x1xi32>
    %eq3A_55 = vector.broadcast %broadcast_in_dim3A_54 : vector<1024x1xi32> to vector<1024x512xi32>
    %eq3A_56 = arith.cmpi eq, %iota3A, %eq3A_55 : vector<1024x512xi32>
    %jit3A_57 = arith.constant 0xFF800000 : f32
    %broadcast_in_dim3A_58 = vector.broadcast %jit3A_57 : f32 to vector<1024x512xf32>
    %select_n3A_59 = arith.select %eq3A_56, %broadcast_in_dim3A_58, %select_n3A_43 : vector<1024x512xi1>, vector<1024x512xf32>
    %reduce_max3A_60 = arith.constant dense<0xFF800000> : vector<1024xf32>
    %reduce_max3A_61 = vector.multi_reduction <maximumf>, %select_n3A_59, %reduce_max3A_60 [1] : vector<1024x512xf32> to vector<1024xf32>
    %broadcast_in_dim3A_62 = vector.shape_cast %reduce_max3A_61 : vector<1024xf32> to vector<1024x1xf32>
    %eq3A_63 = vector.broadcast %broadcast_in_dim3A_62 : vector<1024x1xf32> to vector<1024x512xf32>
    %eq3A_64 = arith.cmpf oeq, %select_n3A_59, %eq3A_63 : vector<1024x512xf32>
    %jit3A_65 = arith.constant 1073741824 : i32
    %broadcast_in_dim3A_66 = vector.broadcast %jit3A_65 : i32 to vector<1024x512xi32>
    %select_n3A_67 = arith.select %eq3A_64, %iota3A, %broadcast_in_dim3A_66 : vector<1024x512xi1>, vector<1024x512xi32>
    %reduce_min3A_68 = arith.constant dense<2147483647> : vector<1024xi32>
    %reduce_min3A_69 = vector.multi_reduction <minsi>, %select_n3A_67, %reduce_min3A_68 [1] : vector<1024x512xi32> to vector<1024xi32>
    %broadcast_in_dim3A_70 = vector.shape_cast %reduce_min3A_69 : vector<1024xi32> to vector<1024x1xi32>
    %eq3A_71 = vector.broadcast %broadcast_in_dim3A_70 : vector<1024x1xi32> to vector<1024x512xi32>
    %eq3A_72 = arith.cmpi eq, %iota3A, %eq3A_71 : vector<1024x512xi32>
    %jit3A_73 = arith.constant 0xFF800000 : f32
    %broadcast_in_dim3A_74 = vector.broadcast %jit3A_73 : f32 to vector<1024x512xf32>
    %select_n3A_75 = arith.select %eq3A_72, %broadcast_in_dim3A_74, %select_n3A_59 : vector<1024x512xi1>, vector<1024x512xf32>
    %reduce_max3A_76 = arith.constant dense<0xFF800000> : vector<1024xf32>
    %reduce_max3A_77 = vector.multi_reduction <maximumf>, %select_n3A_75, %reduce_max3A_76 [1] : vector<1024x512xf32> to vector<1024xf32>
    %broadcast_in_dim3A_78 = vector.shape_cast %reduce_max3A_77 : vector<1024xf32> to vector<1024x1xf32>
    %eq3A_79 = vector.broadcast %broadcast_in_dim3A_78 : vector<1024x1xf32> to vector<1024x512xf32>
    %eq3A_80 = arith.cmpf oeq, %select_n3A_75, %eq3A_79 : vector<1024x512xf32>
    %jit3A_81 = arith.constant 1073741824 : i32
    %broadcast_in_dim3A_82 = vector.broadcast %jit3A_81 : i32 to vector<1024x512xi32>
    %select_n3A_83 = arith.select %eq3A_80, %iota3A, %broadcast_in_dim3A_82 : vector<1024x512xi1>, vector<1024x512xi32>
    %reduce_min3A_84 = arith.constant dense<2147483647> : vector<1024xi32>
    %reduce_min3A_85 = vector.multi_reduction <minsi>, %select_n3A_83, %reduce_min3A_84 [1] : vector<1024x512xi32> to vector<1024xi32>
    %broadcast_in_dim3A_86 = vector.shape_cast %reduce_min3A_85 : vector<1024xi32> to vector<1024x1xi32>
    %eq3A_87 = vector.broadcast %broadcast_in_dim3A_86 : vector<1024x1xi32> to vector<1024x512xi32>
    %eq3A_88 = arith.cmpi eq, %iota3A, %eq3A_87 : vector<1024x512xi32>
    %jit3A_89 = arith.constant 0xFF800000 : f32
    %broadcast_in_dim3A_90 = vector.broadcast %jit3A_89 : f32 to vector<1024x512xf32>
    %select_n3A_91 = arith.select %eq3A_88, %broadcast_in_dim3A_90, %select_n3A_75 : vector<1024x512xi1>, vector<1024x512xf32>
    %reduce_max3A_92 = arith.constant dense<0xFF800000> : vector<1024xf32>
    %reduce_max3A_93 = vector.multi_reduction <maximumf>, %select_n3A_91, %reduce_max3A_92 [1] : vector<1024x512xf32> to vector<1024xf32>
    %broadcast_in_dim3A_94 = vector.shape_cast %reduce_max3A_93 : vector<1024xf32> to vector<1024x1xf32>
    %eq3A_95 = vector.broadcast %broadcast_in_dim3A_94 : vector<1024x1xf32> to vector<1024x512xf32>
    %eq3A_96 = arith.cmpf oeq, %select_n3A_91, %eq3A_95 : vector<1024x512xf32>
    %jit3A_97 = arith.constant 1073741824 : i32
    %broadcast_in_dim3A_98 = vector.broadcast %jit3A_97 : i32 to vector<1024x512xi32>
    %select_n3A_99 = arith.select %eq3A_96, %iota3A, %broadcast_in_dim3A_98 : vector<1024x512xi1>, vector<1024x512xi32>
    %reduce_min3A_100 = arith.constant dense<2147483647> : vector<1024xi32>
    %reduce_min3A_101 = vector.multi_reduction <minsi>, %select_n3A_99, %reduce_min3A_100 [1] : vector<1024x512xi32> to vector<1024xi32>
    %broadcast_in_dim3A_102 = vector.shape_cast %reduce_min3A_101 : vector<1024xi32> to vector<1024x1xi32>
    %eq3A_103 = vector.broadcast %broadcast_in_dim3A_102 : vector<1024x1xi32> to vector<1024x512xi32>
    %eq3A_104 = arith.cmpi eq, %iota3A, %eq3A_103 : vector<1024x512xi32>
    %jit3A_105 = arith.constant 0xFF800000 : f32
    %broadcast_in_dim3A_106 = vector.broadcast %jit3A_105 : f32 to vector<1024x512xf32>
    %select_n3A_107 = arith.select %eq3A_104, %broadcast_in_dim3A_106, %select_n3A_91 : vector<1024x512xi1>, vector<1024x512xf32>
    %reduce_max3A_108 = arith.constant dense<0xFF800000> : vector<1024xf32>
    %reduce_max3A_109 = vector.multi_reduction <maximumf>, %select_n3A_107, %reduce_max3A_108 [1] : vector<1024x512xf32> to vector<1024xf32>
    %broadcast_in_dim3A_110 = vector.shape_cast %reduce_max3A_109 : vector<1024xf32> to vector<1024x1xf32>
    %eq3A_111 = vector.broadcast %broadcast_in_dim3A_110 : vector<1024x1xf32> to vector<1024x512xf32>
    %eq3A_112 = arith.cmpf oeq, %select_n3A_107, %eq3A_111 : vector<1024x512xf32>
    %jit3A_113 = arith.constant 1073741824 : i32
    %broadcast_in_dim3A_114 = vector.broadcast %jit3A_113 : i32 to vector<1024x512xi32>
    %select_n3A_115 = arith.select %eq3A_112, %iota3A, %broadcast_in_dim3A_114 : vector<1024x512xi1>, vector<1024x512xi32>
    %reduce_min3A_116 = arith.constant dense<2147483647> : vector<1024xi32>
    %reduce_min3A_117 = vector.multi_reduction <minsi>, %select_n3A_115, %reduce_min3A_116 [1] : vector<1024x512xi32> to vector<1024xi32>
    %broadcast_in_dim3A_118 = vector.shape_cast %reduce_min3A_117 : vector<1024xi32> to vector<1024x1xi32>
    %concatenate3A = tpu.concatenate %broadcast_in_dim3A_6, %broadcast_in_dim3A_22, %broadcast_in_dim3A_38, %broadcast_in_dim3A_54, %broadcast_in_dim3A_70, %broadcast_in_dim3A_86, %broadcast_in_dim3A_102, %broadcast_in_dim3A_118 in 1 : vector<1024x1xi32>, vector<1024x1xi32>, vector<1024x1xi32>, vector<1024x1xi32>, vector<1024x1xi32>, vector<1024x1xi32>, vector<1024x1xi32>, vector<1024x1xi32> -> vector<1024x8xi32>
    %swap3A = arith.constant 0 : index
    %swap3A_119 = arith.constant 0 : index
    %swap3A_120 = vector.load %arg2[%swap3A, %swap3A_119] : memref<1024x8xi32, #tpu.memory_space<vmem>>, vector<1024x8xi32>
    tpu.vector_store %arg2[%swap3A, %swap3A_119], %concatenate3A {strides = array<i32>} : memref<1024x8xi32, #tpu.memory_space<vmem>>, vector<1024x8xi32>,
    return
  }
  func.func @transform_0(%arg0: i32) -> (i32, i32) {
    %c0_i32 = arith.constant 0 : i32
    %c0_i32_0 = arith.constant 0 : i32
    return %arg0, %c0_i32 : i32, i32
  }
  func.func @transform_1(%arg0: i32) -> (i32, i32) {
    %c0_i32 = arith.constant 0 : i32
    %c0_i32_0 = arith.constant 0 : i32
    return %arg0, %c0_i32 : i32, i32
  }
}

module attributes {stable_mosaic.version = 14 : i64} {
  func.func @_sim_kernel(%arg0: i32, %arg1: i32, %arg2: memref<1024x256xf32, #tpu.memory_space<vmem>>, %arg3: memref<2048x256xf32, #tpu.memory_space<vmem>>, %arg4: memref<1024x2048xf32, #tpu.memory_space<vmem>>, %arg5: memref<1x1024x16xf32, #tpu.memory_space<vmem>>) attributes {dimension_semantics = [#tpu.dimension_semantics<parallel>, #tpu.dimension_semantics<arbitrary>], iteration_bounds = array<i64: 4, 32>, scalar_prefetch = 0 : i64, scratch_operands = 0 : i64, tpu.core_type = #tpu.core_type<tc>, window_params = [{transform_indices = @transform_0, window_bounds = array<i64: 1024, 256>}, {transform_indices = @transform_1, window_bounds = array<i64: 2048, 256>}, {transform_indices = @transform_2, window_bounds = array<i64: 1024, 2048>}, {transform_indices = @transform_3, window_bounds = array<i64: 1, 1024, 16>}]} {
    %get3A = arith.constant 0 : index
    %get3A_0 = arith.constant 0 : index
    %get3A_1 = vector.load %arg2[%get3A, %get3A_0] : memref<1024x256xf32, #tpu.memory_space<vmem>>, vector<1024x256xf32>
    %mul3A = arith.mulf %get3A_1, %get3A_1 : vector<1024x256xf32>
    %reduce_sum3A = arith.constant dense<0.000000e+00> : vector<1024xf32>
    %reduce_sum3A_2 = vector.multi_reduction <add>, %mul3A, %reduce_sum3A [1] : vector<1024x256xf32> to vector<1024xf32>
    %broadcast_in_dim3A = vector.shape_cast %reduce_sum3A_2 : vector<1024xf32> to vector<1024x1xf32>
    %sqrt3A = math.sqrt %broadcast_in_dim3A : vector<1024x1xf32>
    %jit3A = arith.constant 9.99999996E-13 : f32
    %max3A = vector.broadcast %jit3A : f32 to vector<1024x1xf32>
    %max3A_3 = arith.maximumf %max3A, %sqrt3A : vector<1024x1xf32>
    %div3A = vector.broadcast %max3A_3 : vector<1024x1xf32> to vector<1024x256xf32>
    %div3A_4 = arith.divf %get3A_1, %div3A : vector<1024x256xf32>
    %get3A_5 = arith.constant 0 : index
    %get3A_6 = arith.constant 0 : index
    %get3A_7 = vector.load %arg3[%get3A_5, %get3A_6] : memref<2048x256xf32, #tpu.memory_space<vmem>>, vector<2048x256xf32>
    %mul3A_8 = arith.mulf %get3A_7, %get3A_7 : vector<2048x256xf32>
    %reduce_sum3A_9 = arith.constant dense<0.000000e+00> : vector<2048xf32>
    %reduce_sum3A_10 = vector.multi_reduction <add>, %mul3A_8, %reduce_sum3A_9 [1] : vector<2048x256xf32> to vector<2048xf32>
    %broadcast_in_dim3A_11 = vector.shape_cast %reduce_sum3A_10 : vector<2048xf32> to vector<2048x1xf32>
    %sqrt3A_12 = math.sqrt %broadcast_in_dim3A_11 : vector<2048x1xf32>
    %jit3A_13 = arith.constant 9.99999996E-13 : f32
    %max3A_14 = vector.broadcast %jit3A_13 : f32 to vector<2048x1xf32>
    %max3A_15 = arith.maximumf %max3A_14, %sqrt3A_12 : vector<2048x1xf32>
    %div3A_16 = vector.broadcast %max3A_15 : vector<2048x1xf32> to vector<2048x256xf32>
    %div3A_17 = arith.divf %get3A_7, %div3A_16 : vector<2048x256xf32>
    %dot_general3A = arith.constant dense<0.000000e+00> : vector<1024x2048xf32>
    %dot_general3A_18 = tpu.matmul %div3A_4, %div3A_17, %dot_general3A {dimension_numbers = #tpu.dot_dimension_numbers<[1], [1], [0], [0], [0, 0, 1, 0], [], []>, transpose_lhs_hint = false} : vector<1024x256xf32>, vector<2048x256xf32>, vector<1024x2048xf32> -> vector<1024x2048xf32>
    %swap3A = arith.constant 0 : index
    %swap3A_19 = arith.constant 0 : index
    %swap3A_20 = vector.load %arg4[%swap3A, %swap3A_19] : memref<1024x2048xf32, #tpu.memory_space<vmem>>, vector<1024x2048xf32>
    tpu.vector_store %arg4[%swap3A, %swap3A_19], %dot_general3A_18 {strides = array<i32>} : memref<1024x2048xf32, #tpu.memory_space<vmem>>, vector<1024x2048xf32>,
    %reshape3A = vector.shape_cast %dot_general3A_18 : vector<1024x2048xf32> to vector<1024x16x128xf32>
    %reduce_max3A = arith.constant dense<0xFF800000> : vector<1024x16xf32>
    %reduce_max3A_21 = vector.multi_reduction <maximumf>, %reshape3A, %reduce_max3A [2] : vector<1024x16x128xf32> to vector<1024x16xf32>
    %reshape3A_22 = vector.shape_cast %reduce_max3A_21 : vector<1024x16xf32> to vector<1x1024x16xf32>
    %swap3A_23 = arith.constant 0 : index
    %swap3A_24 = arith.constant 0 : index
    %swap3A_25 = arith.constant 0 : index
    %swap3A_26 = vector.load %arg5[%swap3A_23, %swap3A_24, %swap3A_25] : memref<1x1024x16xf32, #tpu.memory_space<vmem>>, vector<1x1024x16xf32>
    tpu.vector_store %arg5[%swap3A_23, %swap3A_24, %swap3A_25], %reshape3A_22 {strides = array<i32>} : memref<1x1024x16xf32, #tpu.memory_space<vmem>>, vector<1x1024x16xf32>,
    return
  }
  func.func @transform_0(%arg0: i32, %arg1: i32) -> (i32, i32) {
    %c0_i32 = arith.constant 0 : i32
    %c0_i32_0 = arith.constant 0 : i32
    return %arg0, %c0_i32 : i32, i32
  }
  func.func @transform_1(%arg0: i32, %arg1: i32) -> (i32, i32) {
    %c0_i32 = arith.constant 0 : i32
    %c0_i32_0 = arith.constant 0 : i32
    return %arg1, %c0_i32 : i32, i32
  }
  func.func @transform_2(%arg0: i32, %arg1: i32) -> (i32, i32) {
    %c0_i32 = arith.constant 0 : i32
    return %arg0, %arg1 : i32, i32
  }
  func.func @transform_3(%arg0: i32, %arg1: i32) -> (i32, i32, i32) {
    %c0_i32 = arith.constant 0 : i32
    %c0_i32_0 = arith.constant 0 : i32
    return %arg1, %arg0, %c0_i32 : i32, i32, i32
  }
}

module attributes {stable_mosaic.version = 14 : i64} {
  func.func @_final_kernel(%arg0: i32, %arg1: memref<1024x1024xf32, #tpu.memory_space<vmem>>, %arg2: memref<1024x8xi32, #tpu.memory_space<vmem>>, %arg3: memref<1024x8xf32, #tpu.memory_space<vmem>>, %arg4: memref<1024x8xi32, #tpu.memory_space<vmem>>) attributes {dimension_semantics = [#tpu.dimension_semantics<arbitrary>], iteration_bounds = array<i64: 4>, scalar_prefetch = 0 : i64, scratch_operands = 0 : i64, tpu.core_type = #tpu.core_type<tc>, window_params = [{transform_indices = @transform_0, window_bounds = array<i64: 1024, 1024>}, {transform_indices = @transform_1, window_bounds = array<i64: 1024, 8>}, {transform_indices = @transform_2, window_bounds = array<i64: 1024, 8>}, {transform_indices = @transform_3, window_bounds = array<i64: 1024, 8>}]} {
    %get3A = arith.constant 0 : index
    %get3A_0 = arith.constant 0 : index
    %get3A_1 = vector.load %arg1[%get3A, %get3A_0] : memref<1024x1024xf32, #tpu.memory_space<vmem>>, vector<1024x1024xf32>
    %get3A_2 = arith.constant 0 : index
    %get3A_3 = arith.constant 0 : index
    %get3A_4 = vector.load %arg2[%get3A_2, %get3A_3] : memref<1024x8xi32, #tpu.memory_space<vmem>>, vector<1024x8xi32>
    %broadcast_in_dim3A = vector.shape_cast %get3A_4 : vector<1024x8xi32> to vector<1024x8x1xi32>
    %mul3A = arith.constant 128 : i32
    %mul3A_5 = vector.broadcast %mul3A : i32 to vector<1024x8x1xi32>
    %mul3A_6 = arith.muli %broadcast_in_dim3A, %mul3A_5 : vector<1024x8x1xi32>
    %iota3A = tpu.iota {dimensions = array<i32: 2>} : vector<1024x8x128xi32>
    %add3A = vector.broadcast %mul3A_6 : vector<1024x8x1xi32> to vector<1024x8x128xi32>
    %add3A_7 = arith.addi %add3A, %iota3A : vector<1024x8x128xi32>
    %reshape3A = vector.shape_cast %add3A_7 : vector<1024x8x128xi32> to vector<1024x1024xi32>
    %reduce_max3A = arith.constant dense<0xFF800000> : vector<1024xf32>
    %reduce_max3A_8 = vector.multi_reduction <maximumf>, %get3A_1, %reduce_max3A [1] : vector<1024x1024xf32> to vector<1024xf32>
    %broadcast_in_dim3A_9 = vector.shape_cast %reduce_max3A_8 : vector<1024xf32> to vector<1024x1xf32>
    %eq3A = vector.broadcast %broadcast_in_dim3A_9 : vector<1024x1xf32> to vector<1024x1024xf32>
    %eq3A_10 = arith.cmpf oeq, %get3A_1, %eq3A : vector<1024x1024xf32>
    %jit3A = arith.constant 1073741824 : i32
    %broadcast_in_dim3A_11 = vector.broadcast %jit3A : i32 to vector<1024x1024xi32>
    %select_n3A = arith.select %eq3A_10, %reshape3A, %broadcast_in_dim3A_11 : vector<1024x1024xi1>, vector<1024x1024xi32>
    %reduce_min3A = arith.constant dense<2147483647> : vector<1024xi32>
    %reduce_min3A_12 = vector.multi_reduction <minsi>, %select_n3A, %reduce_min3A [1] : vector<1024x1024xi32> to vector<1024xi32>
    %broadcast_in_dim3A_13 = vector.shape_cast %reduce_min3A_12 : vector<1024xi32> to vector<1024x1xi32>
    %eq3A_14 = vector.broadcast %broadcast_in_dim3A_13 : vector<1024x1xi32> to vector<1024x1024xi32>
    %eq3A_15 = arith.cmpi eq, %reshape3A, %eq3A_14 : vector<1024x1024xi32>
    %jit3A_16 = arith.constant 0xFF800000 : f32
    %broadcast_in_dim3A_17 = vector.broadcast %jit3A_16 : f32 to vector<1024x1024xf32>
    %select_n3A_18 = arith.select %eq3A_15, %broadcast_in_dim3A_17, %get3A_1 : vector<1024x1024xi1>, vector<1024x1024xf32>
    %reduce_max3A_19 = arith.constant dense<0xFF800000> : vector<1024xf32>
    %reduce_max3A_20 = vector.multi_reduction <maximumf>, %select_n3A_18, %reduce_max3A_19 [1] : vector<1024x1024xf32> to vector<1024xf32>
    %broadcast_in_dim3A_21 = vector.shape_cast %reduce_max3A_20 : vector<1024xf32> to vector<1024x1xf32>
    %eq3A_22 = vector.broadcast %broadcast_in_dim3A_21 : vector<1024x1xf32> to vector<1024x1024xf32>
    %eq3A_23 = arith.cmpf oeq, %select_n3A_18, %eq3A_22 : vector<1024x1024xf32>
    %jit3A_24 = arith.constant 1073741824 : i32
    %broadcast_in_dim3A_25 = vector.broadcast %jit3A_24 : i32 to vector<1024x1024xi32>
    %select_n3A_26 = arith.select %eq3A_23, %reshape3A, %broadcast_in_dim3A_25 : vector<1024x1024xi1>, vector<1024x1024xi32>
    %reduce_min3A_27 = arith.constant dense<2147483647> : vector<1024xi32>
    %reduce_min3A_28 = vector.multi_reduction <minsi>, %select_n3A_26, %reduce_min3A_27 [1] : vector<1024x1024xi32> to vector<1024xi32>
    %broadcast_in_dim3A_29 = vector.shape_cast %reduce_min3A_28 : vector<1024xi32> to vector<1024x1xi32>
    %eq3A_30 = vector.broadcast %broadcast_in_dim3A_29 : vector<1024x1xi32> to vector<1024x1024xi32>
    %eq3A_31 = arith.cmpi eq, %reshape3A, %eq3A_30 : vector<1024x1024xi32>
    %jit3A_32 = arith.constant 0xFF800000 : f32
    %broadcast_in_dim3A_33 = vector.broadcast %jit3A_32 : f32 to vector<1024x1024xf32>
    %select_n3A_34 = arith.select %eq3A_31, %broadcast_in_dim3A_33, %select_n3A_18 : vector<1024x1024xi1>, vector<1024x1024xf32>
    %reduce_max3A_35 = arith.constant dense<0xFF800000> : vector<1024xf32>
    %reduce_max3A_36 = vector.multi_reduction <maximumf>, %select_n3A_34, %reduce_max3A_35 [1] : vector<1024x1024xf32> to vector<1024xf32>
    %broadcast_in_dim3A_37 = vector.shape_cast %reduce_max3A_36 : vector<1024xf32> to vector<1024x1xf32>
    %eq3A_38 = vector.broadcast %broadcast_in_dim3A_37 : vector<1024x1xf32> to vector<1024x1024xf32>
    %eq3A_39 = arith.cmpf oeq, %select_n3A_34, %eq3A_38 : vector<1024x1024xf32>
    %jit3A_40 = arith.constant 1073741824 : i32
    %broadcast_in_dim3A_41 = vector.broadcast %jit3A_40 : i32 to vector<1024x1024xi32>
    %select_n3A_42 = arith.select %eq3A_39, %reshape3A, %broadcast_in_dim3A_41 : vector<1024x1024xi1>, vector<1024x1024xi32>
    %reduce_min3A_43 = arith.constant dense<2147483647> : vector<1024xi32>
    %reduce_min3A_44 = vector.multi_reduction <minsi>, %select_n3A_42, %reduce_min3A_43 [1] : vector<1024x1024xi32> to vector<1024xi32>
    %broadcast_in_dim3A_45 = vector.shape_cast %reduce_min3A_44 : vector<1024xi32> to vector<1024x1xi32>
    %eq3A_46 = vector.broadcast %broadcast_in_dim3A_45 : vector<1024x1xi32> to vector<1024x1024xi32>
    %eq3A_47 = arith.cmpi eq, %reshape3A, %eq3A_46 : vector<1024x1024xi32>
    %jit3A_48 = arith.constant 0xFF800000 : f32
    %broadcast_in_dim3A_49 = vector.broadcast %jit3A_48 : f32 to vector<1024x1024xf32>
    %select_n3A_50 = arith.select %eq3A_47, %broadcast_in_dim3A_49, %select_n3A_34 : vector<1024x1024xi1>, vector<1024x1024xf32>
    %reduce_max3A_51 = arith.constant dense<0xFF800000> : vector<1024xf32>
    %reduce_max3A_52 = vector.multi_reduction <maximumf>, %select_n3A_50, %reduce_max3A_51 [1] : vector<1024x1024xf32> to vector<1024xf32>
    %broadcast_in_dim3A_53 = vector.shape_cast %reduce_max3A_52 : vector<1024xf32> to vector<1024x1xf32>
    %eq3A_54 = vector.broadcast %broadcast_in_dim3A_53 : vector<1024x1xf32> to vector<1024x1024xf32>
    %eq3A_55 = arith.cmpf oeq, %select_n3A_50, %eq3A_54 : vector<1024x1024xf32>
    %jit3A_56 = arith.constant 1073741824 : i32
    %broadcast_in_dim3A_57 = vector.broadcast %jit3A_56 : i32 to vector<1024x1024xi32>
    %select_n3A_58 = arith.select %eq3A_55, %reshape3A, %broadcast_in_dim3A_57 : vector<1024x1024xi1>, vector<1024x1024xi32>
    %reduce_min3A_59 = arith.constant dense<2147483647> : vector<1024xi32>
    %reduce_min3A_60 = vector.multi_reduction <minsi>, %select_n3A_58, %reduce_min3A_59 [1] : vector<1024x1024xi32> to vector<1024xi32>
    %broadcast_in_dim3A_61 = vector.shape_cast %reduce_min3A_60 : vector<1024xi32> to vector<1024x1xi32>
    %eq3A_62 = vector.broadcast %broadcast_in_dim3A_61 : vector<1024x1xi32> to vector<1024x1024xi32>
    %eq3A_63 = arith.cmpi eq, %reshape3A, %eq3A_62 : vector<1024x1024xi32>
    %jit3A_64 = arith.constant 0xFF800000 : f32
    %broadcast_in_dim3A_65 = vector.broadcast %jit3A_64 : f32 to vector<1024x1024xf32>
    %select_n3A_66 = arith.select %eq3A_63, %broadcast_in_dim3A_65, %select_n3A_50 : vector<1024x1024xi1>, vector<1024x1024xf32>
    %reduce_max3A_67 = arith.constant dense<0xFF800000> : vector<1024xf32>
    %reduce_max3A_68 = vector.multi_reduction <maximumf>, %select_n3A_66, %reduce_max3A_67 [1] : vector<1024x1024xf32> to vector<1024xf32>
    %broadcast_in_dim3A_69 = vector.shape_cast %reduce_max3A_68 : vector<1024xf32> to vector<1024x1xf32>
    %eq3A_70 = vector.broadcast %broadcast_in_dim3A_69 : vector<1024x1xf32> to vector<1024x1024xf32>
    %eq3A_71 = arith.cmpf oeq, %select_n3A_66, %eq3A_70 : vector<1024x1024xf32>
    %jit3A_72 = arith.constant 1073741824 : i32
    %broadcast_in_dim3A_73 = vector.broadcast %jit3A_72 : i32 to vector<1024x1024xi32>
    %select_n3A_74 = arith.select %eq3A_71, %reshape3A, %broadcast_in_dim3A_73 : vector<1024x1024xi1>, vector<1024x1024xi32>
    %reduce_min3A_75 = arith.constant dense<2147483647> : vector<1024xi32>
    %reduce_min3A_76 = vector.multi_reduction <minsi>, %select_n3A_74, %reduce_min3A_75 [1] : vector<1024x1024xi32> to vector<1024xi32>
    %broadcast_in_dim3A_77 = vector.shape_cast %reduce_min3A_76 : vector<1024xi32> to vector<1024x1xi32>
    %eq3A_78 = vector.broadcast %broadcast_in_dim3A_77 : vector<1024x1xi32> to vector<1024x1024xi32>
    %eq3A_79 = arith.cmpi eq, %reshape3A, %eq3A_78 : vector<1024x1024xi32>
    %jit3A_80 = arith.constant 0xFF800000 : f32
    %broadcast_in_dim3A_81 = vector.broadcast %jit3A_80 : f32 to vector<1024x1024xf32>
    %select_n3A_82 = arith.select %eq3A_79, %broadcast_in_dim3A_81, %select_n3A_66 : vector<1024x1024xi1>, vector<1024x1024xf32>
    %reduce_max3A_83 = arith.constant dense<0xFF800000> : vector<1024xf32>
    %reduce_max3A_84 = vector.multi_reduction <maximumf>, %select_n3A_82, %reduce_max3A_83 [1] : vector<1024x1024xf32> to vector<1024xf32>
    %broadcast_in_dim3A_85 = vector.shape_cast %reduce_max3A_84 : vector<1024xf32> to vector<1024x1xf32>
    %eq3A_86 = vector.broadcast %broadcast_in_dim3A_85 : vector<1024x1xf32> to vector<1024x1024xf32>
    %eq3A_87 = arith.cmpf oeq, %select_n3A_82, %eq3A_86 : vector<1024x1024xf32>
    %jit3A_88 = arith.constant 1073741824 : i32
    %broadcast_in_dim3A_89 = vector.broadcast %jit3A_88 : i32 to vector<1024x1024xi32>
    %select_n3A_90 = arith.select %eq3A_87, %reshape3A, %broadcast_in_dim3A_89 : vector<1024x1024xi1>, vector<1024x1024xi32>
    %reduce_min3A_91 = arith.constant dense<2147483647> : vector<1024xi32>
    %reduce_min3A_92 = vector.multi_reduction <minsi>, %select_n3A_90, %reduce_min3A_91 [1] : vector<1024x1024xi32> to vector<1024xi32>
    %broadcast_in_dim3A_93 = vector.shape_cast %reduce_min3A_92 : vector<1024xi32> to vector<1024x1xi32>
    %eq3A_94 = vector.broadcast %broadcast_in_dim3A_93 : vector<1024x1xi32> to vector<1024x1024xi32>
    %eq3A_95 = arith.cmpi eq, %reshape3A, %eq3A_94 : vector<1024x1024xi32>
    %jit3A_96 = arith.constant 0xFF800000 : f32
    %broadcast_in_dim3A_97 = vector.broadcast %jit3A_96 : f32 to vector<1024x1024xf32>
    %select_n3A_98 = arith.select %eq3A_95, %broadcast_in_dim3A_97, %select_n3A_82 : vector<1024x1024xi1>, vector<1024x1024xf32>
    %reduce_max3A_99 = arith.constant dense<0xFF800000> : vector<1024xf32>
    %reduce_max3A_100 = vector.multi_reduction <maximumf>, %select_n3A_98, %reduce_max3A_99 [1] : vector<1024x1024xf32> to vector<1024xf32>
    %broadcast_in_dim3A_101 = vector.shape_cast %reduce_max3A_100 : vector<1024xf32> to vector<1024x1xf32>
    %eq3A_102 = vector.broadcast %broadcast_in_dim3A_101 : vector<1024x1xf32> to vector<1024x1024xf32>
    %eq3A_103 = arith.cmpf oeq, %select_n3A_98, %eq3A_102 : vector<1024x1024xf32>
    %jit3A_104 = arith.constant 1073741824 : i32
    %broadcast_in_dim3A_105 = vector.broadcast %jit3A_104 : i32 to vector<1024x1024xi32>
    %select_n3A_106 = arith.select %eq3A_103, %reshape3A, %broadcast_in_dim3A_105 : vector<1024x1024xi1>, vector<1024x1024xi32>
    %reduce_min3A_107 = arith.constant dense<2147483647> : vector<1024xi32>
    %reduce_min3A_108 = vector.multi_reduction <minsi>, %select_n3A_106, %reduce_min3A_107 [1] : vector<1024x1024xi32> to vector<1024xi32>
    %broadcast_in_dim3A_109 = vector.shape_cast %reduce_min3A_108 : vector<1024xi32> to vector<1024x1xi32>
    %eq3A_110 = vector.broadcast %broadcast_in_dim3A_109 : vector<1024x1xi32> to vector<1024x1024xi32>
    %eq3A_111 = arith.cmpi eq, %reshape3A, %eq3A_110 : vector<1024x1024xi32>
    %jit3A_112 = arith.constant 0xFF800000 : f32
    %broadcast_in_dim3A_113 = vector.broadcast %jit3A_112 : f32 to vector<1024x1024xf32>
    %select_n3A_114 = arith.select %eq3A_111, %broadcast_in_dim3A_113, %select_n3A_98 : vector<1024x1024xi1>, vector<1024x1024xf32>
    %reduce_max3A_115 = arith.constant dense<0xFF800000> : vector<1024xf32>
    %reduce_max3A_116 = vector.multi_reduction <maximumf>, %select_n3A_114, %reduce_max3A_115 [1] : vector<1024x1024xf32> to vector<1024xf32>
    %broadcast_in_dim3A_117 = vector.shape_cast %reduce_max3A_116 : vector<1024xf32> to vector<1024x1xf32>
    %eq3A_118 = vector.broadcast %broadcast_in_dim3A_117 : vector<1024x1xf32> to vector<1024x1024xf32>
    %eq3A_119 = arith.cmpf oeq, %select_n3A_114, %eq3A_118 : vector<1024x1024xf32>
    %jit3A_120 = arith.constant 1073741824 : i32
    %broadcast_in_dim3A_121 = vector.broadcast %jit3A_120 : i32 to vector<1024x1024xi32>
    %select_n3A_122 = arith.select %eq3A_119, %reshape3A, %broadcast_in_dim3A_121 : vector<1024x1024xi1>, vector<1024x1024xi32>
    %reduce_min3A_123 = arith.constant dense<2147483647> : vector<1024xi32>
    %reduce_min3A_124 = vector.multi_reduction <minsi>, %select_n3A_122, %reduce_min3A_123 [1] : vector<1024x1024xi32> to vector<1024xi32>
    %broadcast_in_dim3A_125 = vector.shape_cast %reduce_min3A_124 : vector<1024xi32> to vector<1024x1xi32>
    %concatenate3A = tpu.concatenate %broadcast_in_dim3A_9, %broadcast_in_dim3A_21, %broadcast_in_dim3A_37, %broadcast_in_dim3A_53, %broadcast_in_dim3A_69, %broadcast_in_dim3A_85, %broadcast_in_dim3A_101, %broadcast_in_dim3A_117 in 1 : vector<1024x1xf32>, vector<1024x1xf32>, vector<1024x1xf32>, vector<1024x1xf32>, vector<1024x1xf32>, vector<1024x1xf32>, vector<1024x1xf32>, vector<1024x1xf32> -> vector<1024x8xf32>
    %concatenate3A_126 = tpu.concatenate %broadcast_in_dim3A_13, %broadcast_in_dim3A_29, %broadcast_in_dim3A_45, %broadcast_in_dim3A_61, %broadcast_in_dim3A_77, %broadcast_in_dim3A_93, %broadcast_in_dim3A_109, %broadcast_in_dim3A_125 in 1 : vector<1024x1xi32>, vector<1024x1xi32>, vector<1024x1xi32>, vector<1024x1xi32>, vector<1024x1xi32>, vector<1024x1xi32>, vector<1024x1xi32>, vector<1024x1xi32> -> vector<1024x8xi32>
    %reduce_max3A_127 = arith.constant dense<0xFF800000> : vector<1024xf32>
    %reduce_max3A_128 = vector.multi_reduction <maximumf>, %concatenate3A, %reduce_max3A_127 [1] : vector<1024x8xf32> to vector<1024xf32>
    %broadcast_in_dim3A_129 = vector.shape_cast %reduce_max3A_128 : vector<1024xf32> to vector<1024x1xf32>
    %sub3A = vector.broadcast %broadcast_in_dim3A_129 : vector<1024x1xf32> to vector<1024x8xf32>
    %sub3A_130 = arith.subf %concatenate3A, %sub3A : vector<1024x8xf32>
    %exp3A = math.exp %sub3A_130 : vector<1024x8xf32>
    %reduce_sum3A = arith.constant dense<0.000000e+00> : vector<1024xf32>
    %reduce_sum3A_131 = vector.multi_reduction <add>, %exp3A, %reduce_sum3A [1] : vector<1024x8xf32> to vector<1024xf32>
    %broadcast_in_dim3A_132 = vector.shape_cast %reduce_sum3A_131 : vector<1024xf32> to vector<1024x1xf32>
    %div3A = vector.broadcast %broadcast_in_dim3A_132 : vector<1024x1xf32> to vector<1024x8xf32>
    %div3A_133 = arith.divf %exp3A, %div3A : vector<1024x8xf32>
    %swap3A = arith.constant 0 : index
    %swap3A_134 = arith.constant 0 : index
    %swap3A_135 = vector.load %arg3[%swap3A, %swap3A_134] : memref<1024x8xf32, #tpu.memory_space<vmem>>, vector<1024x8xf32>
    tpu.vector_store %arg3[%swap3A, %swap3A_134], %div3A_133 {strides = array<i32>} : memref<1024x8xf32, #tpu.memory_space<vmem>>, vector<1024x8xf32>,
    %swap3A_136 = arith.constant 0 : index
    %swap3A_137 = arith.constant 0 : index
    %swap3A_138 = vector.load %arg4[%swap3A_136, %swap3A_137] : memref<1024x8xi32, #tpu.memory_space<vmem>>, vector<1024x8xi32>
    tpu.vector_store %arg4[%swap3A_136, %swap3A_137], %concatenate3A_126 {strides = array<i32>} : memref<1024x8xi32, #tpu.memory_space<vmem>>, vector<1024x8xi32>,
    return
  }
  func.func @transform_0(%arg0: i32) -> (i32, i32) {
    %c0_i32 = arith.constant 0 : i32
    %c0_i32_0 = arith.constant 0 : i32
    return %arg0, %c0_i32 : i32, i32
  }
  func.func @transform_1(%arg0: i32) -> (i32, i32) {
    %c0_i32 = arith.constant 0 : i32
    %c0_i32_0 = arith.constant 0 : i32
    return %arg0, %c0_i32 : i32, i32
  }
  func.func @transform_2(%arg0: i32) -> (i32, i32) {
    %c0_i32 = arith.constant 0 : i32
    %c0_i32_0 = arith.constant 0 : i32
    return %arg0, %c0_i32 : i32, i32
  }
  func.func @transform_3(%arg0: i32) -> (i32, i32) {
    %c0_i32 = arith.constant 0 : i32
    %c0_i32_0 = arith.constant 0 : i32
    return %arg0, %c0_i32 : i32, i32
  }
}

</mosaic_0001>

<sc_bundles>
// kernel: kernel.10.cloned.1.call-start
scs
__scs_entry_jumppad:
0x0: {  	(pc) =	sbr.rel $0x88, $3  }
0x1: {  	(tag) =	ssettag $0x0;
	lr =	simm.s32 $0x1  }
0x2: {  	[smem:$0x3F9E] =	sst lr;
	_ =	strace $0xD0000000  }
0x3: {  	_ = 	snop  }
0x4: {  	_ = 	snop  }
0x5: {  	_ = 	snop  }
0x6: {  	_ = 	snop  }
0x7: {  	_ = 	snop  }
__scs_overlays_trampoline_lowered:
0x8: {  	[smem:$0x3FAD] =	sst s0  }
0x9: {  	[smem:$0x3FAE] =	sst s1  }
0xa: {  	[smem:$0x3FAF] =	sst s2  }
0xb: {  	[smem:$0x3FB0] =	sst s3  }
0xc: {  	[smem:$0x3FB1] =	sst s4  }
0xd: {  	[smem:$0x3FB2] =	sst s5  }
0xe: {  	[smem:$0x3FB3] =	sst s6  }
0xf: {  	[smem:$0x3FB4] =	sst s7  }
0x10: {  	[smem:$0x3FB5] =	sst s8  }
0x11: {  	[smem:$0x3FB6] =	sst s9;
	s0 =	simm.s32 @!p0 $0x0  }
0x12: {  	s1 =	sld [smem:$0x3F9C];
	s0 =	simm.s32 @p0 $0x1  }
0x13: {  	[smem:$0x3FB7] =	sst s0;
	s0 =	simm.s32 @!p1 $0x0  }
0x14: {  	s2 =	sld [smem:$0x3F9B];
	s0 =	simm.s32 @p1 $0x1  }
0x15: {  	[smem:$0x3FB8] =	sst s0;
	s0 =	simm.s32 @!p2 $0x0  }
0x16: {  	s3 =	sld [smem:$0x3FDB];
	s0 =	simm.s32 @p2 $0x1  }
0x17: {  	s4 =	simm.s32 $0x1BF5;
	[smem:$0x3FBA] =	sst s0  }
0x18: {  	s0 =	sld [smem:$0x3F9D];
	_ =	swait.ge [sflag:s4], $0x0  }
0x19: {  	s7 =	sld [smem:$0x3F9E]  }
0x1a: {  	s8 =	sadd.s32 $0xFFFFE003, lr  }
0x1b: {  	s9 =	sadd.s32 $0xFFFFFEF7, lr;
	s5 =	simm.s32 $0xFFFFFFFF;
	p2 =	slt.u32 s8, $0xFFFFF086  }
0x1c: {  	p1 =	slt.u32 s9, $0xF7A;
	s5 =	simm.s32 @!p2 $0x0  }
0x1d: {  	s5 =	simm.s32 @p1 $0x1;
	p0 =	seq.s32 s7, s2  }
0x1e: {  	s7 =	smul.u32 @!p0 $0xF7A, s2;
	p2 =	seq.s32 @!p0 s5, $0x0  }
0x1f: {  	s9 =	smul.u32 $0xF7A, s1;
	s8 =	simm.s32 @!p0 $0x1BF5;
	p2 =	por !p2, p0  }
0x20: {  	[sflag:s8] =	ssyncset.s32 @!p0 $0xFFFFF086;
	s6 =	sadd.s32 @!p0 s3, s7;
	s7 =	simm.s32 @!p0 $0x108  }
0x21: {  	s3 =	sadd.s32 s3, s9;
	s6 =	sadd.s32 @!p0 $0x88, s6;
	s7 =	simm.s32 @p2 $0x1082  }
0x22: {  	[simem:s7], [sflag:s8] =	dma.local @!p0 [hbm:s6], $0xF7A  }
0x23: {  	s9 =	sor.u32 $0xD0000000, s2;
	s6 =	simm.s32 $0x108;
	_ =	swait.ge @!p0 [sflag:s8], $0x0  }
0x24: {  	s3 =	sadd.s32 $0x88, s3;
	s6 =	simm.s32 @!p1 $0x1082;
	[sflag:s4] =	ssyncset.s32 $0xFFFFF086  }
0x25: {  	[simem:s6], [sflag:s4] =	dma.local [hbm:s3], $0xF7A  }
0x26: {  	[smem:$0x3F9E] =	sst s1;
	(tag) =	ssettag s2;
	_ =	strace s9  }
0x27: {  	s1 =	sld [smem:$0x3FAE]  }
0x28: {  	s2 =	sld [smem:$0x3FAF]  }
0x29: {  	s4 =	sld [smem:$0x3FB1]  }
0x2a: {  	p0 =	seq.s32 s5, $0x0;
	s5 =	sld [smem:$0x3FB2]  }
0x2b: {  	s6 =	sld [smem:$0x3FB3]  }
0x2c: {  	s7 =	sld [smem:$0x3FB4]  }
0x2d: {  	s3 =	simm.s32 $0x108;
	s8 =	sld [smem:$0x3FB5]  }
0x2e: {  	s3 =	simm.s32 @!p0 $0x1082;
	s9 =	sld [smem:$0x3FB6]  }
0x2f: {  	lr =	sadd.s32 s0, s3;
	s0 =	sld [smem:$0x3FAD]  }
0x30: {  	s3 =	sld [smem:$0x3FB0]  }
0x31: {  	[smem:$0x3FB9] =	sst s10  }
0x32: {  	s10 =	sld [smem:$0x3FB7];
	_ =	sdelay $0x3  }
0x33: {  	p0 =	seq.s32 s10, $0x1;
	s10 =	sld [smem:$0x3FB9];
	_ =	sdelay $0x3  }
0x34: {  	[smem:$0x3FB9] =	sst s10  }
0x35: {  	s10 =	sld [smem:$0x3FB8];
	_ =	sdelay $0x3  }
0x36: {  	p1 =	seq.s32 s10, $0x1;
	s10 =	sld [smem:$0x3FB9];
	_ =	sdelay $0x3  }
0x37: {  	[smem:$0x3FB9] =	sst s10  }
0x38: {  	s10 =	sld [smem:$0x3FBA]  }
0x39: {  	_ = 	snop;
	(pc) =	sbr.ind lr, $3  }
0x3a: {  	_ = 	snop  }
0x3b: {  	_ = 	snop  }
0x3c: {  	p2 =	seq.s32 s10, $0x1;
	s10 =	sld [smem:$0x3FB9]  }
0x3d: {  	_ =	shalt  }
0x3e: {  	_ =	shalt  }
0x3f: {  	_ =	shalt  }
0x40: {  	_ =	shalt  }
0x41: {  	_ =	shalt  }
0x42: {  	_ =	shalt  }
0x43: {  	_ =	shalt  }
0x44: {  	_ =	shalt  }
0x45: {  	_ =	shalt  }
0x46: {  	_ =	shalt  }
0x47: {  	_ =	shalt  }
0x48: {  	_ =	shalt  }
0x49: {  	_ =	shalt  }
0x4a: {  	_ =	shalt  }
0x4b: {  	_ =	shalt  }
0x4c: {  	_ =	shalt  }
0x4d: {  	_ =	shalt  }
0x4e: {  	_ =	shalt  }
0x4f: {  	_ =	shalt  }
0x50: {  	_ =	shalt  }
0x51: {  	_ =	shalt  }
0x52: {  	_ =	shalt  }
0x53: {  	_ =	shalt  }
0x54: {  	_ =	shalt  }
0x55: {  	_ =	shalt  }
0x56: {  	_ =	shalt  }
0x57: {  	_ =	shalt  }
0x58: {  	_ =	shalt  }
0x59: {  	_ =	shalt  }
0x5a: {  	_ =	shalt  }
0x5b: {  	_ =	shalt  }
0x5c: {  	_ =	shalt  }
0x5d: {  	_ =	shalt  }
0x5e: {  	_ =	shalt  }
0x5f: {  	_ =	shalt  }
0x60: {  	_ =	shalt  }
0x61: {  	_ =	shalt  }
0x62: {  	_ =	shalt  }
0x63: {  	_ =	shalt  }
0x64: {  	_ =	shalt  }
0x65: {  	_ =	shalt  }
0x66: {  	_ =	shalt  }
0x67: {  	_ =	shalt  }
0x68: {  	_ =	shalt  }
0x69: {  	_ =	shalt  }
0x6a: {  	_ =	shalt  }
0x6b: {  	_ =	shalt  }
0x6c: {  	_ =	shalt  }
0x6d: {  	_ =	shalt  }
0x6e: {  	_ =	shalt  }
0x6f: {  	_ =	shalt  }
0x70: {  	_ =	shalt  }
0x71: {  	_ =	shalt  }
0x72: {  	_ =	shalt  }
0x73: {  	_ =	shalt  }
0x74: {  	_ =	shalt  }
0x75: {  	_ =	shalt  }
0x76: {  	_ =	shalt  }
0x77: {  	_ =	shalt  }
0x78: {  	_ =	shalt  }
0x79: {  	_ =	shalt  }
0x7a: {  	_ =	shalt  }
0x7b: {  	_ =	shalt  }
0x7c: {  	_ =	shalt  }
0x7d: {  	_ =	shalt  }
0x7e: {  	_ =	shalt  }
0x7f: {  	_ =	shalt  }
0x80: {  	_ =	shalt  }
0x81: {  	_ =	shalt  }
0x82: {  	_ =	shalt  }
0x83: {  	_ =	shalt  }
0x84: {  	_ =	shalt  }
0x85: {  	_ =	shalt  }
0x86: {  	_ =	shalt  }
0x87: {  	_ =	shalt  }
.Lfunc_end0:
.L_simem_size_0:
called_computation.1_lowered:
.L_overlay_start_0:
0x88: {  	s2 =	sld [smem:$0x3FD9]  }
0x89: {  	s3 =	sld [smem:$0x3FFE];
	_ =	sdelay $0x1  }
0x8a: {  	s1 =	srdreg.scid  }
0x8b: {  	s0 =	sand.u32 $0x1, s1  }
0x8c: {  	s17 =	sshll.u32 s0, $0xA;
	s2 =	sadd.s32 s3, s2  }
0x8d: {  	s2 =	sadd.s32 s2, s17  }
0x8e: {  	[smem:$0x3FC5] =	sst s2  }
0x8f: {  	_ = 	snop  }
0x90: {  	s2 =	sld [smem:$0x3FC7]  }
0x91: {  	s18 =	sld [smem:$0x3FD0];
	(tm) =	ssettm $0x1  }
0x92: {  	s4 =	sld [smem:$0x3FFB];
	_ =	sdelay $0x3  }
0x93: {  	_ =	strace s4  }
0x94: {  	s4 =	sld [smem:$0x3FFC];
	_ =	sdelay $0x3  }
0x95: {  	_ =	strace s4  }
0x96: {  	s4 =	sld [smem:$0x3FFD];
	_ =	sdelay $0x3  }
0x97: {  	_ =	strace s4  }
0x98: {  	_ =	strace $0x8FFFFFFF  }
0x99: {  	s19 =	sld [smem:$0x3FDB];
	_ =	sdelay $0x1  }
0x9a: {  	s5 =	simm.s32 $_scs_section_size  }
0x9b: {  	s6 =	simm.s32 $_size__tile_overlayer_lowered;
	s7 =	simm.s32 $_tile_overlayer_lowered  }
0x9c: {  	s22 =	simm.s32 $0x1BFF;
	s21 =	sshll.u32 s7, $0x1;
	s4 =	sadd.s32 s5, s19  }
0x9d: {  	s8 =	simm.s32 $0x0;
	s20 =	sshll.u32 s6, $0x1;
	s6 =	sadd.s32 s21, s4  }
0x9e: {  	[timem:s8], [sflag:s22] =	dma.local [hbm:s6], s20  }
0x9f: {  	_ =	swait.ge [sflag:s22], s20  }
0xa0: {  	s5 =	ssub.s32 $0x0, s20;
	[sflag:s22] =	ssyncset.done $0x0  }
0xa1: {  	[sflag:s22] =	ssyncadd.s32 s5;
	_ =	sdelay $0x1  }
0xa2: {  	s23 =	simm.s32 $0x1B8B  }
0xa3: {  	_ =	swait.ge [sflag:s23], $0x1  }
0xa4: {  	[sflag:s23] =	ssyncset.done $0x0  }
0xa5: {  	s25 =	simm.s32 $0x1B8E;
	s24 =	sld [smem:$0x3FFE];
	[sflag:s23] =	ssyncadd.s32 $0xFFFFFFFF  }
0xa6: {  	s26 =	simm.s32 $execute0_lowered;
	[smem:$0x3FD2] =	sst s25  }
0xa7: {  	s6 =	sshll.u32 s26, $0x1;
	_ =	strace $0x80000049;
	[dreg:$0x1] =	wrdreg $0xFFFFFFFF  }
0xa8: {  	s28 =	simm.s32 $_size_execute0_lowered;
	s4 =	sadd.s32 s4, s6;
	[dreg:$0x0] =	wrdreg $0x0  }
0xa9: {  	s6 =	sshll.u32 s28, $0x1;
	[dreg:$0x2] =	wrdreg s4  }
0xaa: {  	[dreg:$0x3] =	wrdreg s6  }
0xab: {  	[dreg:$0x4] =	wrdreg $0xC0  }
0xac: {  	_ =	task [dreg:s8], $0x5FFFF  }
0xad: {  	[dreg:$0x1] =	wrdreg $0xFFFFFFFF  }
0xae: {  	[dreg:$0x0] =	wrdreg $0x60  }
0xaf: {  	[dreg:$0x2] =	wrdreg s2  }
0xb0: {  	[dreg:$0x3] =	wrdreg s24  }
0xb1: {  	[dreg:$0x4] =	wrdreg s18  }
0xb2: {  	[dreg:$0x5] =	wrdreg $0x9  }
0xb3: {  	_ =	task.clear_ibuf [dreg:s8], $0x6FFFF;
	_ =	strace $0x90000049  }
0xb4: {  	s29 =	simm.s32 $0x9;
	_ =	strace $0x8000004B  }
0xb5: {  	_ =	swait.ge [sflag:s29], $0x1  }
0xb6: {  	[sflag:s29] =	ssyncadd.s32 $0xFFFFFFFF  }
0xb7: {  	_ =	strace $0x9000004B  }
0xb8: {  	_ =	sfence  }
0xb9: {  	s30 =	sld [smem:$0x0];
	_ =	sdelay $0x2  }
0xba: {  	s31 =	sshll.u32 s1, $0xD;
	s1 =	sshrl.u32 s1, $0x2  }
0xbb: {  	s3 =	sand.u32 $0x4000, s31;
	s1 =	sadd.s32 s1, s30  }
0xbc: {  	s0 =	sor.u32 s3, s0;
	s1 =	sshll.u32 s1, $0x11  }
0xbd: {  	s0 =	sor.u32 s1, s0  }
0xbe: {  	s0 =	sadd.s32 $0x8F2B, s0  }
0xbf: {  	[sflag:s0] =	ssyncadd.remote.s32 $0x1  }
0xc0: {  	_ =	sfence.sel $0xFFFF  }
0xc1: {  	[dreg:$0x0] =	wrdreg $0xFFFFFFFF;
	(pc) =	sbr.abs _section_cstart, $3  }
0xc2: {  	[dreg:$0x1] =	wrdreg $0xFFFFFFFF  }
0xc3: {  	_ =	task.clear_ibuf [dreg:s8], $0x2FFFF;
	_ =	strace $0x9FFFFFFF  }
0xc4: {  	(tm) =	ssettm $0x7FFFFFFF  }
0xc5: {  	_ =	shalt  }
tec
execute0_lowered:
.L_overlay_start_1:
0x0: {  	(tag) =	ssettag $0x1  }
0x1: {  	s1 =	rddreg [dreg:$0x0]  }
0x2: {  	s0 =	rddreg [dreg:$0x1];
	s3 =	simm.s32 $0x0;
	s2 =	srdreg.scid  }
0x3: {  	s6 =	stileid.u32;
	s9 =	simm.s32 $0x2;
	s12 =	simm.s32 $0x4880  }
0x4: {  	s13 =	simm.s32 $0x5080;
	s14 =	simm.s32 $0x5880;
	s15 =	simm.s32 $0x6080  }
0x5: {  	s16 =	simm.s32 $0x6880;
	s17 =	simm.s32 $0x7080;
	s18 =	simm.s32 $0x7880  }
0x6: {  	s19 =	simm.s32 $0x8080;
	s20 =	simm.s32 $0x8880;
	s21 =	simm.s32 $0x9080  }
0x7: {  	s22 =	simm.s32 $0x9880;
	s23 =	simm.s32 $0xA080;
	s24 =	simm.s32 $0xA880  }
0x8: {  	s25 =	simm.s32 $0xB080;
	s28 =	simm.s32 $0x1;
	s2 =	sand.u32 $0x1, s2  }
0x9: {  	s29 =	simm.s32 $0xC080;
	[smem:$0x7FF] =	sst s3;
	s26 =	ssub.s32 $0x2, s2  }
0xa: {  	s5 =	sadd.s32 $0x1200, s0;
	s30 =	sshll.u32 s6, $0x8;
	s4 =	sshrl.u32 s26, $0x1  }
0xb: {  	v2 =	vlaneseq.u32;
	s6 =	sadd.s32 $0x2200, s0;
	s2 =	sshll.u32 s2, $0x7;
	s3 =	ssub.s32 s26, s4  }
0xc: {  	vm0 =	vmmov $0xffff;
	v1 =	vshrl.u32 v2, $0x3;
	_ =	strace $0x8000004A;
	s7 =	sor.u32 s2, s30;
	s31 =	smax.u32 s3, $0x1  }
0xd: {  	v0 =	vand.u32 $0x7, v2;
	v2 =	vor.u32 $0x8, v2;
	v1 =	vmul.u32 $0x8, v1;
	s2 =	simm.s32 $0x0;
	s26 =	simm.s32 $0xB880;
	[dreg:$0x4] =	wrdreg s31  }
.LBB2_1:
0xe: {  	[dreg:$0x5] =	wrdreg s2;
	s31 =	simm.s32 $0x0  }
.LBB2_2:
0xf: {  	s0 =	sshll.u32 s31, $0x4  }
0x10: {  	s0 =	sadd.s32 s7, s0  }
0x11: {  	s4 =	simm.s32 $0x0;
	s2 =	sadd.s32 s5, s0  }
0x12: {  	[tilespmem:s4], [sflag:$0x2] =	stream.linear.gather [hbm4b:s2+s4], $0x80, $0x38;
	[tilespmem:$0xD080] =	vst v63  }
0x13: {  	_ =	swait.ge [sflag:s9], $0x80  }
0x14: {  	s3 =	sshll.u32 s0, $0x7;
	[sflag:s9] =	ssyncset.done $0x0  }
0x15: {  	s2 =	sadd.s32 s6, s3;
	s3 =	simm.s32 $0x80;
	[sflag:s9] =	ssyncadd.s32 $0xFFFFFF80  }
0x16: {  	[tilespmem:s3], [sflag:$0x2] =	stream.linear.gather [hbm4b:s2+s4], $0x4000, $0x38;
	[tilespmem:$0xD080] =	vst v63  }
0x17: {  	_ =	swait.ge [sflag:s9], $0x4000  }
0x18: {  	[sflag:s9] =	ssyncset.done $0x0  }
0x19: {  	[sflag:s9] =	ssyncadd.s32 $0xFFFFC000  }
0x1a: {  	v3 =	vld [tilespmem:$0x0];
	_ =	sdelay $0x4  }
0x1b: {  	v4 =	vshll.u32 v3, $0x1  }
0x1c: {  	v3 =	vand.u32 $0x7, v3;
	v4 =	vand.u32 $0xFFFFFFF0, v4  }
0x1d: {  	v3 =	vor.u32 v3, v4  }
0x1e: {  	v4 =	vperm.xlane v3, v0;
	_ =	sdelay $0x1  }
0x1f: {  	v3 =	vperm.xlane v3, v2;
	v4 =	vadd.s32 v1, v4;
	_ =	sdelay $0x1  }
0x20: {  	v3 =	vadd.s32 v1, v3;
	_ =	sdelay $0x1  }
0x21: {  	s8 =	simm.s32 $0x4080  }
0x22: {  	[tilespmem:s8], [sflag:$0x1] =	stream.indirect_vreg.gather [hbm4b:s1+s4], $0x80, v4, vm0, $0xb8;
	[tilespmem:$0xD080] =	vst v63  }
0x23: {  	_ = 	snop  }
0x24: {  	[tilespmem:s12], [sflag:$0x1] =	stream.indirect_vreg.gather [hbm4b:s1+s4], $0x80, v3, vm0, $0xb8;
	[tilespmem:$0xD080] =	vst v63  }
0x25: {  	v3 =	vld [tilespmem:$0x10];
	_ =	sdelay $0x4  }
0x26: {  	v4 =	vshll.u32 v3, $0x1  }
0x27: {  	v3 =	vand.u32 $0x7, v3;
	v4 =	vand.u32 $0xFFFFFFF0, v4  }
0x28: {  	v3 =	vor.u32 v3, v4  }
0x29: {  	v4 =	vperm.xlane v3, v0;
	_ =	sdelay $0x1  }
0x2a: {  	v3 =	vperm.xlane v3, v2;
	v4 =	vadd.s32 v1, v4;
	_ =	sdelay $0x1  }
0x2b: {  	v3 =	vadd.s32 v1, v3;
	_ =	sdelay $0x2  }
0x2c: {  	[tilespmem:s13], [sflag:$0x1] =	stream.indirect_vreg.gather [hbm4b:s1+s4], $0x80, v4, vm0, $0xb8;
	[tilespmem:$0xD080] =	vst v63  }
0x2d: {  	_ = 	snop  }
0x2e: {  	[tilespmem:s14], [sflag:$0x1] =	stream.indirect_vreg.gather [hbm4b:s1+s4], $0x80, v3, vm0, $0xb8;
	[tilespmem:$0xD080] =	vst v63  }
0x2f: {  	v3 =	vld [tilespmem:$0x20];
	_ =	sdelay $0x4  }
0x30: {  	v4 =	vshll.u32 v3, $0x1  }
0x31: {  	v3 =	vand.u32 $0x7, v3;
	v4 =	vand.u32 $0xFFFFFFF0, v4  }
0x32: {  	v3 =	vor.u32 v3, v4  }
0x33: {  	v4 =	vperm.xlane v3, v0;
	_ =	sdelay $0x1  }
0x34: {  	v3 =	vperm.xlane v3, v2;
	v4 =	vadd.s32 v1, v4;
	_ =	sdelay $0x1  }
0x35: {  	v3 =	vadd.s32 v1, v3;
	_ =	sdelay $0x2  }
0x36: {  	[tilespmem:s15], [sflag:$0x1] =	stream.indirect_vreg.gather [hbm4b:s1+s4], $0x80, v4, vm0, $0xb8;
	[tilespmem:$0xD080] =	vst v63  }
0x37: {  	_ = 	snop  }
0x38: {  	[tilespmem:s16], [sflag:$0x1] =	stream.indirect_vreg.gather [hbm4b:s1+s4], $0x80, v3, vm0, $0xb8;
	[tilespmem:$0xD080] =	vst v63  }
0x39: {  	v3 =	vld [tilespmem:$0x30];
	_ =	sdelay $0x4  }
0x3a: {  	v4 =	vshll.u32 v3, $0x1  }
0x3b: {  	v3 =	vand.u32 $0x7, v3;
	v4 =	vand.u32 $0xFFFFFFF0, v4  }
0x3c: {  	v3 =	vor.u32 v3, v4  }
0x3d: {  	v4 =	vperm.xlane v3, v0;
	_ =	sdelay $0x1  }
0x3e: {  	v3 =	vperm.xlane v3, v2;
	v4 =	vadd.s32 v1, v4;
	_ =	sdelay $0x1  }
0x3f: {  	v3 =	vadd.s32 v1, v3;
	_ =	sdelay $0x2  }
0x40: {  	[tilespmem:s17], [sflag:$0x1] =	stream.indirect_vreg.gather [hbm4b:s1+s4], $0x80, v4, vm0, $0xb8;
	[tilespmem:$0xD080] =	vst v63  }
0x41: {  	_ = 	snop  }
0x42: {  	[tilespmem:s18], [sflag:$0x1] =	stream.indirect_vreg.gather [hbm4b:s1+s4], $0x80, v3, vm0, $0xb8;
	[tilespmem:$0xD080] =	vst v63  }
0x43: {  	v3 =	vld [tilespmem:$0x40];
	_ =	sdelay $0x4  }
0x44: {  	v4 =	vshll.u32 v3, $0x1  }
0x45: {  	v3 =	vand.u32 $0x7, v3;
	v4 =	vand.u32 $0xFFFFFFF0, v4  }
0x46: {  	v3 =	vor.u32 v3, v4  }
0x47: {  	v4 =	vperm.xlane v3, v0;
	_ =	sdelay $0x1  }
0x48: {  	v3 =	vperm.xlane v3, v2;
	v4 =	vadd.s32 v1, v4;
	_ =	sdelay $0x1  }
0x49: {  	v3 =	vadd.s32 v1, v3;
	_ =	sdelay $0x2  }
0x4a: {  	[tilespmem:s19], [sflag:$0x1] =	stream.indirect_vreg.gather [hbm4b:s1+s4], $0x80, v4, vm0, $0xb8;
	[tilespmem:$0xD080] =	vst v63  }
0x4b: {  	_ = 	snop  }
0x4c: {  	[tilespmem:s20], [sflag:$0x1] =	stream.indirect_vreg.gather [hbm4b:s1+s4], $0x80, v3, vm0, $0xb8;
	[tilespmem:$0xD080] =	vst v63  }
0x4d: {  	v3 =	vld [tilespmem:$0x50];
	_ =	sdelay $0x4  }
0x4e: {  	v4 =	vshll.u32 v3, $0x1  }
0x4f: {  	v3 =	vand.u32 $0x7, v3;
	v4 =	vand.u32 $0xFFFFFFF0, v4  }
0x50: {  	v3 =	vor.u32 v3, v4  }
0x51: {  	v4 =	vperm.xlane v3, v0;
	_ =	sdelay $0x1  }
0x52: {  	v3 =	vperm.xlane v3, v2;
	v4 =	vadd.s32 v1, v4;
	_ =	sdelay $0x1  }
0x53: {  	v3 =	vadd.s32 v1, v3;
	_ =	sdelay $0x2  }
0x54: {  	[tilespmem:s21], [sflag:$0x1] =	stream.indirect_vreg.gather [hbm4b:s1+s4], $0x80, v4, vm0, $0xb8;
	[tilespmem:$0xD080] =	vst v63  }
0x55: {  	_ = 	snop  }
0x56: {  	[tilespmem:s22], [sflag:$0x1] =	stream.indirect_vreg.gather [hbm4b:s1+s4], $0x80, v3, vm0, $0xb8;
	[tilespmem:$0xD080] =	vst v63  }
0x57: {  	v3 =	vld [tilespmem:$0x60];
	_ =	sdelay $0x4  }
0x58: {  	v4 =	vshll.u32 v3, $0x1  }
0x59: {  	v3 =	vand.u32 $0x7, v3;
	v4 =	vand.u32 $0xFFFFFFF0, v4  }
0x5a: {  	v3 =	vor.u32 v3, v4  }
0x5b: {  	v4 =	vperm.xlane v3, v0;
	_ =	sdelay $0x1  }
0x5c: {  	v3 =	vperm.xlane v3, v2;
	v4 =	vadd.s32 v1, v4;
	_ =	sdelay $0x1  }
0x5d: {  	v3 =	vadd.s32 v1, v3;
	_ =	sdelay $0x2  }
0x5e: {  	[tilespmem:s23], [sflag:$0x1] =	stream.indirect_vreg.gather [hbm4b:s1+s4], $0x80, v4, vm0, $0xb8;
	[tilespmem:$0xD080] =	vst v63  }
0x5f: {  	_ = 	snop  }
0x60: {  	[tilespmem:s24], [sflag:$0x1] =	stream.indirect_vreg.gather [hbm4b:s1+s4], $0x80, v3, vm0, $0xb8;
	[tilespmem:$0xD080] =	vst v63  }
0x61: {  	v3 =	vld [tilespmem:$0x70];
	_ =	sdelay $0x4  }
0x62: {  	v4 =	vshll.u32 v3, $0x1  }
0x63: {  	v3 =	vand.u32 $0x7, v3;
	v4 =	vand.u32 $0xFFFFFFF0, v4  }
0x64: {  	v3 =	vor.u32 v3, v4  }
0x65: {  	v4 =	vperm.xlane v3, v0;
	_ =	sdelay $0x1  }
0x66: {  	v3 =	vperm.xlane v3, v2;
	v4 =	vadd.s32 v1, v4;
	_ =	sdelay $0x1  }
0x67: {  	v3 =	vadd.s32 v1, v3;
	_ =	sdelay $0x2  }
0x68: {  	[tilespmem:s25], [sflag:$0x1] =	stream.indirect_vreg.gather [hbm4b:s1+s4], $0x80, v4, vm0, $0xb8;
	[tilespmem:$0xD080] =	vst v63  }
0x69: {  	_ = 	snop  }
0x6a: {  	[tilespmem:s26], [sflag:$0x1] =	stream.indirect_vreg.gather [hbm4b:s1+s4], $0x80, v3, vm0, $0xb8;
	[tilespmem:$0xD080] =	vst v63  }
0x6b: {  	_ =	swait.ge [sflag:s28], $0x8000  }
0x6c: {  	[sflag:s28] =	ssyncset.done $0x0  }
0x6d: {  	s8 =	simm.s32 $0x4480;
	[sflag:s28] =	ssyncadd.s32 $0xFFFF8000  }
0x6e: {  	v4 =	vld [tilespmem:s8+$0xFFFFFC80]  }
0x6f: {  	s30 =	simm.s32 $0x280;
	v7 =	vld [tilespmem:s8+$0xFFFFFC00]  }
0x70: {  	v5 =	vld [tilespmem:s30+$0xFFFFFE80]  }
0x71: {  	v8 =	vld [tilespmem:s30+$0xFFFFFE00]  }
0x72: {  	v3 =	vld [tilespmem:s30+$0xFFFFFF00]  }
0x73: {  	v9 =	vld [tilespmem:s8+$0xFFFFFD00]  }
0x74: {  	v10 =	vld [tilespmem:s8+$0xFFFFFD80]  }
0x75: {  	v6 =	vld [tilespmem:s30+$0xFFFFFF80]  }
0x76: {  	v11 =	vld [tilespmem:s8+$0xFFFFFE00];
	v4 =	vmul.f32 v4, v5;
	v12 =	vmul.f32 v7, v8  }
0x77: {  	v7 =	vld [tilespmem:s30+$0x0]  }
0x78: {  	v13 =	vld [tilespmem:s8+$0xFFFFFE80];
	v9 =	vmul.f32 v9, v3;
	v12 =	vadd.f32 v4, v12  }
0x79: {  	v4 =	vld [tilespmem:s30+$0x80]  }
0x7a: {  	v14 =	vld [tilespmem:s8+$0xFFFFFF00];
	v10 =	vmul.f32 v10, v6;
	v12 =	vadd.f32 v9, v12  }
0x7b: {  	v9 =	vld [tilespmem:s30+$0x100]  }
0x7c: {  	v15 =	vld [tilespmem:s8+$0xFFFFFF80];
	v11 =	vmul.f32 v11, v7;
	v12 =	vadd.f32 v10, v12  }
0x7d: {  	v10 =	vld [tilespmem:s30+$0x180]  }
0x7e: {  	v13 =	vmul.f32 v13, v4;
	v11 =	vadd.f32 v11, v12;
	_ =	sdelay $0x1  }
0x7f: {  	v12 =	vmul.f32 v14, v9;
	v11 =	vadd.f32 v13, v11;
	_ =	sdelay $0x1  }
0x80: {  	v13 =	vmul.f32 v15, v10;
	v11 =	vadd.f32 v12, v11;
	_ =	sdelay $0x1  }
0x81: {  	s10 =	sand.u32 $0x800, s4;
	s11 =	sand.u32 $0x380, s4;
	v11 =	vadd.f32 v13, v11  }
0x82: {  	s2 =	sor.u32 s11, s10  }
0x83: {  	[tilespmem:s2+$0xC080] =	vst v11  }
0x84: {  	v11 =	vld [tilespmem:s8+$0xFFFFFC10]  }
0x85: {  	v12 =	vld [tilespmem:s8+$0xFFFFFC90];
	_ =	sdelay $0x1  }
0x86: {  	v13 =	vld [tilespmem:s8+$0xFFFFFD10];
	_ =	sdelay $0x1  }
0x87: {  	v14 =	vld [tilespmem:s8+$0xFFFFFD90]  }
0x88: {  	v11 =	vmul.f32 v11, v8;
	v12 =	vmul.f32 v12, v5  }
0x89: {  	v15 =	vld [tilespmem:s8+$0xFFFFFE10]  }
0x8a: {  	v11 =	vadd.f32 v12, v11;
	v12 =	vmul.f32 v13, v3  }
0x8b: {  	v13 =	vld [tilespmem:s8+$0xFFFFFE90]  }
0x8c: {  	v11 =	vadd.f32 v12, v11;
	v12 =	vmul.f32 v14, v6  }
0x8d: {  	v14 =	vld [tilespmem:s8+$0xFFFFFF10]  }
0x8e: {  	v11 =	vadd.f32 v12, v11;
	v12 =	vmul.f32 v15, v7  }
0x8f: {  	v15 =	vld [tilespmem:s8+$0xFFFFFF90]  }
0x90: {  	v13 =	vmul.f32 v13, v4;
	v11 =	vadd.f32 v12, v11;
	_ =	sdelay $0x1  }
0x91: {  	v12 =	vmul.f32 v14, v9;
	v11 =	vadd.f32 v13, v11;
	_ =	sdelay $0x1  }
0x92: {  	v11 =	vadd.f32 v12, v11;
	v12 =	vmul.f32 v15, v10;
	_ =	sdelay $0x1  }
0x93: {  	v11 =	vadd.f32 v12, v11;
	_ =	sdelay $0x1  }
0x94: {  	[tilespmem:s2+$0xC090] =	vst v11  }
0x95: {  	v11 =	vld [tilespmem:s8+$0xFFFFFC20]  }
0x96: {  	v12 =	vld [tilespmem:s8+$0xFFFFFCA0];
	_ =	sdelay $0x1  }
0x97: {  	v13 =	vld [tilespmem:s8+$0xFFFFFD20];
	_ =	sdelay $0x1  }
0x98: {  	v14 =	vld [tilespmem:s8+$0xFFFFFDA0]  }
0x99: {  	v11 =	vmul.f32 v11, v8;
	v12 =	vmul.f32 v12, v5  }
0x9a: {  	v15 =	vld [tilespmem:s8+$0xFFFFFE20]  }
0x9b: {  	v11 =	vadd.f32 v12, v11;
	v12 =	vmul.f32 v13, v3  }
0x9c: {  	v13 =	vld [tilespmem:s8+$0xFFFFFEA0]  }
0x9d: {  	v11 =	vadd.f32 v12, v11;
	v12 =	vmul.f32 v14, v6  }
0x9e: {  	v14 =	vld [tilespmem:s8+$0xFFFFFF20]  }
0x9f: {  	v11 =	vadd.f32 v12, v11;
	v12 =	vmul.f32 v15, v7  }
0xa0: {  	v15 =	vld [tilespmem:s8+$0xFFFFFFA0]  }
0xa1: {  	v11 =	vadd.f32 v12, v11;
	v12 =	vmul.f32 v13, v4;
	_ =	sdelay $0x1  }
0xa2: {  	v11 =	vadd.f32 v12, v11;
	v12 =	vmul.f32 v14, v9;
	_ =	sdelay $0x1  }
0xa3: {  	v11 =	vadd.f32 v12, v11;
	v12 =	vmul.f32 v15, v10;
	_ =	sdelay $0x1  }
0xa4: {  	v11 =	vadd.f32 v12, v11;
	_ =	sdelay $0x1  }
0xa5: {  	[tilespmem:s2+$0xC0A0] =	vst v11  }
0xa6: {  	v11 =	vld [tilespmem:s8+$0xFFFFFC30]  }
0xa7: {  	v12 =	vld [tilespmem:s8+$0xFFFFFCB0];
	_ =	sdelay $0x1  }
0xa8: {  	v13 =	vld [tilespmem:s8+$0xFFFFFD30];
	_ =	sdelay $0x1  }
0xa9: {  	v14 =	vld [tilespmem:s8+$0xFFFFFDB0]  }
0xaa: {  	v11 =	vmul.f32 v11, v8;
	v12 =	vmul.f32 v12, v5  }
0xab: {  	v15 =	vld [tilespmem:s8+$0xFFFFFE30]  }
0xac: {  	v11 =	vadd.f32 v12, v11;
	v12 =	vmul.f32 v13, v3  }
0xad: {  	v13 =	vld [tilespmem:s8+$0xFFFFFEB0]  }
0xae: {  	v11 =	vadd.f32 v12, v11;
	v12 =	vmul.f32 v14, v6  }
0xaf: {  	v14 =	vld [tilespmem:s8+$0xFFFFFF30]  }
0xb0: {  	v11 =	vadd.f32 v12, v11;
	v12 =	vmul.f32 v15, v7  }
0xb1: {  	v15 =	vld [tilespmem:s8+$0xFFFFFFB0]  }
0xb2: {  	v11 =	vadd.f32 v12, v11;
	v12 =	vmul.f32 v13, v4;
	_ =	sdelay $0x1  }
0xb3: {  	v11 =	vadd.f32 v12, v11;
	v12 =	vmul.f32 v14, v9;
	_ =	sdelay $0x1  }
0xb4: {  	v11 =	vadd.f32 v12, v11;
	v12 =	vmul.f32 v15, v10;
	_ =	sdelay $0x1  }
0xb5: {  	v11 =	vadd.f32 v12, v11;
	_ =	sdelay $0x1  }
0xb6: {  	[tilespmem:s2+$0xC0B0] =	vst v11  }
0xb7: {  	v11 =	vld [tilespmem:s8+$0xFFFFFC40]  }
0xb8: {  	v12 =	vld [tilespmem:s8+$0xFFFFFCC0];
	_ =	sdelay $0x1  }
0xb9: {  	v13 =	vld [tilespmem:s8+$0xFFFFFD40];
	_ =	sdelay $0x1  }
0xba: {  	v14 =	vld [tilespmem:s8+$0xFFFFFDC0]  }
0xbb: {  	v11 =	vmul.f32 v11, v8;
	v12 =	vmul.f32 v12, v5  }
0xbc: {  	v15 =	vld [tilespmem:s8+$0xFFFFFE40]  }
0xbd: {  	v13 =	vmul.f32 v13, v3;
	v11 =	vadd.f32 v12, v11  }
0xbe: {  	v12 =	vld [tilespmem:s8+$0xFFFFFEC0]  }
0xbf: {  	v14 =	vmul.f32 v14, v6;
	v11 =	vadd.f32 v13, v11  }
0xc0: {  	v13 =	vld [tilespmem:s8+$0xFFFFFF40]  }
0xc1: {  	v15 =	vmul.f32 v15, v7;
	v11 =	vadd.f32 v14, v11  }
0xc2: {  	v14 =	vld [tilespmem:s8+$0xFFFFFFC0]  }
0xc3: {  	v12 =	vmul.f32 v12, v4;
	v11 =	vadd.f32 v15, v11;
	_ =	sdelay $0x1  }
0xc4: {  	v13 =	vmul.f32 v13, v9;
	v11 =	vadd.f32 v12, v11;
	_ =	sdelay $0x1  }
0xc5: {  	v12 =	vmul.f32 v14, v10;
	v11 =	vadd.f32 v13, v11;
	_ =	sdelay $0x1  }
0xc6: {  	v11 =	vadd.f32 v12, v11;
	_ =	sdelay $0x1  }
0xc7: {  	[tilespmem:s2+$0xC0C0] =	vst v11  }
0xc8: {  	v11 =	vld [tilespmem:s8+$0xFFFFFC50]  }
0xc9: {  	v12 =	vld [tilespmem:s8+$0xFFFFFCD0];
	_ =	sdelay $0x1  }
0xca: {  	v13 =	vld [tilespmem:s8+$0xFFFFFD50];
	_ =	sdelay $0x1  }
0xcb: {  	v14 =	vld [tilespmem:s8+$0xFFFFFDD0]  }
0xcc: {  	v11 =	vmul.f32 v11, v8;
	v12 =	vmul.f32 v12, v5  }
0xcd: {  	v15 =	vld [tilespmem:s8+$0xFFFFFE50]  }
0xce: {  	v13 =	vmul.f32 v13, v3;
	v11 =	vadd.f32 v12, v11  }
0xcf: {  	v12 =	vld [tilespmem:s8+$0xFFFFFED0]  }
0xd0: {  	v14 =	vmul.f32 v14, v6;
	v11 =	vadd.f32 v13, v11  }
0xd1: {  	v13 =	vld [tilespmem:s8+$0xFFFFFF50]  }
0xd2: {  	v15 =	vmul.f32 v15, v7;
	v11 =	vadd.f32 v14, v11  }
0xd3: {  	v14 =	vld [tilespmem:s8+$0xFFFFFFD0]  }
0xd4: {  	v12 =	vmul.f32 v12, v4;
	v11 =	vadd.f32 v15, v11;
	_ =	sdelay $0x1  }
0xd5: {  	v13 =	vmul.f32 v13, v9;
	v11 =	vadd.f32 v12, v11;
	_ =	sdelay $0x1  }
0xd6: {  	v12 =	vmul.f32 v14, v10;
	v11 =	vadd.f32 v13, v11;
	_ =	sdelay $0x1  }
0xd7: {  	v11 =	vadd.f32 v12, v11;
	_ =	sdelay $0x1  }
0xd8: {  	[tilespmem:s2+$0xC0D0] =	vst v11  }
0xd9: {  	v11 =	vld [tilespmem:s8+$0xFFFFFC60]  }
0xda: {  	v12 =	vld [tilespmem:s8+$0xFFFFFCE0];
	_ =	sdelay $0x1  }
0xdb: {  	v13 =	vld [tilespmem:s8+$0xFFFFFD60];
	_ =	sdelay $0x1  }
0xdc: {  	v14 =	vld [tilespmem:s8+$0xFFFFFDE0]  }
0xdd: {  	v11 =	vmul.f32 v11, v8;
	v12 =	vmul.f32 v12, v5  }
0xde: {  	v15 =	vld [tilespmem:s8+$0xFFFFFE60]  }
0xdf: {  	v13 =	vmul.f32 v13, v3;
	v11 =	vadd.f32 v12, v11  }
0xe0: {  	v12 =	vld [tilespmem:s8+$0xFFFFFEE0]  }
0xe1: {  	v14 =	vmul.f32 v14, v6;
	v11 =	vadd.f32 v13, v11  }
0xe2: {  	v13 =	vld [tilespmem:s8+$0xFFFFFF60]  }
0xe3: {  	v11 =	vadd.f32 v14, v11;
	v14 =	vmul.f32 v15, v7  }
0xe4: {  	v15 =	vld [tilespmem:s8+$0xFFFFFFE0]  }
0xe5: {  	v12 =	vmul.f32 v12, v4;
	v11 =	vadd.f32 v14, v11;
	_ =	sdelay $0x1  }
0xe6: {  	v11 =	vadd.f32 v12, v11;
	v12 =	vmul.f32 v13, v9;
	_ =	sdelay $0x1  }
0xe7: {  	v11 =	vadd.f32 v12, v11;
	v12 =	vmul.f32 v15, v10;
	_ =	sdelay $0x1  }
0xe8: {  	v11 =	vadd.f32 v12, v11;
	_ =	sdelay $0x1  }
0xe9: {  	[tilespmem:s2+$0xC0E0] =	vst v11  }
0xea: {  	v11 =	vld [tilespmem:s8+$0xFFFFFC70]  }
0xeb: {  	v12 =	vld [tilespmem:s8+$0xFFFFFCF0];
	_ =	sdelay $0x1  }
0xec: {  	v13 =	vld [tilespmem:s8+$0xFFFFFD70];
	_ =	sdelay $0x1  }
0xed: {  	v14 =	vld [tilespmem:s8+$0xFFFFFDF0]  }
0xee: {  	v11 =	vmul.f32 v11, v8;
	v12 =	vmul.f32 v12, v5  }
0xef: {  	v15 =	vld [tilespmem:s8+$0xFFFFFE70]  }
0xf0: {  	v13 =	vmul.f32 v13, v3;
	v11 =	vadd.f32 v12, v11  }
0xf1: {  	v12 =	vld [tilespmem:s8+$0xFFFFFEF0]  }
0xf2: {  	v14 =	vmul.f32 v14, v6;
	v11 =	vadd.f32 v13, v11  }
0xf3: {  	v13 =	vld [tilespmem:s8+$0xFFFFFF70]  }
0xf4: {  	v15 =	vmul.f32 v15, v7;
	v11 =	vadd.f32 v14, v11  }
0xf5: {  	v14 =	vld [tilespmem:s8+$0xFFFFFFF0]  }
0xf6: {  	v12 =	vmul.f32 v12, v4;
	v11 =	vadd.f32 v15, v11;
	_ =	sdelay $0x1  }
0xf7: {  	v11 =	vadd.f32 v12, v11;
	v12 =	vmul.f32 v13, v9;
	_ =	sdelay $0x1  }
0xf8: {  	v11 =	vadd.f32 v12, v11;
	v12 =	vmul.f32 v14, v10;
	_ =	sdelay $0x1  }
0xf9: {  	v11 =	vadd.f32 v12, v11;
	_ =	sdelay $0x1  }
0xfa: {  	[tilespmem:s2+$0xC0F0] =	vst v11  }
0xfb: {  	v11 =	vld [tilespmem:s8+$0x0]  }
0xfc: {  	v12 =	vld [tilespmem:s8+$0x80];
	_ =	sdelay $0x1  }
0xfd: {  	v13 =	vld [tilespmem:s8+$0x100];
	_ =	sdelay $0x1  }
0xfe: {  	v14 =	vld [tilespmem:s8+$0x180]  }
0xff: {  	v11 =	vmul.f32 v11, v8;
	v12 =	vmul.f32 v12, v5  }
0x100: {  	v15 =	vld [tilespmem:s8+$0x200]  }
0x101: {  	v11 =	vadd.f32 v12, v11;
	v12 =	vmul.f32 v13, v3  }
0x102: {  	v13 =	vld [tilespmem:s8+$0x280]  }
0x103: {  	v14 =	vmul.f32 v14, v6;
	v11 =	vadd.f32 v12, v11  }
0x104: {  	v12 =	vld [tilespmem:s8+$0x300]  }
0x105: {  	v15 =	vmul.f32 v15, v7;
	v11 =	vadd.f32 v14, v11  }
0x106: {  	v14 =	vld [tilespmem:s8+$0x380]  }
0x107: {  	v13 =	vmul.f32 v13, v4;
	v11 =	vadd.f32 v15, v11;
	_ =	sdelay $0x1  }
0x108: {  	v12 =	vmul.f32 v12, v9;
	v11 =	vadd.f32 v13, v11;
	_ =	sdelay $0x1  }
0x109: {  	v11 =	vadd.f32 v12, v11;
	v12 =	vmul.f32 v14, v10;
	_ =	sdelay $0x1  }
0x10a: {  	v11 =	vadd.f32 v12, v11;
	_ =	sdelay $0x1  }
0x10b: {  	[tilespmem:s2+$0xC480] =	vst v11  }
0x10c: {  	v11 =	vld [tilespmem:s8+$0x10]  }
0x10d: {  	v12 =	vld [tilespmem:s8+$0x90];
	_ =	sdelay $0x1  }
0x10e: {  	v13 =	vld [tilespmem:s8+$0x110];
	_ =	sdelay $0x1  }
0x10f: {  	v14 =	vld [tilespmem:s8+$0x190]  }
0x110: {  	v11 =	vmul.f32 v11, v8;
	v12 =	vmul.f32 v12, v5  }
0x111: {  	v15 =	vld [tilespmem:s8+$0x210]  }
0x112: {  	v13 =	vmul.f32 v13, v3;
	v11 =	vadd.f32 v12, v11  }
0x113: {  	v12 =	vld [tilespmem:s8+$0x290]  }
0x114: {  	v14 =	vmul.f32 v14, v6;
	v11 =	vadd.f32 v13, v11  }
0x115: {  	v13 =	vld [tilespmem:s8+$0x310]  }
0x116: {  	v15 =	vmul.f32 v15, v7;
	v11 =	vadd.f32 v14, v11  }
0x117: {  	v14 =	vld [tilespmem:s8+$0x390]  }
0x118: {  	v12 =	vmul.f32 v12, v4;
	v11 =	vadd.f32 v15, v11;
	_ =	sdelay $0x1  }
0x119: {  	v13 =	vmul.f32 v13, v9;
	v11 =	vadd.f32 v12, v11;
	_ =	sdelay $0x1  }
0x11a: {  	v12 =	vmul.f32 v14, v10;
	v11 =	vadd.f32 v13, v11;
	_ =	sdelay $0x1  }
0x11b: {  	v11 =	vadd.f32 v12, v11;
	_ =	sdelay $0x1  }
0x11c: {  	[tilespmem:s2+$0xC490] =	vst v11  }
0x11d: {  	v11 =	vld [tilespmem:s8+$0x20]  }
0x11e: {  	v12 =	vld [tilespmem:s8+$0xA0];
	_ =	sdelay $0x1  }
0x11f: {  	v13 =	vld [tilespmem:s8+$0x120];
	_ =	sdelay $0x1  }
0x120: {  	v14 =	vld [tilespmem:s8+$0x1A0]  }
0x121: {  	v11 =	vmul.f32 v11, v8;
	v12 =	vmul.f32 v12, v5  }
0x122: {  	v15 =	vld [tilespmem:s8+$0x220]  }
0x123: {  	v13 =	vmul.f32 v13, v3;
	v11 =	vadd.f32 v12, v11  }
0x124: {  	v12 =	vld [tilespmem:s8+$0x2A0]  }
0x125: {  	v14 =	vmul.f32 v14, v6;
	v11 =	vadd.f32 v13, v11  }
0x126: {  	v13 =	vld [tilespmem:s8+$0x320]  }
0x127: {  	v15 =	vmul.f32 v15, v7;
	v11 =	vadd.f32 v14, v11  }
0x128: {  	v14 =	vld [tilespmem:s8+$0x3A0]  }
0x129: {  	v12 =	vmul.f32 v12, v4;
	v11 =	vadd.f32 v15, v11;
	_ =	sdelay $0x1  }
0x12a: {  	v13 =	vmul.f32 v13, v9;
	v11 =	vadd.f32 v12, v11;
	_ =	sdelay $0x1  }
0x12b: {  	v12 =	vmul.f32 v14, v10;
	v11 =	vadd.f32 v13, v11;
	_ =	sdelay $0x1  }
0x12c: {  	v11 =	vadd.f32 v12, v11;
	_ =	sdelay $0x1  }
0x12d: {  	[tilespmem:s2+$0xC4A0] =	vst v11  }
0x12e: {  	v11 =	vld [tilespmem:s8+$0x30]  }
0x12f: {  	v12 =	vld [tilespmem:s8+$0xB0];
	_ =	sdelay $0x1  }
0x130: {  	v13 =	vld [tilespmem:s8+$0x130];
	_ =	sdelay $0x1  }
0x131: {  	v14 =	vld [tilespmem:s8+$0x1B0]  }
0x132: {  	v11 =	vmul.f32 v11, v8;
	v12 =	vmul.f32 v12, v5  }
0x133: {  	v15 =	vld [tilespmem:s8+$0x230]  }
0x134: {  	v13 =	vmul.f32 v13, v3;
	v11 =	vadd.f32 v12, v11  }
0x135: {  	v12 =	vld [tilespmem:s8+$0x2B0]  }
0x136: {  	v11 =	vadd.f32 v13, v11;
	v13 =	vmul.f32 v14, v6  }
0x137: {  	v14 =	vld [tilespmem:s8+$0x330]  }
0x138: {  	v15 =	vmul.f32 v15, v7;
	v11 =	vadd.f32 v13, v11  }
0x139: {  	v13 =	vld [tilespmem:s8+$0x3B0]  }
0x13a: {  	v12 =	vmul.f32 v12, v4;
	v11 =	vadd.f32 v15, v11;
	_ =	sdelay $0x1  }
0x13b: {  	v14 =	vmul.f32 v14, v9;
	v11 =	vadd.f32 v12, v11;
	_ =	sdelay $0x1  }
0x13c: {  	v12 =	vmul.f32 v13, v10;
	v11 =	vadd.f32 v14, v11;
	_ =	sdelay $0x1  }
0x13d: {  	v11 =	vadd.f32 v12, v11;
	_ =	sdelay $0x1  }
0x13e: {  	[tilespmem:s2+$0xC4B0] =	vst v11  }
0x13f: {  	v11 =	vld [tilespmem:s8+$0x40]  }
0x140: {  	v12 =	vld [tilespmem:s8+$0xC0];
	_ =	sdelay $0x1  }
0x141: {  	v13 =	vld [tilespmem:s8+$0x140];
	_ =	sdelay $0x1  }
0x142: {  	v14 =	vld [tilespmem:s8+$0x1C0]  }
0x143: {  	v11 =	vmul.f32 v11, v8;
	v12 =	vmul.f32 v12, v5  }
0x144: {  	v15 =	vld [tilespmem:s8+$0x240]  }
0x145: {  	v11 =	vadd.f32 v12, v11;
	v12 =	vmul.f32 v13, v3  }
0x146: {  	v13 =	vld [tilespmem:s8+$0x2C0]  }
0x147: {  	v14 =	vmul.f32 v14, v6;
	v11 =	vadd.f32 v12, v11  }
0x148: {  	v12 =	vld [tilespmem:s8+$0x340]  }
0x149: {  	v11 =	vadd.f32 v14, v11;
	v14 =	vmul.f32 v15, v7  }
0x14a: {  	v15 =	vld [tilespmem:s8+$0x3C0]  }
0x14b: {  	v13 =	vmul.f32 v13, v4;
	v11 =	vadd.f32 v14, v11;
	_ =	sdelay $0x1  }
0x14c: {  	v12 =	vmul.f32 v12, v9;
	v11 =	vadd.f32 v13, v11;
	_ =	sdelay $0x1  }
0x14d: {  	v13 =	vmul.f32 v15, v10;
	v11 =	vadd.f32 v12, v11;
	_ =	sdelay $0x1  }
0x14e: {  	v11 =	vadd.f32 v13, v11;
	_ =	sdelay $0x1  }
0x14f: {  	[tilespmem:s2+$0xC4C0] =	vst v11  }
0x150: {  	v11 =	vld [tilespmem:s8+$0x50]  }
0x151: {  	v12 =	vld [tilespmem:s8+$0xD0];
	_ =	sdelay $0x1  }
0x152: {  	v13 =	vld [tilespmem:s8+$0x150];
	_ =	sdelay $0x1  }
0x153: {  	v14 =	vld [tilespmem:s8+$0x1D0]  }
0x154: {  	v11 =	vmul.f32 v11, v8;
	v12 =	vmul.f32 v12, v5  }
0x155: {  	v15 =	vld [tilespmem:s8+$0x250]  }
0x156: {  	v13 =	vmul.f32 v13, v3;
	v11 =	vadd.f32 v12, v11  }
0x157: {  	v12 =	vld [tilespmem:s8+$0x2D0]  }
0x158: {  	v14 =	vmul.f32 v14, v6;
	v11 =	vadd.f32 v13, v11  }
0x159: {  	v13 =	vld [tilespmem:s8+$0x350]  }
0x15a: {  	v15 =	vmul.f32 v15, v7;
	v11 =	vadd.f32 v14, v11  }
0x15b: {  	v14 =	vld [tilespmem:s8+$0x3D0]  }
0x15c: {  	v12 =	vmul.f32 v12, v4;
	v11 =	vadd.f32 v15, v11;
	_ =	sdelay $0x1  }
0x15d: {  	v13 =	vmul.f32 v13, v9;
	v11 =	vadd.f32 v12, v11;
	_ =	sdelay $0x1  }
0x15e: {  	v12 =	vmul.f32 v14, v10;
	v11 =	vadd.f32 v13, v11;
	_ =	sdelay $0x1  }
0x15f: {  	v11 =	vadd.f32 v12, v11;
	_ =	sdelay $0x1  }
0x160: {  	[tilespmem:s2+$0xC4D0] =	vst v11  }
0x161: {  	v11 =	vld [tilespmem:s8+$0x60]  }
0x162: {  	v12 =	vld [tilespmem:s8+$0xE0];
	_ =	sdelay $0x1  }
0x163: {  	v13 =	vld [tilespmem:s8+$0x160];
	_ =	sdelay $0x1  }
0x164: {  	v14 =	vld [tilespmem:s8+$0x1E0]  }
0x165: {  	v11 =	vmul.f32 v11, v8;
	v12 =	vmul.f32 v12, v5  }
0x166: {  	v15 =	vld [tilespmem:s8+$0x260]  }
0x167: {  	v13 =	vmul.f32 v13, v3;
	v11 =	vadd.f32 v12, v11  }
0x168: {  	v12 =	vld [tilespmem:s8+$0x2E0]  }
0x169: {  	v11 =	vadd.f32 v13, v11;
	v13 =	vmul.f32 v14, v6  }
0x16a: {  	v14 =	vld [tilespmem:s8+$0x360]  }
0x16b: {  	v15 =	vmul.f32 v15, v7;
	v11 =	vadd.f32 v13, v11  }
0x16c: {  	v13 =	vld [tilespmem:s8+$0x3E0]  }
0x16d: {  	v12 =	vmul.f32 v12, v4;
	v11 =	vadd.f32 v15, v11;
	_ =	sdelay $0x1  }
0x16e: {  	v14 =	vmul.f32 v14, v9;
	v11 =	vadd.f32 v12, v11;
	_ =	sdelay $0x1  }
0x16f: {  	v12 =	vmul.f32 v13, v10;
	v11 =	vadd.f32 v14, v11;
	_ =	sdelay $0x1  }
0x170: {  	v11 =	vadd.f32 v12, v11;
	_ =	sdelay $0x1  }
0x171: {  	[tilespmem:s2+$0xC4E0] =	vst v11  }
0x172: {  	v11 =	vld [tilespmem:s8+$0x70]  }
0x173: {  	s3 =	simm.s32 $0x100;
	s10 =	simm.s32 $0x4480;
	v12 =	vld [tilespmem:s8+$0xF0]  }
.LBB2_3:
0x174: {  	v13 =	vld [tilespmem:s8+$0x170];
	s4 =	sadd.s32 $0x80, s4;
	s10 =	sadd.s32 $0x800, s10;
	s30 =	sadd.s32 $0x400, s30  }
0x175: {  	p0 =	sne.s32 s3, $0xF00;
	s11 =	smov.u32 s3;
	s3 =	sadd.s32 $0x100, s3;
	v14 =	vld [tilespmem:s8+$0x1F0]  }
0x176: {  	v15 =	vld [tilespmem:s8+$0x270]  }
0x177: {  	v8 =	vmul.f32 v11, v8;
	v11 =	vld [tilespmem:s8+$0x2F0]  }
0x178: {  	v5 =	vmul.f32 v12, v5;
	v12 =	vld [tilespmem:s8+$0x370]  }
0x179: {  	v3 =	vmul.f32 v13, v3;
	v13 =	vld [tilespmem:s8+$0x3F0];
	s8 =	smov.u32 s10  }
0x17a: {  	v5 =	vadd.f32 v5, v8;
	v6 =	vmul.f32 v14, v6  }
0x17b: {  	v7 =	vmul.f32 v15, v7  }
0x17c: {  	v3 =	vadd.f32 v3, v5  }
0x17d: {  	v5 =	vmul.f32 v12, v9  }
0x17e: {  	v3 =	vadd.f32 v6, v3;
	v6 =	vmul.f32 v13, v10;
	_ =	sdelay $0x1  }
0x17f: {  	v4 =	vmul.f32 v11, v4;
	v3 =	vadd.f32 v7, v3;
	_ =	sdelay $0x1  }
0x180: {  	v3 =	vadd.f32 v4, v3;
	_ =	sdelay $0x1  }
0x181: {  	v3 =	vadd.f32 v5, v3;
	_ =	sdelay $0x1  }
0x182: {  	v3 =	vadd.f32 v6, v3;
	_ =	sdelay $0x1  }
0x183: {  	[tilespmem:s2+$0xC4F0] =	vst v3;
	_ =	sdelay $0x1  }
0x184: {  	v4 =	vld [tilespmem:s10+$0xFFFFFC80]  }
0x185: {  	v9 =	vld [tilespmem:s10+$0xFFFFFC00]  }
0x186: {  	v3 =	vld [tilespmem:s30+$0xFFFFFF00]  }
0x187: {  	v5 =	vld [tilespmem:s30+$0xFFFFFE80]  }
0x188: {  	v10 =	vld [tilespmem:s10+$0xFFFFFD00]  }
0x189: {  	v8 =	vld [tilespmem:s30+$0xFFFFFE00]  }
0x18a: {  	v11 =	vld [tilespmem:s10+$0xFFFFFD80]  }
0x18b: {  	v6 =	vld [tilespmem:s30+$0xFFFFFF80]  }
0x18c: {  	v12 =	vld [tilespmem:s10+$0xFFFFFE00]  }
0x18d: {  	v13 =	vmul.f32 v4, v5;
	v7 =	vld [tilespmem:s30+$0x0]  }
0x18e: {  	v10 =	vmul.f32 v10, v3;
	v9 =	vmul.f32 v9, v8;
	v14 =	vld [tilespmem:s10+$0xFFFFFE80]  }
0x18f: {  	v4 =	vld [tilespmem:s30+$0x80]  }
0x190: {  	v13 =	vadd.f32 v13, v9;
	v11 =	vmul.f32 v11, v6;
	v15 =	vld [tilespmem:s10+$0xFFFFFF00]  }
0x191: {  	v9 =	vld [tilespmem:s30+$0x100]  }
0x192: {  	v13 =	vadd.f32 v10, v13;
	v12 =	vmul.f32 v12, v7;
	v16 =	vld [tilespmem:s10+$0xFFFFFF80]  }
0x193: {  	v10 =	vld [tilespmem:s30+$0x180]  }
0x194: {  	v11 =	vadd.f32 v11, v13;
	v13 =	vmul.f32 v14, v4;
	_ =	sdelay $0x1  }
0x195: {  	v11 =	vadd.f32 v12, v11;
	v12 =	vmul.f32 v15, v9;
	_ =	sdelay $0x1  }
0x196: {  	v11 =	vadd.f32 v13, v11;
	v13 =	vmul.f32 v16, v10;
	_ =	sdelay $0x1  }
0x197: {  	v11 =	vadd.f32 v12, v11;
	_ =	sdelay $0x1  }
0x198: {  	s2 =	sand.u32 $0x800, s11;
	s11 =	sand.u32 $0x380, s4;
	v11 =	vadd.f32 v13, v11  }
0x199: {  	s2 =	sor.u32 s11, s2  }
0x19a: {  	[tilespmem:s2+$0xC080] =	vst v11  }
0x19b: {  	v11 =	vld [tilespmem:s10+$0xFFFFFC10]  }
0x19c: {  	v12 =	vld [tilespmem:s10+$0xFFFFFE90]  }
0x19d: {  	v13 =	vld [tilespmem:s10+$0xFFFFFC90];
	_ =	sdelay $0x1  }
0x19e: {  	v14 =	vld [tilespmem:s10+$0xFFFFFD10]  }
0x19f: {  	v11 =	vmul.f32 v11, v8  }
0x1a0: {  	v15 =	vld [tilespmem:s10+$0xFFFFFD90];
	v12 =	vmul.f32 v12, v4  }
0x1a1: {  	v13 =	vmul.f32 v13, v5  }
0x1a2: {  	v16 =	vld [tilespmem:s10+$0xFFFFFE10]  }
0x1a3: {  	v11 =	vadd.f32 v13, v11;
	v13 =	vmul.f32 v14, v3;
	_ =	sdelay $0x1  }
0x1a4: {  	v11 =	vadd.f32 v13, v11;
	v13 =	vmul.f32 v15, v6  }
0x1a5: {  	v14 =	vld [tilespmem:s10+$0xFFFFFF10]  }
0x1a6: {  	v11 =	vadd.f32 v13, v11;
	v13 =	vmul.f32 v16, v7  }
0x1a7: {  	v15 =	vld [tilespmem:s10+$0xFFFFFF90]  }
0x1a8: {  	v11 =	vadd.f32 v13, v11;
	_ =	sdelay $0x1  }
0x1a9: {  	v11 =	vadd.f32 v12, v11;
	v12 =	vmul.f32 v14, v9;
	_ =	sdelay $0x1  }
0x1aa: {  	v11 =	vadd.f32 v12, v11;
	v12 =	vmul.f32 v15, v10;
	_ =	sdelay $0x1  }
0x1ab: {  	v11 =	vadd.f32 v12, v11;
	_ =	sdelay $0x1  }
0x1ac: {  	[tilespmem:s2+$0xC090] =	vst v11  }
0x1ad: {  	v11 =	vld [tilespmem:s10+$0xFFFFFC20]  }
0x1ae: {  	v12 =	vld [tilespmem:s10+$0xFFFFFCA0];
	_ =	sdelay $0x1  }
0x1af: {  	v13 =	vld [tilespmem:s10+$0xFFFFFD20];
	_ =	sdelay $0x1  }
0x1b0: {  	v11 =	vmul.f32 v11, v8;
	v14 =	vld [tilespmem:s10+$0xFFFFFDA0]  }
0x1b1: {  	v12 =	vmul.f32 v12, v5  }
0x1b2: {  	v15 =	vld [tilespmem:s10+$0xFFFFFE20]  }
0x1b3: {  	v11 =	vadd.f32 v12, v11;
	v12 =	vmul.f32 v13, v3  }
0x1b4: {  	v13 =	vld [tilespmem:s10+$0xFFFFFEA0]  }
0x1b5: {  	v11 =	vadd.f32 v12, v11;
	v12 =	vmul.f32 v14, v6  }
0x1b6: {  	v14 =	vld [tilespmem:s10+$0xFFFFFF20]  }
0x1b7: {  	v11 =	vadd.f32 v12, v11;
	v12 =	vmul.f32 v15, v7  }
0x1b8: {  	v15 =	vld [tilespmem:s10+$0xFFFFFFA0]  }
0x1b9: {  	v11 =	vadd.f32 v12, v11;
	v12 =	vmul.f32 v13, v4;
	_ =	sdelay $0x1  }
0x1ba: {  	v11 =	vadd.f32 v12, v11;
	v12 =	vmul.f32 v14, v9;
	_ =	sdelay $0x1  }
0x1bb: {  	v11 =	vadd.f32 v12, v11;
	v12 =	vmul.f32 v15, v10;
	_ =	sdelay $0x1  }
0x1bc: {  	v11 =	vadd.f32 v12, v11;
	_ =	sdelay $0x1  }
0x1bd: {  	[tilespmem:s2+$0xC0A0] =	vst v11  }
0x1be: {  	v11 =	vld [tilespmem:s10+$0xFFFFFC30]  }
0x1bf: {  	v12 =	vld [tilespmem:s10+$0xFFFFFCB0];
	_ =	sdelay $0x1  }
0x1c0: {  	v13 =	vld [tilespmem:s10+$0xFFFFFD30];
	_ =	sdelay $0x1  }
0x1c1: {  	v11 =	vmul.f32 v11, v8;
	v14 =	vld [tilespmem:s10+$0xFFFFFDB0]  }
0x1c2: {  	v12 =	vmul.f32 v12, v5  }
0x1c3: {  	v15 =	vld [tilespmem:s10+$0xFFFFFE30]  }
0x1c4: {  	v11 =	vadd.f32 v12, v11;
	v12 =	vmul.f32 v13, v3  }
0x1c5: {  	v13 =	vld [tilespmem:s10+$0xFFFFFEB0]  }
0x1c6: {  	v11 =	vadd.f32 v12, v11;
	v12 =	vmul.f32 v14, v6  }
0x1c7: {  	v14 =	vld [tilespmem:s10+$0xFFFFFF30]  }
0x1c8: {  	v11 =	vadd.f32 v12, v11;
	v12 =	vmul.f32 v15, v7  }
0x1c9: {  	v15 =	vld [tilespmem:s10+$0xFFFFFFB0]  }
0x1ca: {  	v11 =	vadd.f32 v12, v11;
	v12 =	vmul.f32 v13, v4;
	_ =	sdelay $0x1  }
0x1cb: {  	v11 =	vadd.f32 v12, v11;
	v12 =	vmul.f32 v14, v9;
	_ =	sdelay $0x1  }
0x1cc: {  	v11 =	vadd.f32 v12, v11;
	v12 =	vmul.f32 v15, v10;
	_ =	sdelay $0x1  }
0x1cd: {  	v11 =	vadd.f32 v12, v11;
	_ =	sdelay $0x1  }
0x1ce: {  	[tilespmem:s2+$0xC0B0] =	vst v11  }
0x1cf: {  	v11 =	vld [tilespmem:s10+$0xFFFFFC40]  }
0x1d0: {  	v12 =	vld [tilespmem:s10+$0xFFFFFCC0]  }
0x1d1: {  	v13 =	vld [tilespmem:s10+$0xFFFFFD40]  }
0x1d2: {  	v14 =	vld [tilespmem:s10+$0xFFFFFDC0]  }
0x1d3: {  	v15 =	vld [tilespmem:s10+$0xFFFFFE40]  }
0x1d4: {  	v11 =	vmul.f32 v11, v8;
	v16 =	vld [tilespmem:s10+$0xFFFFFEC0]  }
0x1d5: {  	v12 =	vmul.f32 v12, v5;
	v17 =	vld [tilespmem:s10+$0xFFFFFF40]  }
0x1d6: {  	v13 =	vmul.f32 v13, v3  }
0x1d7: {  	v11 =	vadd.f32 v12, v11;
	v12 =	vmul.f32 v14, v6  }
0x1d8: {  	v14 =	vmul.f32 v15, v7  }
0x1d9: {  	v11 =	vadd.f32 v13, v11;
	v13 =	vmul.f32 v16, v4  }
0x1da: {  	v15 =	vmul.f32 v17, v9  }
0x1db: {  	v11 =	vadd.f32 v12, v11  }
0x1dc: {  	v12 =	vld [tilespmem:s10+$0xFFFFFFC0]  }
0x1dd: {  	v11 =	vadd.f32 v14, v11;
	_ =	sdelay $0x1  }
0x1de: {  	v11 =	vadd.f32 v13, v11;
	_ =	sdelay $0x1  }
0x1df: {  	v11 =	vadd.f32 v15, v11;
	v12 =	vmul.f32 v12, v10;
	_ =	sdelay $0x1  }
0x1e0: {  	v11 =	vadd.f32 v12, v11;
	_ =	sdelay $0x1  }
0x1e1: {  	[tilespmem:s2+$0xC0C0] =	vst v11  }
0x1e2: {  	v11 =	vld [tilespmem:s10+$0xFFFFFC50]  }
0x1e3: {  	v12 =	vld [tilespmem:s10+$0xFFFFFCD0]  }
0x1e4: {  	v13 =	vld [tilespmem:s10+$0xFFFFFD50]  }
0x1e5: {  	v14 =	vld [tilespmem:s10+$0xFFFFFDD0]  }
0x1e6: {  	v15 =	vld [tilespmem:s10+$0xFFFFFE50]  }
0x1e7: {  	v11 =	vmul.f32 v11, v8;
	v16 =	vld [tilespmem:s10+$0xFFFFFED0]  }
0x1e8: {  	v12 =	vmul.f32 v12, v5;
	v17 =	vld [tilespmem:s10+$0xFFFFFF50]  }
0x1e9: {  	v13 =	vmul.f32 v13, v3  }
0x1ea: {  	v11 =	vadd.f32 v12, v11;
	v12 =	vmul.f32 v14, v6  }
0x1eb: {  	v14 =	vmul.f32 v15, v7  }
0x1ec: {  	v11 =	vadd.f32 v13, v11;
	v13 =	vmul.f32 v16, v4  }
0x1ed: {  	v15 =	vmul.f32 v17, v9  }
0x1ee: {  	v11 =	vadd.f32 v12, v11  }
0x1ef: {  	v12 =	vld [tilespmem:s10+$0xFFFFFFD0]  }
0x1f0: {  	v11 =	vadd.f32 v14, v11;
	_ =	sdelay $0x1  }
0x1f1: {  	v11 =	vadd.f32 v13, v11;
	_ =	sdelay $0x1  }
0x1f2: {  	v11 =	vadd.f32 v15, v11;
	v12 =	vmul.f32 v12, v10;
	_ =	sdelay $0x1  }
0x1f3: {  	v11 =	vadd.f32 v12, v11;
	_ =	sdelay $0x1  }
0x1f4: {  	[tilespmem:s2+$0xC0D0] =	vst v11  }
0x1f5: {  	v11 =	vld [tilespmem:s10+$0xFFFFFC60]  }
0x1f6: {  	v12 =	vld [tilespmem:s10+$0xFFFFFCE0]  }
0x1f7: {  	v13 =	vld [tilespmem:s10+$0xFFFFFD60]  }
0x1f8: {  	v14 =	vld [tilespmem:s10+$0xFFFFFDE0]  }
0x1f9: {  	v15 =	vld [tilespmem:s10+$0xFFFFFE60]  }
0x1fa: {  	v11 =	vmul.f32 v11, v8  }
0x1fb: {  	v12 =	vmul.f32 v12, v5  }
0x1fc: {  	v13 =	vmul.f32 v13, v3  }
0x1fd: {  	v11 =	vadd.f32 v12, v11;
	v12 =	vmul.f32 v14, v6  }
0x1fe: {  	v14 =	vld [tilespmem:s10+$0xFFFFFEE0]  }
0x1ff: {  	v11 =	vadd.f32 v13, v11  }
0x200: {  	v13 =	vld [tilespmem:s10+$0xFFFFFF60]  }
0x201: {  	v11 =	vadd.f32 v12, v11;
	v12 =	vmul.f32 v15, v7  }
0x202: {  	v15 =	vld [tilespmem:s10+$0xFFFFFFE0]  }
0x203: {  	v11 =	vadd.f32 v12, v11;
	v12 =	vmul.f32 v14, v4;
	_ =	sdelay $0x1  }
0x204: {  	v11 =	vadd.f32 v12, v11;
	v12 =	vmul.f32 v13, v9;
	_ =	sdelay $0x1  }
0x205: {  	v11 =	vadd.f32 v12, v11;
	v12 =	vmul.f32 v15, v10;
	_ =	sdelay $0x1  }
0x206: {  	v11 =	vadd.f32 v12, v11;
	_ =	sdelay $0x1  }
0x207: {  	[tilespmem:s2+$0xC0E0] =	vst v11  }
0x208: {  	v11 =	vld [tilespmem:s10+$0xFFFFFC70]  }
0x209: {  	v12 =	vld [tilespmem:s10+$0xFFFFFCF0]  }
0x20a: {  	v13 =	vld [tilespmem:s10+$0xFFFFFD70]  }
0x20b: {  	v14 =	vld [tilespmem:s10+$0xFFFFFDF0]  }
0x20c: {  	v15 =	vld [tilespmem:s10+$0xFFFFFE70]  }
0x20d: {  	v11 =	vmul.f32 v11, v8  }
0x20e: {  	v12 =	vmul.f32 v12, v5  }
0x20f: {  	v13 =	vmul.f32 v13, v3  }
0x210: {  	v11 =	vadd.f32 v12, v11;
	v12 =	vmul.f32 v14, v6  }
0x211: {  	v14 =	vmul.f32 v15, v7;
	v15 =	vld [tilespmem:s10+$0xFFFFFEF0]  }
0x212: {  	v11 =	vadd.f32 v13, v11  }
0x213: {  	v13 =	vld [tilespmem:s10+$0xFFFFFF70]  }
0x214: {  	v11 =	vadd.f32 v12, v11  }
0x215: {  	v12 =	vld [tilespmem:s10+$0xFFFFFFF0]  }
0x216: {  	v11 =	vadd.f32 v14, v11;
	v14 =	vmul.f32 v15, v4;
	_ =	sdelay $0x1  }
0x217: {  	v11 =	vadd.f32 v14, v11;
	v13 =	vmul.f32 v13, v9;
	_ =	sdelay $0x1  }
0x218: {  	v11 =	vadd.f32 v13, v11;
	v12 =	vmul.f32 v12, v10;
	_ =	sdelay $0x1  }
0x219: {  	v11 =	vadd.f32 v12, v11;
	_ =	sdelay $0x1  }
0x21a: {  	[tilespmem:s2+$0xC0F0] =	vst v11  }
0x21b: {  	v11 =	vld [tilespmem:s10+$0x0]  }
0x21c: {  	v12 =	vld [tilespmem:s10+$0x80]  }
0x21d: {  	v13 =	vld [tilespmem:s10+$0x180]  }
0x21e: {  	v14 =	vld [tilespmem:s10+$0x100]  }
0x21f: {  	v15 =	vld [tilespmem:s10+$0x200]  }
0x220: {  	v11 =	vmul.f32 v11, v8  }
0x221: {  	v12 =	vmul.f32 v12, v5  }
0x222: {  	v13 =	vmul.f32 v13, v6  }
0x223: {  	v11 =	vadd.f32 v12, v11;
	v12 =	vmul.f32 v14, v3  }
0x224: {  	v14 =	vmul.f32 v15, v7;
	v15 =	vld [tilespmem:s10+$0x280]  }
0x225: {  	v11 =	vadd.f32 v12, v11  }
0x226: {  	v12 =	vld [tilespmem:s10+$0x300]  }
0x227: {  	v11 =	vadd.f32 v13, v11  }
0x228: {  	v13 =	vld [tilespmem:s10+$0x380]  }
0x229: {  	v11 =	vadd.f32 v14, v11;
	v14 =	vmul.f32 v15, v4;
	_ =	sdelay $0x1  }
0x22a: {  	v11 =	vadd.f32 v14, v11;
	v12 =	vmul.f32 v12, v9;
	_ =	sdelay $0x1  }
0x22b: {  	v11 =	vadd.f32 v12, v11;
	v12 =	vmul.f32 v13, v10;
	_ =	sdelay $0x1  }
0x22c: {  	v11 =	vadd.f32 v12, v11;
	_ =	sdelay $0x1  }
0x22d: {  	[tilespmem:s2+$0xC480] =	vst v11  }
0x22e: {  	v11 =	vld [tilespmem:s10+$0x10]  }
0x22f: {  	v12 =	vld [tilespmem:s10+$0x90]  }
0x230: {  	v13 =	vld [tilespmem:s10+$0x110]  }
0x231: {  	v14 =	vld [tilespmem:s10+$0x190]  }
0x232: {  	v15 =	vld [tilespmem:s10+$0x210]  }
0x233: {  	v11 =	vmul.f32 v11, v8;
	v16 =	vld [tilespmem:s10+$0x290]  }
0x234: {  	v12 =	vmul.f32 v12, v5;
	v17 =	vld [tilespmem:s10+$0x310]  }
0x235: {  	v13 =	vmul.f32 v13, v3;
	v18 =	vld [tilespmem:s10+$0x390]  }
0x236: {  	v11 =	vadd.f32 v12, v11;
	v12 =	vmul.f32 v14, v6  }
0x237: {  	v14 =	vmul.f32 v15, v7  }
0x238: {  	v11 =	vadd.f32 v13, v11;
	v13 =	vmul.f32 v16, v4  }
0x239: {  	v15 =	vmul.f32 v17, v9  }
0x23a: {  	v11 =	vadd.f32 v12, v11;
	v12 =	vmul.f32 v18, v10;
	_ =	sdelay $0x1  }
0x23b: {  	v11 =	vadd.f32 v14, v11;
	_ =	sdelay $0x1  }
0x23c: {  	v11 =	vadd.f32 v13, v11;
	_ =	sdelay $0x1  }
0x23d: {  	v11 =	vadd.f32 v15, v11;
	_ =	sdelay $0x1  }
0x23e: {  	v11 =	vadd.f32 v12, v11;
	_ =	sdelay $0x1  }
0x23f: {  	[tilespmem:s2+$0xC490] =	vst v11  }
0x240: {  	v11 =	vld [tilespmem:s10+$0x20]  }
0x241: {  	v12 =	vld [tilespmem:s10+$0x120]  }
0x242: {  	v13 =	vld [tilespmem:s10+$0xA0]  }
0x243: {  	v14 =	vld [tilespmem:s10+$0x1A0]  }
0x244: {  	v15 =	vld [tilespmem:s10+$0x220]  }
0x245: {  	v11 =	vmul.f32 v11, v8;
	v16 =	vld [tilespmem:s10+$0x2A0]  }
0x246: {  	v12 =	vmul.f32 v12, v3;
	v17 =	vld [tilespmem:s10+$0x320]  }
0x247: {  	v13 =	vmul.f32 v13, v5;
	v18 =	vld [tilespmem:s10+$0x3A0]  }
0x248: {  	v14 =	vmul.f32 v14, v6  }
0x249: {  	v11 =	vadd.f32 v13, v11;
	v13 =	vmul.f32 v15, v7  }
0x24a: {  	v15 =	vmul.f32 v16, v4  }
0x24b: {  	v11 =	vadd.f32 v12, v11;
	v12 =	vmul.f32 v17, v9  }
0x24c: {  	v16 =	vmul.f32 v18, v10  }
0x24d: {  	v11 =	vadd.f32 v14, v11;
	_ =	sdelay $0x1  }
0x24e: {  	v11 =	vadd.f32 v13, v11;
	_ =	sdelay $0x1  }
0x24f: {  	v11 =	vadd.f32 v15, v11;
	_ =	sdelay $0x1  }
0x250: {  	v11 =	vadd.f32 v12, v11;
	_ =	sdelay $0x1  }
0x251: {  	v11 =	vadd.f32 v16, v11;
	_ =	sdelay $0x1  }
0x252: {  	[tilespmem:s2+$0xC4A0] =	vst v11  }
0x253: {  	v11 =	vld [tilespmem:s10+$0x30]  }
0x254: {  	v12 =	vld [tilespmem:s10+$0xB0]  }
0x255: {  	v13 =	vld [tilespmem:s10+$0x130]  }
0x256: {  	v14 =	vld [tilespmem:s10+$0x230]  }
0x257: {  	v15 =	vld [tilespmem:s10+$0x1B0]  }
0x258: {  	v11 =	vmul.f32 v11, v8;
	v16 =	vld [tilespmem:s10+$0x2B0]  }
0x259: {  	v12 =	vmul.f32 v12, v5;
	v17 =	vld [tilespmem:s10+$0x330]  }
0x25a: {  	v13 =	vmul.f32 v13, v3;
	v18 =	vld [tilespmem:s10+$0x3B0]  }
0x25b: {  	v11 =	vadd.f32 v12, v11;
	v12 =	vmul.f32 v14, v7;
	_ =	sdelay $0x1  }
0x25c: {  	v11 =	vadd.f32 v13, v11;
	v13 =	vmul.f32 v15, v6;
	v14 =	vmul.f32 v16, v4  }
0x25d: {  	v15 =	vmul.f32 v17, v9  }
0x25e: {  	v11 =	vadd.f32 v13, v11;
	v13 =	vmul.f32 v18, v10;
	_ =	sdelay $0x1  }
0x25f: {  	v11 =	vadd.f32 v12, v11;
	_ =	sdelay $0x1  }
0x260: {  	v11 =	vadd.f32 v14, v11;
	_ =	sdelay $0x1  }
0x261: {  	v11 =	vadd.f32 v15, v11;
	_ =	sdelay $0x1  }
0x262: {  	v11 =	vadd.f32 v13, v11;
	_ =	sdelay $0x1  }
0x263: {  	[tilespmem:s2+$0xC4B0] =	vst v11  }
0x264: {  	v11 =	vld [tilespmem:s10+$0x40]  }
0x265: {  	v12 =	vld [tilespmem:s10+$0xC0]  }
0x266: {  	v13 =	vld [tilespmem:s10+$0x1C0]  }
0x267: {  	v14 =	vld [tilespmem:s10+$0x140]  }
0x268: {  	v15 =	vld [tilespmem:s10+$0x2C0]  }
0x269: {  	v11 =	vmul.f32 v11, v8;
	v16 =	vld [tilespmem:s10+$0x240]  }
0x26a: {  	v12 =	vmul.f32 v12, v5;
	v17 =	vld [tilespmem:s10+$0x340]  }
0x26b: {  	v13 =	vmul.f32 v13, v6;
	v18 =	vld [tilespmem:s10+$0x3C0]  }
0x26c: {  	v11 =	vadd.f32 v12, v11;
	v12 =	vmul.f32 v14, v3;
	_ =	sdelay $0x1  }
0x26d: {  	v11 =	vadd.f32 v12, v11  }
0x26e: {  	v12 =	vmul.f32 v17, v9  }
0x26f: {  	v11 =	vadd.f32 v13, v11;
	v13 =	vmul.f32 v16, v7;
	v14 =	vmul.f32 v18, v10;
	_ =	sdelay $0x1  }
0x270: {  	v11 =	vadd.f32 v13, v11;
	v13 =	vmul.f32 v15, v4;
	_ =	sdelay $0x1  }
0x271: {  	v11 =	vadd.f32 v13, v11;
	_ =	sdelay $0x1  }
0x272: {  	v11 =	vadd.f32 v12, v11;
	_ =	sdelay $0x1  }
0x273: {  	v11 =	vadd.f32 v14, v11;
	_ =	sdelay $0x1  }
0x274: {  	[tilespmem:s2+$0xC4C0] =	vst v11  }
0x275: {  	v11 =	vld [tilespmem:s10+$0x50]  }
0x276: {  	v12 =	vld [tilespmem:s10+$0xD0]  }
0x277: {  	v13 =	vld [tilespmem:s10+$0x150]  }
0x278: {  	v14 =	vld [tilespmem:s10+$0x1D0]  }
0x279: {  	v15 =	vld [tilespmem:s10+$0x250]  }
0x27a: {  	v11 =	vmul.f32 v11, v8;
	v16 =	vld [tilespmem:s10+$0x2D0]  }
0x27b: {  	v12 =	vmul.f32 v12, v5;
	v17 =	vld [tilespmem:s10+$0x350]  }
0x27c: {  	v13 =	vmul.f32 v13, v3;
	v18 =	vld [tilespmem:s10+$0x3D0]  }
0x27d: {  	v11 =	vadd.f32 v12, v11;
	v12 =	vmul.f32 v14, v6  }
0x27e: {  	v14 =	vmul.f32 v15, v7  }
0x27f: {  	v11 =	vadd.f32 v13, v11;
	v13 =	vmul.f32 v16, v4  }
0x280: {  	v15 =	vmul.f32 v17, v9  }
0x281: {  	v11 =	vadd.f32 v12, v11;
	v12 =	vmul.f32 v18, v10;
	_ =	sdelay $0x1  }
0x282: {  	v11 =	vadd.f32 v14, v11;
	_ =	sdelay $0x1  }
0x283: {  	v11 =	vadd.f32 v13, v11;
	_ =	sdelay $0x1  }
0x284: {  	v11 =	vadd.f32 v15, v11;
	_ =	sdelay $0x1  }
0x285: {  	v11 =	vadd.f32 v12, v11;
	_ =	sdelay $0x1  }
0x286: {  	[tilespmem:s2+$0xC4D0] =	vst v11  }
0x287: {  	v11 =	vld [tilespmem:s10+$0x60]  }
0x288: {  	v12 =	vld [tilespmem:s10+$0xE0]  }
0x289: {  	v13 =	vld [tilespmem:s10+$0x160]  }
0x28a: {  	v14 =	vld [tilespmem:s10+$0x1E0]  }
0x28b: {  	v15 =	vld [tilespmem:s10+$0x260]  }
0x28c: {  	v11 =	vmul.f32 v11, v8;
	v16 =	vld [tilespmem:s10+$0x2E0]  }
0x28d: {  	v12 =	vmul.f32 v12, v5;
	v17 =	vld [tilespmem:s10+$0x360]  }
0x28e: {  	v13 =	vmul.f32 v13, v3;
	v18 =	vld [tilespmem:s10+$0x3E0]  }
0x28f: {  	v11 =	vadd.f32 v12, v11  }
0x290: {  	v12 =	vmul.f32 v15, v7  }
0x291: {  	v11 =	vadd.f32 v13, v11;
	v13 =	vmul.f32 v14, v6;
	v14 =	vmul.f32 v16, v4  }
0x292: {  	v15 =	vmul.f32 v17, v9  }
0x293: {  	v11 =	vadd.f32 v13, v11;
	v13 =	vmul.f32 v18, v10;
	_ =	sdelay $0x1  }
0x294: {  	v11 =	vadd.f32 v12, v11;
	_ =	sdelay $0x1  }
0x295: {  	v11 =	vadd.f32 v14, v11;
	_ =	sdelay $0x1  }
0x296: {  	v11 =	vadd.f32 v15, v11;
	_ =	sdelay $0x1  }
.Ltmp0:
0x297: {  	v11 =	vadd.f32 v13, v11;
	(pc) =	sbr.rel @p0 .LBB2_3-.Ltmp0, $4  }
0x298: {  	_ = 	snop  }
0x299: {  	[tilespmem:s2+$0xC4E0] =	vst v11  }
0x29a: {  	v11 =	vld [tilespmem:s10+$0x70]  }
0x29b: {  	v12 =	vld [tilespmem:s10+$0xF0]  }
0x29c: {  	_ = 	snop  }
0x29d: {  	v13 =	vld [tilespmem:s8+$0x170];
	_ =	sdelay $0x1  }
0x29e: {  	v14 =	vld [tilespmem:s8+$0x1F0]  }
0x29f: {  	v8 =	vmul.f32 v11, v8;
	v5 =	vmul.f32 v12, v5  }
0x2a0: {  	v59 =	vld [tilespmem:s8+$0x270]  }
0x2a1: {  	v3 =	vmul.f32 v13, v3;
	v5 =	vadd.f32 v5, v8  }
0x2a2: {  	v60 =	vld [tilespmem:s8+$0x2F0]  }
0x2a3: {  	v6 =	vmul.f32 v14, v6;
	v3 =	vadd.f32 v3, v5  }
0x2a4: {  	v61 =	vld [tilespmem:s8+$0x370]  }
0x2a5: {  	v7 =	vmul.f32 v59, v7;
	v3 =	vadd.f32 v6, v3  }
0x2a6: {  	v62 =	vld [tilespmem:s8+$0x3F0]  }
0x2a7: {  	v4 =	vmul.f32 v60, v4;
	v3 =	vadd.f32 v7, v3;
	_ =	sdelay $0x1  }
0x2a8: {  	v5 =	vmul.f32 v61, v9;
	v3 =	vadd.f32 v4, v3;
	_ =	sdelay $0x1  }
0x2a9: {  	v63 =	vmul.f32 v62, v10;
	v3 =	vadd.f32 v5, v3;
	_ =	sdelay $0x1  }
0x2aa: {  	s31 =	sadd.s32 $0x1, s31;
	v3 =	vadd.f32 v63, v3  }
0x2ab: {  	s0 =	sshll.u32 s0, $0x5;
	s11 =	rddreg [dreg:$0x2];
	p0 =	sne.s32 s31, $0x8  }
.Ltmp1:
0x2ac: {  	s30 =	simm.s32 $0x0;
	s0 =	sadd.s32 s11, s0;
	[tilespmem:s2+$0xC4F0] =	vst v3;
	(pc) =	sbr.rel @p0 .LBB2_2-.Ltmp1, $4  }
0x2ad: {  	[hbm4b:s0+s30] =	stream.linear.scatter [tilespmem:s29], [sflag:$0x2], $0x1000, $0x38;
	[tilespmem:$0xD080] =	vst v63  }
0x2ae: {  	_ =	swait.ge [sflag:s9], $0x1000  }
0x2af: {  	[sflag:s9] =	ssyncset.done $0x0  }
0x2b0: {  	[sflag:s9] =	ssyncadd.s32 $0xFFFFF000  }
0x2b1: {  	s2 =	rddreg [dreg:$0x5]  }
0x2b2: {  	s0 =	rddreg [dreg:$0x4];
	s2 =	sadd.s32 $0x1, s2  }
0x2b3: {  	p0 =	sne.s32 s2, s0  }
.Ltmp2:
0x2b4: {  	_ = 	snop;
	(pc) =	sbr.rel @p0 .LBB2_1-.Ltmp2, $1  }
0x2b5: {  	_ =	sdelay $0x3  }
0x2b6: {  	_ =	sfence.sel $0x180000  }
0x2b7: {  	[bflag:$0x0] =	sbarrier.arrive $0xFFFF  }
0x2b8: {  	_ =	strace $0x9000004A  }
0x2b9: {  	s0 =	stileid.u32;
	[bflag:$0x2] =	sbarrier.arrive $0xFFFF  }
0x2ba: {  	p0 =	sne.s32 s0, $0x0;
	s0 =	rddreg [dreg:$0x3]  }
0x2bb: {  	s0 =	sadd.s32 @!p0 $0x100000, s0  }
0x2bc: {  	[sflag:s0] =	ssyncadd.tile.s32 @!p0 $0x1;
	_ =	shalt  }
.Lfunc_end2:
_tile_overlayer_lowered:
.L_overlay_start_2:
0x2bd: {  	(tag) =	ssettag $0x2  }
0x2be: {  	s0 =	rddreg [dreg:$0x0];
	s2 =	stileid.u32  }
0x2bf: {  	s1 =	rddreg [dreg:$0x1];
	p0 =	sne.s32 s2, $0x0  }
0x2c0: {  	s3 =	rddreg [dreg:$0x2];
	[bflag:$0x3] =	sbarrier.arrive $0xFFFF;
	s2 =	simm.s32 @!p0 $0x1C02  }
0x2c1: {  	[timem:s3], [sflag:s2] =	dma.local @!p0 [hbm:s0], s1  }
0x2c2: {  	s0 =	simm.s32 @!p0 $0x2  }
0x2c3: {  	_ =	swait.ge @!p0 [sflag:s0], s1  }
0x2c4: {  	s1 =	ssub.s32 @!p0 $0x0, s1;
	[sflag:s0] =	ssyncset.done @!p0 $0x0  }
0x2c5: {  	[sflag:s0] =	ssyncadd.s32 @!p0 s1  }
0x2c6: {  	[bflag:$0x3] =	sbarrier.arrive $0xFFFF  }
0x2c7: {  	_ =	shalt  }

// kernel: kernel.7.cloned.1.call-start
scs
__scs_entry_jumppad:
0x0: {  	(pc) =	sbr.rel $0x88, $3  }
0x1: {  	(tag) =	ssettag $0x0;
	lr =	simm.s32 $0x1  }
0x2: {  	[smem:$0x3F9E] =	sst lr;
	_ =	strace $0xD0000000  }
0x3: {  	_ = 	snop  }
0x4: {  	_ = 	snop  }
0x5: {  	_ = 	snop  }
0x6: {  	_ = 	snop  }
0x7: {  	_ = 	snop  }
__scs_overlays_trampoline_lowered:
0x8: {  	[smem:$0x3FAD] =	sst s0  }
0x9: {  	[smem:$0x3FAE] =	sst s1  }
0xa: {  	[smem:$0x3FAF] =	sst s2  }
0xb: {  	[smem:$0x3FB0] =	sst s3  }
0xc: {  	[smem:$0x3FB1] =	sst s4  }
0xd: {  	[smem:$0x3FB2] =	sst s5  }
0xe: {  	[smem:$0x3FB3] =	sst s6  }
0xf: {  	[smem:$0x3FB4] =	sst s7  }
0x10: {  	[smem:$0x3FB5] =	sst s8  }
0x11: {  	[smem:$0x3FB6] =	sst s9;
	s0 =	simm.s32 @!p0 $0x0  }
0x12: {  	s1 =	sld [smem:$0x3F9C];
	s0 =	simm.s32 @p0 $0x1  }
0x13: {  	[smem:$0x3FB7] =	sst s0;
	s0 =	simm.s32 @!p1 $0x0  }
0x14: {  	s2 =	sld [smem:$0x3F9B];
	s0 =	simm.s32 @p1 $0x1  }
0x15: {  	[smem:$0x3FB8] =	sst s0;
	s0 =	simm.s32 @!p2 $0x0  }
0x16: {  	s3 =	sld [smem:$0x3FDB];
	s0 =	simm.s32 @p2 $0x1  }
0x17: {  	s4 =	simm.s32 $0x1BF5;
	[smem:$0x3FBA] =	sst s0  }
0x18: {  	s0 =	sld [smem:$0x3F9D];
	_ =	swait.ge [sflag:s4], $0x0  }
0x19: {  	s7 =	sld [smem:$0x3F9E]  }
0x1a: {  	s8 =	sadd.s32 $0xFFFFE003, lr  }
0x1b: {  	s9 =	sadd.s32 $0xFFFFFEF7, lr;
	s5 =	simm.s32 $0xFFFFFFFF;
	p2 =	slt.u32 s8, $0xFFFFF086  }
0x1c: {  	p1 =	slt.u32 s9, $0xF7A;
	s5 =	simm.s32 @!p2 $0x0  }
0x1d: {  	s5 =	simm.s32 @p1 $0x1;
	p0 =	seq.s32 s7, s2  }
0x1e: {  	s7 =	smul.u32 @!p0 $0xF7A, s2;
	p2 =	seq.s32 @!p0 s5, $0x0  }
0x1f: {  	s9 =	smul.u32 $0xF7A, s1;
	s8 =	simm.s32 @!p0 $0x1BF5;
	p2 =	por !p2, p0  }
0x20: {  	[sflag:s8] =	ssyncset.s32 @!p0 $0xFFFFF086;
	s6 =	sadd.s32 @!p0 s3, s7;
	s7 =	simm.s32 @!p0 $0x108  }
0x21: {  	s3 =	sadd.s32 s3, s9;
	s6 =	sadd.s32 @!p0 $0x88, s6;
	s7 =	simm.s32 @p2 $0x1082  }
0x22: {  	[simem:s7], [sflag:s8] =	dma.local @!p0 [hbm:s6], $0xF7A  }
0x23: {  	s9 =	sor.u32 $0xD0000000, s2;
	s6 =	simm.s32 $0x108;
	_ =	swait.ge @!p0 [sflag:s8], $0x0  }
0x24: {  	s3 =	sadd.s32 $0x88, s3;
	s6 =	simm.s32 @!p1 $0x1082;
	[sflag:s4] =	ssyncset.s32 $0xFFFFF086  }
0x25: {  	[simem:s6], [sflag:s4] =	dma.local [hbm:s3], $0xF7A  }
0x26: {  	[smem:$0x3F9E] =	sst s1;
	(tag) =	ssettag s2;
	_ =	strace s9  }
0x27: {  	s1 =	sld [smem:$0x3FAE]  }
0x28: {  	s2 =	sld [smem:$0x3FAF]  }
0x29: {  	s4 =	sld [smem:$0x3FB1]  }
0x2a: {  	p0 =	seq.s32 s5, $0x0;
	s5 =	sld [smem:$0x3FB2]  }
0x2b: {  	s6 =	sld [smem:$0x3FB3]  }
0x2c: {  	s7 =	sld [smem:$0x3FB4]  }
0x2d: {  	s3 =	simm.s32 $0x108;
	s8 =	sld [smem:$0x3FB5]  }
0x2e: {  	s3 =	simm.s32 @!p0 $0x1082;
	s9 =	sld [smem:$0x3FB6]  }
0x2f: {  	lr =	sadd.s32 s0, s3;
	s0 =	sld [smem:$0x3FAD]  }
0x30: {  	s3 =	sld [smem:$0x3FB0]  }
0x31: {  	[smem:$0x3FB9] =	sst s10  }
0x32: {  	s10 =	sld [smem:$0x3FB7];
	_ =	sdelay $0x3  }
0x33: {  	p0 =	seq.s32 s10, $0x1;
	s10 =	sld [smem:$0x3FB9];
	_ =	sdelay $0x3  }
0x34: {  	[smem:$0x3FB9] =	sst s10  }
0x35: {  	s10 =	sld [smem:$0x3FB8];
	_ =	sdelay $0x3  }
0x36: {  	p1 =	seq.s32 s10, $0x1;
	s10 =	sld [smem:$0x3FB9];
	_ =	sdelay $0x3  }
0x37: {  	[smem:$0x3FB9] =	sst s10  }
0x38: {  	s10 =	sld [smem:$0x3FBA]  }
0x39: {  	_ = 	snop;
	(pc) =	sbr.ind lr, $3  }
0x3a: {  	_ = 	snop  }
0x3b: {  	_ = 	snop  }
0x3c: {  	p2 =	seq.s32 s10, $0x1;
	s10 =	sld [smem:$0x3FB9]  }
0x3d: {  	_ =	shalt  }
0x3e: {  	_ =	shalt  }
0x3f: {  	_ =	shalt  }
0x40: {  	_ =	shalt  }
0x41: {  	_ =	shalt  }
0x42: {  	_ =	shalt  }
0x43: {  	_ =	shalt  }
0x44: {  	_ =	shalt  }
0x45: {  	_ =	shalt  }
0x46: {  	_ =	shalt  }
0x47: {  	_ =	shalt  }
0x48: {  	_ =	shalt  }
0x49: {  	_ =	shalt  }
0x4a: {  	_ =	shalt  }
0x4b: {  	_ =	shalt  }
0x4c: {  	_ =	shalt  }
0x4d: {  	_ =	shalt  }
0x4e: {  	_ =	shalt  }
0x4f: {  	_ =	shalt  }
0x50: {  	_ =	shalt  }
0x51: {  	_ =	shalt  }
0x52: {  	_ =	shalt  }
0x53: {  	_ =	shalt  }
0x54: {  	_ =	shalt  }
0x55: {  	_ =	shalt  }
0x56: {  	_ =	shalt  }
0x57: {  	_ =	shalt  }
0x58: {  	_ =	shalt  }
0x59: {  	_ =	shalt  }
0x5a: {  	_ =	shalt  }
0x5b: {  	_ =	shalt  }
0x5c: {  	_ =	shalt  }
0x5d: {  	_ =	shalt  }
0x5e: {  	_ =	shalt  }
0x5f: {  	_ =	shalt  }
0x60: {  	_ =	shalt  }
0x61: {  	_ =	shalt  }
0x62: {  	_ =	shalt  }
0x63: {  	_ =	shalt  }
0x64: {  	_ =	shalt  }
0x65: {  	_ =	shalt  }
0x66: {  	_ =	shalt  }
0x67: {  	_ =	shalt  }
0x68: {  	_ =	shalt  }
0x69: {  	_ =	shalt  }
0x6a: {  	_ =	shalt  }
0x6b: {  	_ =	shalt  }
0x6c: {  	_ =	shalt  }
0x6d: {  	_ =	shalt  }
0x6e: {  	_ =	shalt  }
0x6f: {  	_ =	shalt  }
0x70: {  	_ =	shalt  }
0x71: {  	_ =	shalt  }
0x72: {  	_ =	shalt  }
0x73: {  	_ =	shalt  }
0x74: {  	_ =	shalt  }
0x75: {  	_ =	shalt  }
0x76: {  	_ =	shalt  }
0x77: {  	_ =	shalt  }
0x78: {  	_ =	shalt  }
0x79: {  	_ =	shalt  }
0x7a: {  	_ =	shalt  }
0x7b: {  	_ =	shalt  }
0x7c: {  	_ =	shalt  }
0x7d: {  	_ =	shalt  }
0x7e: {  	_ =	shalt  }
0x7f: {  	_ =	shalt  }
0x80: {  	_ =	shalt  }
0x81: {  	_ =	shalt  }
0x82: {  	_ =	shalt  }
0x83: {  	_ =	shalt  }
0x84: {  	_ =	shalt  }
0x85: {  	_ =	shalt  }
0x86: {  	_ =	shalt  }
0x87: {  	_ =	shalt  }
.Lfunc_end0:
.L_simem_size_0:
called_computation_lowered:
.L_overlay_start_0:
0x88: {  	s2 =	sld [smem:$0x3FD9]  }
0x89: {  	s3 =	sld [smem:$0x3FFE];
	_ =	sdelay $0x1  }
0x8a: {  	s1 =	srdreg.scid  }
0x8b: {  	s0 =	sand.u32 $0x1, s1  }
0x8c: {  	s16 =	sshll.u32 s0, $0xA;
	s2 =	sadd.s32 s3, s2  }
0x8d: {  	s2 =	sadd.s32 s2, s16  }
0x8e: {  	[smem:$0x3FC5] =	sst s2  }
0x8f: {  	_ = 	snop  }
0x90: {  	(tm) =	ssettm $0x1  }
0x91: {  	s17 =	sld [smem:$0x3FFB];
	_ =	sdelay $0x3  }
0x92: {  	_ =	strace s17  }
0x93: {  	s2 =	sld [smem:$0x3FFC];
	_ =	sdelay $0x3  }
0x94: {  	_ =	strace s2  }
0x95: {  	s2 =	sld [smem:$0x3FFD];
	_ =	sdelay $0x3  }
0x96: {  	_ =	strace s2  }
0x97: {  	_ =	strace $0x8FFFFFFF  }
0x98: {  	s18 =	sld [smem:$0x3FDB];
	_ =	sdelay $0x1  }
0x99: {  	s19 =	simm.s32 $_scs_section_size  }
0x9a: {  	s4 =	simm.s32 $_size__tile_overlayer_lowered;
	s5 =	simm.s32 $_tile_overlayer_lowered  }
0x9b: {  	s22 =	simm.s32 $0x1BFF;
	s21 =	sshll.u32 s5, $0x1;
	s2 =	sadd.s32 s19, s18  }
0x9c: {  	s6 =	simm.s32 $0x0;
	s20 =	sshll.u32 s4, $0x1;
	s4 =	sadd.s32 s21, s2  }
0x9d: {  	[timem:s6], [sflag:s22] =	dma.local [hbm:s4], s20  }
0x9e: {  	_ =	swait.ge [sflag:s22], s20  }
0x9f: {  	s3 =	ssub.s32 $0x0, s20;
	[sflag:s22] =	ssyncset.done $0x0  }
0xa0: {  	[sflag:s22] =	ssyncadd.s32 s3;
	_ =	sdelay $0x1  }
0xa1: {  	s23 =	simm.s32 $0x1B8B  }
0xa2: {  	_ =	swait.ge [sflag:s23], $0x1  }
0xa3: {  	[sflag:s23] =	ssyncset.done $0x0  }
0xa4: {  	s25 =	simm.s32 $0x1B8E;
	s24 =	sld [smem:$0x3FFE];
	[sflag:s23] =	ssyncadd.s32 $0xFFFFFFFF  }
0xa5: {  	s26 =	simm.s32 $execute0_lowered;
	[smem:$0x3FD2] =	sst s25  }
0xa6: {  	s4 =	sshll.u32 s26, $0x1;
	_ =	strace $0x80000046;
	[dreg:$0x1] =	wrdreg $0xFFFFFFFF  }
0xa7: {  	s28 =	simm.s32 $_size_execute0_lowered;
	s2 =	sadd.s32 s2, s4;
	[dreg:$0x0] =	wrdreg $0x0  }
0xa8: {  	s4 =	sshll.u32 s28, $0x1;
	[dreg:$0x2] =	wrdreg s2  }
0xa9: {  	[dreg:$0x3] =	wrdreg s4  }
0xaa: {  	[dreg:$0x4] =	wrdreg $0xC0  }
0xab: {  	_ =	task [dreg:s6], $0x5FFFF  }
0xac: {  	[dreg:$0x1] =	wrdreg $0xFFFFFFFF  }
0xad: {  	[dreg:$0x0] =	wrdreg $0x60  }
0xae: {  	[dreg:$0x2] =	wrdreg s24  }
0xaf: {  	[dreg:$0x3] =	wrdreg $0x9  }
0xb0: {  	_ =	task.clear_ibuf [dreg:s6], $0x4FFFF;
	_ =	strace $0x90000046  }
0xb1: {  	s29 =	simm.s32 $0x9;
	_ =	strace $0x80000048  }
0xb2: {  	_ =	swait.ge [sflag:s29], $0x1  }
0xb3: {  	[sflag:s29] =	ssyncadd.s32 $0xFFFFFFFF  }
0xb4: {  	_ =	strace $0x90000048  }
0xb5: {  	_ =	sfence  }
0xb6: {  	s30 =	sld [smem:$0x0];
	_ =	sdelay $0x2  }
0xb7: {  	s31 =	sshll.u32 s1, $0xD;
	s1 =	sshrl.u32 s1, $0x2  }
0xb8: {  	s3 =	sand.u32 $0x4000, s31;
	s1 =	sadd.s32 s1, s30  }
0xb9: {  	s0 =	sor.u32 s3, s0;
	s1 =	sshll.u32 s1, $0x11  }
0xba: {  	s0 =	sor.u32 s1, s0  }
0xbb: {  	s0 =	sadd.s32 $0x8F2B, s0  }
0xbc: {  	[sflag:s0] =	ssyncadd.remote.s32 $0x1  }
0xbd: {  	_ =	sfence.sel $0xFFFF  }
0xbe: {  	[dreg:$0x0] =	wrdreg $0xFFFFFFFF;
	(pc) =	sbr.abs _section_cstart, $3  }
0xbf: {  	[dreg:$0x1] =	wrdreg $0xFFFFFFFF  }
0xc0: {  	_ =	task.clear_ibuf [dreg:s6], $0x2FFFF;
	_ =	strace $0x9FFFFFFF  }
0xc1: {  	(tm) =	ssettm $0x7FFFFFFF  }
tec
execute0_lowered:
.L_overlay_start_1:
0x0: {  	(tag) =	ssettag $0x1  }
0x1: {  	s4 =	rddreg [dreg:$0x0]  }
0x2: {  	s0 =	rddreg [dreg:$0x1];
	s2 =	simm.s32 $0x0;
	s3 =	srdreg.scid  }
0x3: {  	s1 =	stileid.u32;
	s10 =	simm.s32 $0x0;
	[smem:$0x7FF] =	sst s2  }
0x4: {  	s5 =	sand.u32 $0x1, s3;
	s6 =	sshll.u32 s1, $0xB;
	s3 =	sadd.s32 $0x2201200, s4  }
0x5: {  	s8 =	sshll.u32 s1, $0xF;
	_ =	strace $0x80000047;
	s7 =	sshll.u32 s5, $0xA  }
0x6: {  	s31 =	ssub.s32 $0x2, s5;
	s8 =	sadd.s32 s8, s4;
	s5 =	sshll.u32 s5, $0xE  }
0x7: {  	s6 =	sor.u32 s7, s6;
	s9 =	sshrl.u32 s31, $0x1;
	s5 =	sadd.s32 s5, s8  }
0x8: {  	s8 =	simm.s32 $0x80;
	s6 =	sshrl.u32 s6, $0x3;
	s7 =	ssub.s32 s31, s9  }
0x9: {  	s5 =	sadd.s32 $0x2200, s5;
	s9 =	simm.s32 $0x1;
	s6 =	sadd.s32 s6, s4  }
0xa: {  	s4 =	smax.u32 s7, $0x1;
	s7 =	simm.s32 $0x2;
	s6 =	sadd.s32 $0x1200, s6  }
.LBB2_1:
0xb: {  	s11 =	sadd.s32 $0x0, s6  }
0xc: {  	[tilespmem:s2], [sflag:$0x2] =	stream.linear.gather [hbm4b:s11+s2], $0x80, $0x38;
	[tilespmem:$0x4080] =	vst v63  }
0xd: {  	_ =	swait.ge [sflag:s7], $0x80  }
0xe: {  	[sflag:s7] =	ssyncset.done $0x0  }
0xf: {  	[sflag:s7] =	ssyncadd.s32 $0xFFFFFF80  }
0x10: {  	[tilespmem:s8], [sflag:$0x1] =	stream.indirect.gather [hbm4b:s3+s8], $0x80, s2, s8, $0xb8;
	[tilespmem:$0x4080] =	vst v63  }
0x11: {  	_ =	swait.ge [sflag:s9], $0x4000  }
0x12: {  	[sflag:s9] =	ssyncset.done $0x0  }
0x13: {  	[sflag:s9] =	ssyncadd.s32 $0xFFFFC000  }
0x14: {  	[hbm4b:s5+s2] =	stream.linear.scatter [tilespmem:s8], [sflag:$0x2], $0x4000, $0x38;
	[tilespmem:$0x4080] =	vst v63  }
0x15: {  	s12 =	simm.s32 $0x10;
	_ =	swait.ge [sflag:s7], $0x4000  }
0x16: {  	s13 =	simm.s32 $0x20;
	s11 =	sadd.s32 $0x800, s5;
	[sflag:s7] =	ssyncset.done $0x0  }
.LBB2_2:
0x17: {  	s14 =	sadd.s32 s12, s6  }
0x18: {  	[sflag:s7] =	ssyncadd.s32 $0xFFFFC000;
	s12 =	smov.u32 s13;
	s15 =	sadd.s32 $0x10, s13  }
0x19: {  	[tilespmem:s2], [sflag:$0x2] =	stream.linear.gather [hbm4b:s14+s2], $0x80, $0x38;
	[tilespmem:$0x4080] =	vst v63  }
0x1a: {  	p0 =	sne.s32 s13, $0x70;
	_ =	swait.ge [sflag:s7], $0x80  }
0x1b: {  	[sflag:s7] =	ssyncset.done $0x0  }
0x1c: {  	[sflag:s7] =	ssyncadd.s32 $0xFFFFFF80  }
0x1d: {  	[tilespmem:s8], [sflag:$0x1] =	stream.indirect.gather [hbm4b:s3+s8], $0x80, s2, s8, $0xb8;
	[tilespmem:$0x4080] =	vst v63  }
0x1e: {  	_ =	swait.ge [sflag:s9], $0x4000  }
.Ltmp0:
0x1f: {  	[sflag:s9] =	ssyncset.done $0x0;
	(pc) =	sbr.rel @p0 .LBB2_2-.Ltmp0, $4  }
0x20: {  	[sflag:s9] =	ssyncadd.s32 $0xFFFFC000  }
0x21: {  	[hbm4b:s11+s2] =	stream.linear.scatter [tilespmem:s8], [sflag:$0x2], $0x4000, $0x38;
	[tilespmem:$0x4080] =	vst v63  }
0x22: {  	_ =	swait.ge [sflag:s7], $0x4000  }
0x23: {  	s13 =	smov.u32 s15;
	s11 =	sadd.s32 $0x800, s11;
	[sflag:s7] =	ssyncset.done $0x0  }
0x24: {  	s12 =	sadd.s32 s12, s6;
	[sflag:s7] =	ssyncadd.s32 $0xFFFFC000  }
0x25: {  	[tilespmem:s2], [sflag:$0x2] =	stream.linear.gather [hbm4b:s12+s2], $0x80, $0x38;
	[tilespmem:$0x4080] =	vst v63  }
0x26: {  	_ =	swait.ge [sflag:s7], $0x80  }
0x27: {  	[sflag:s7] =	ssyncset.done $0x0  }
0x28: {  	[sflag:s7] =	ssyncadd.s32 $0xFFFFFF80  }
0x29: {  	[tilespmem:s8], [sflag:$0x1] =	stream.indirect.gather [hbm4b:s3+s8], $0x80, s2, s8, $0xb8;
	[tilespmem:$0x4080] =	vst v63  }
0x2a: {  	s10 =	sadd.s32 $0x1, s10;
	_ =	swait.ge [sflag:s9], $0x4000  }
0x2b: {  	p0 =	sne.s32 s10, s4;
	[sflag:s9] =	ssyncset.done $0x0  }
.Ltmp1:
0x2c: {  	[sflag:s9] =	ssyncadd.s32 $0xFFFFC000;
	(pc) =	sbr.rel @p0 .LBB2_1-.Ltmp1, $4  }
0x2d: {  	[hbm4b:s11+s2] =	stream.linear.scatter [tilespmem:s8], [sflag:$0x2], $0x4000, $0x38;
	[tilespmem:$0x4080] =	vst v63  }
0x2e: {  	_ =	swait.ge [sflag:s7], $0x4000  }
0x2f: {  	[sflag:s7] =	ssyncset.done $0x0  }
0x30: {  	[sflag:s7] =	ssyncadd.s32 $0xFFFFC000  }
0x31: {  	_ =	sfence.sel $0x180000  }
0x32: {  	[bflag:$0x0] =	sbarrier.arrive $0xFFFF  }
0x33: {  	p0 =	sne.s32 s1, $0x0;
	_ =	strace $0x90000047  }
0x34: {  	s0 =	sadd.s32 @!p0 $0x100000, s0;
	[bflag:$0x2] =	sbarrier.arrive $0xFFFF  }
0x35: {  	[sflag:s0] =	ssyncadd.tile.s32 @!p0 $0x1;
	_ =	shalt  }
.Lfunc_end2:
_tile_overlayer_lowered:
.L_overlay_start_2:
0x36: {  	(tag) =	ssettag $0x2  }
0x37: {  	s0 =	rddreg [dreg:$0x0];
	s2 =	stileid.u32  }
0x38: {  	s1 =	rddreg [dreg:$0x1];
	p0 =	sne.s32 s2, $0x0  }
0x39: {  	s3 =	rddreg [dreg:$0x2];
	[bflag:$0x3] =	sbarrier.arrive $0xFFFF;
	s2 =	simm.s32 @!p0 $0x1C02  }
0x3a: {  	[timem:s3], [sflag:s2] =	dma.local @!p0 [hbm:s0], s1  }
0x3b: {  	s0 =	simm.s32 @!p0 $0x2  }
0x3c: {  	_ =	swait.ge @!p0 [sflag:s0], s1  }
0x3d: {  	s1 =	ssub.s32 @!p0 $0x0, s1;
	[sflag:s0] =	ssyncset.done @!p0 $0x0  }
0x3e: {  	[sflag:s0] =	ssyncadd.s32 @!p0 s1  }
0x3f: {  	[bflag:$0x3] =	sbarrier.arrive $0xFFFF  }
0x40: {  	_ =	shalt  }

</sc_bundles>
